<compile_context>
chip_gen: v7x
topology: tpu7x:2x2x1
jax: 0.10.2.dev20260603
libtpu: 0.0.44.dev20260713+nightly
codegen_flags: <defaults>
</compile_context>

<pallas_src>
import functools

import jax
import jax.numpy as jnp
from jax import lax
from jax.experimental import pallas as pl
from jax.experimental.pallas import tpu as pltpu
from jax.experimental.pallas import tpu_sc as plsc

NC = 2
NS = 16
NW = NC * NS

CHUNK = 128


def _sc_gather(tab, idx, n_rows, edim):
    idx_w = n_rows // NW
    half = idx_w // 2
    n_chunk = half // CHUNK

    mesh = plsc.VectorSubcoreMesh(core_axis_name="c", subcore_axis_name="s")

    @functools.partial(
        pl.kernel,
        mesh=mesh,
        compiler_params=pltpu.CompilerParams(use_tc_tiling_on_sc=False),
        out_type=jax.ShapeDtypeStruct((n_rows, edim), jnp.float32),
        scratch_types=[
            pltpu.VMEM((idx_w,), jnp.int32),
            pltpu.VMEM((2, half, edim), jnp.float32),
            pltpu.SemaphoreType.DMA,
            pltpu.SemaphoreType.DMA,
            pltpu.SemaphoreType.DMA,
            pltpu.SemaphoreType.DMA,
        ],
    )
    def k(tab_hbm, idx_hbm, out_hbm, idx_v, buf, g0, g1, o0, o1):
        wid = lax.axis_index("s") * NC + lax.axis_index("c")
        base = wid * idx_w
        gsems = (g0, g1)
        osems = (o0, o1)

        pltpu.sync_copy(idx_hbm.at[pl.ds(base, idx_w)], idx_v)

        def fire(b):
            def body(c, carry):
                off = pl.multiple_of(c * CHUNK, CHUNK)
                pltpu.async_copy(
                    tab_hbm.at[idx_v.at[pl.ds(b * half + off, CHUNK)]],
                    buf.at[b, pl.ds(off, CHUNK)],
                    gsems[b],
                )
                return carry

            lax.fori_loop(0, n_chunk, body, 0)

        def drain_gathers(b):
            pltpu.make_async_copy(
                tab_hbm.at[pl.ds(0, half)], buf.at[b], gsems[b]
            ).wait()

        def flush(b):
            pltpu.async_copy(
                buf.at[b], out_hbm.at[pl.ds(base + b * half, half)], osems[b]
            )

        def drain_flush(b):
            pltpu.make_async_copy(
                buf.at[b], out_hbm.at[pl.ds(base + b * half, half)], osems[b]
            ).wait()

        fire(0)
        fire(1)
        drain_gathers(0)
        flush(0)
        drain_gathers(1)
        flush(1)
        drain_flush(0)
        drain_flush(1)

    return k(tab, idx)


def _tc_transpose_table(tab_t, nt, vocab, edim):
    n_grp = 128 // edim
    super_w = n_grp * 128
    nsuper = -(-vocab // super_w)
    ksuper = 49
    gcols = -(-nsuper // ksuper)

    def body(in_ref, out_ref):
        x = in_ref[0]
        eye = jnp.eye(128, 128, dtype=jnp.float32)
        dn = (((0,), (0,)), ((), ()))
        for i in range(ksuper):
            x8 = jnp.concatenate(
                [x[:, i * super_w + s * 128:i * super_w + (s + 1) * 128]
                 for s in range(n_grp)],
                axis=0,
            )
            z = jax.lax.dot_general(
                x8, eye, dn, preferred_element_type=jnp.float32
            )
            out_ref[0, i * 128:(i + 1) * 128, :] = z

    return pl.pallas_call(
        body,
        grid=(nt, gcols),
        in_specs=[
            pl.BlockSpec((1, edim, ksuper * super_w), lambda j, b: (j, 0, b))
        ],
        out_specs=pl.BlockSpec(
            (1, ksuper * 128, 128), lambda j, b: (j, b, 0)
        ),
        out_shape=jax.ShapeDtypeStruct(
            (nt, gcols * ksuper * 128, 128), jnp.float32
        ),
    )(tab_t)


def _tc_mlp(qemb, pemb, db, a_q, a_p, w2, b2, w3, b3):
    bsz, ke = qemb.shape
    h1 = db.shape[1]
    h2 = w2.shape[1]
    bb = 2048
    grid = (bsz // bb,)

    def body(qe, pe, dbr, aq, ap, w2r, b2r, w3r, b3r, out):
        h = (
            jnp.dot(qe[...], aq[...], preferred_element_type=jnp.float32)
            + jnp.dot(pe[...], ap[...], preferred_element_type=jnp.float32)
            + dbr[...]
        )
        h = jnp.tanh(h)
        h = jnp.tanh(
            jnp.dot(h, w2r[...], preferred_element_type=jnp.float32) + b2r[...]
        )
        o = jnp.dot(h, w3r[...], preferred_element_type=jnp.float32) + b3r[...]
        out[...] = 1.0 / (1.0 + jnp.exp(-o))

    full = lambda shape: pl.BlockSpec(shape, lambda i: (0, 0))
    return pl.pallas_call(
        body,
        grid=grid,
        in_specs=[
            pl.BlockSpec((bb, ke), lambda i: (i, 0)),
            pl.BlockSpec((bb, ke), lambda i: (i, 0)),
            pl.BlockSpec((bb, h1), lambda i: (i, 0)),
            full(a_q.shape),
            full(a_p.shape),
            full(w2.shape),
            full((1, h2)),
            full(w3.shape),
            full((1, 1)),
        ],
        out_specs=pl.BlockSpec((bb, 1), lambda i: (i, 0)),
        out_shape=jax.ShapeDtypeStruct((bsz, 1), jnp.float32),
    )(qemb, pemb, db, a_q, a_p, w2, b2, w3, b3)


def kernel(que_inputs, pro_inputs, que_tables, pro_tables, W1, b1, W2, b2, W3, b3):
    bsz, qdim = que_inputs.shape
    pdim = pro_inputs.shape[1]
    nq, vocab, edim = que_tables.shape
    npro = pro_tables.shape[0]

    qt = _tc_transpose_table(jnp.transpose(que_tables, (0, 2, 1)), nq, vocab, edim)
    pt = _tc_transpose_table(jnp.transpose(pro_tables, (0, 2, 1)), npro, vocab, edim)
    vocab_pad = qt.shape[1] * qt.shape[2] // edim
    qflat = qt.reshape(nq * vocab_pad, edim)
    pflat = pt.reshape(npro * vocab_pad, edim)

    n_grp = 128 // edim
    super_w = n_grp * 128
    offs_q = (jnp.arange(nq, dtype=jnp.int32) * vocab_pad)[None, :]
    offs_p = (jnp.arange(npro, dtype=jnp.int32) * vocab_pad)[None, :]

    def _perm(v):
        return ((v // super_w) * super_w
                + (v % 128) * n_grp
                + (v // 128) % n_grp)

    qv = que_inputs[:, :nq].astype(jnp.int32)
    pv = pro_inputs[:, :npro].astype(jnp.int32)
    qidx = (_perm(qv) + offs_q).reshape(-1)
    pidx = (_perm(pv) + offs_p).reshape(-1)

    qrows = _sc_gather(qflat, qidx, bsz * nq, edim)
    prows = _sc_gather(pflat, pidx, bsz * npro, edim)
    qemb = qrows.reshape(bsz, nq * edim)
    pemb = prows.reshape(bsz, npro * edim)

    ne_q, ne_p = nq * edim, npro * edim
    a_q = W1[:ne_q]
    d_q = W1[ne_q : ne_q + (qdim - nq)]
    a_p = W1[ne_q + (qdim - nq) : ne_q + (qdim - nq) + ne_p]
    d_p = W1[ne_q + (qdim - nq) + ne_p :]
    db = que_inputs[:, nq:] @ d_q + pro_inputs[:, npro:] @ d_p + b1[None, :]

    return _tc_mlp(
        qemb, pemb, db,
        a_q, a_p, W2, b2.reshape(1, -1), W3, b3.reshape(1, -1),
    )

# --- scband reference (transcript-rebuilt; emitter-appended) ---
"""Pipeline reference for scband-simple-model-78580721648198 (READ-ONLY COPY).

The authoritative reference and input builder live on the scoring server;
editing this copy changes nothing except your own understanding.
"""

import jax, jax.numpy as jnp
import numpy as np

B = 16384
QDIM = 16
PDIM = 16
NQ = 13
NPRO = 13
VOCAB = 100000
EDIM = 16


def setup_inputs(seed: int = 0) -> dict:
    key = jax.random.key(seed)
    ks = jax.random.split(key, 10)
    que_inputs = jax.random.randint(ks[0], (B, QDIM), 0, VOCAB).astype(jnp.float32)
    pro_inputs = jax.random.randint(ks[1], (B, PDIM), 0, VOCAB).astype(jnp.float32)
    que_tables = jax.random.normal(ks[2], (NQ, VOCAB, EDIM), jnp.float32) * 0.05
    pro_tables = jax.random.normal(ks[3], (NPRO, VOCAB, EDIM), jnp.float32) * 0.05
    f_in = NQ * EDIM + (QDIM - NQ) + NPRO * EDIM + (PDIM - NPRO)
    W1 = jax.random.normal(ks[4], (f_in, 30), jnp.float32) * (1.0 / np.sqrt(f_in))
    b1 = jnp.zeros((30,), jnp.float32)
    W2 = jax.random.normal(ks[5], (30, 15), jnp.float32) * (1.0 / np.sqrt(30))
    b2 = jnp.zeros((15,), jnp.float32)
    W3 = jax.random.normal(ks[6], (15, 1), jnp.float32) * (1.0 / np.sqrt(15))
    b3 = jnp.zeros((1,), jnp.float32)
    return {
        'que_inputs': que_inputs, 'pro_inputs': pro_inputs,
        'que_tables': que_tables, 'pro_tables': pro_tables,
        'W1': W1, 'b1': b1, 'W2': W2, 'b2': b2, 'W3': W3, 'b3': b3,
    }


def _categorize(x, tables):
    # tables: [n_embs, vocab, edim]; x: [B, dim] with first n_embs columns categorical
    n = tables.shape[0]
    idx = x[:, :n].astype(jnp.int32)  # [B, n]
    embs = jax.vmap(lambda t, i: jnp.take(t, i, axis=0), in_axes=(0, 1), out_axes=1)(tables, idx)  # [B, n, edim]
    embs = embs.reshape(x.shape[0], n * tables.shape[2])
    return jnp.concatenate([embs, x[:, n:]], axis=1)


def reference(que_inputs, pro_inputs, que_tables, pro_tables, W1, b1, W2, b2, W3, b3):
    que_features = _categorize(que_inputs, que_tables)
    pro_features = _categorize(pro_inputs, pro_tables)
    h = jnp.concatenate([que_features, pro_features], axis=1)
    h = jnp.tanh(h @ W1 + b1)
    h = jnp.tanh(h @ W2 + b2)
    out = jax.nn.sigmoid(h @ W3 + b3)
    return out

if __name__ == "__main__":
    import jax
    _d = setup_inputs()
    print(jax.jit(kernel)(*tuple(_d.values())))

</pallas_src>

<mosaic_0001>
#map = affine_map<(d0, d1) -> (0, 0)>
#map1 = affine_map<(d0, d1) -> (0)>
module attributes {stable_mosaic.version = 14 : i64} {
  func.func @k(%arg0: i32, %arg1: i32, %arg2: memref<1304576x16xf32, #tpu.memory_space<hbm>>, %arg3: memref<212992xi32, #tpu.memory_space<hbm>>, %arg4: memref<212992x16xf32, #tpu.memory_space<hbm>>, %arg5: memref<6656xi32, #tpu.memory_space<vmem>>, %arg6: memref<2x3328x16xf32, #tpu.memory_space<vmem>>, %arg7: memref<!tpu.dma_semaphore, #tpu.memory_space<semaphore_mem>>, %arg8: memref<!tpu.dma_semaphore, #tpu.memory_space<semaphore_mem>>, %arg9: memref<!tpu.dma_semaphore, #tpu.memory_space<semaphore_mem>>, %arg10: memref<!tpu.dma_semaphore, #tpu.memory_space<semaphore_mem>>) attributes {dimension_semantics = [#tpu.dimension_semantics<core_parallel>, #tpu.dimension_semantics<subcore_parallel>], iteration_bounds = array<i64: 2, 16>, scalar_prefetch = 0 : i64, scratch_operands = 6 : i64, tpu.core_type = #tpu.core_type<sc_vector_subcore>, window_params = [{transform_indices = #map}, {transform_indices = #map1}, {transform_indices = #map}]} {
    %mul3A = arith.constant 2 : i32
    %mul3A_0 = arith.muli %arg1, %mul3A : i32
    %add3A = arith.addi %mul3A_0, %arg0 : i32
    %mul3A_1 = arith.constant 6656 : i32
    %mul3A_2 = arith.muli %add3A, %mul3A_1 : i32
    "tpu.region"() ({
      %run_scoped3A = tpu.sem_alloc : memref<!tpu.dma_semaphore, #tpu.memory_space<semaphore_mem>>
      %dma_start3A_102 = tpu.memref_slice %arg3[%mul3A_2] : memref<212992xi32, #tpu.memory_space<hbm>> -> memref<6656xi32, #tpu.memory_space<hbm>>
      %dma_start3A_103 = tpu.memref_slice %arg3[%mul3A_2] : memref<212992xi32, #tpu.memory_space<hbm>> -> memref<6656xi32, #tpu.memory_space<hbm>>
      tpu.enqueue_dma source(%dma_start3A_103 : memref<6656xi32, #tpu.memory_space<hbm>>) target(%arg5 : memref<6656xi32, #tpu.memory_space<vmem>>) target_semaphore(%run_scoped3A : memref<!tpu.dma_semaphore, #tpu.memory_space<semaphore_mem>>)
      %dma_wait3A_104 = tpu.memref_slice %arg3[%mul3A_2] : memref<212992xi32, #tpu.memory_space<hbm>> -> memref<6656xi32, #tpu.memory_space<hbm>>
      %dma_wait3A_105 = tpu.memref_slice %arg3[%mul3A_2] : memref<212992xi32, #tpu.memory_space<hbm>> -> memref<6656xi32, #tpu.memory_space<hbm>>
      tpu.wait_dma2 semaphore(%run_scoped3A : memref<!tpu.dma_semaphore, #tpu.memory_space<semaphore_mem>>) src(%dma_wait3A_105 : memref<6656xi32, #tpu.memory_space<hbm>>) dst(%arg5 : memref<6656xi32, #tpu.memory_space<vmem>>)
      tpu.yield
    }) : () -> ()
    %scan3A = arith.constant 0 : i32
    %scan3A_3 = arith.constant 0 : i32
    %scan3A_4 = arith.constant 26 : i32
    %scan3A_5 = arith.addi %scan3A_3, %scan3A_4 : i32
    %scan3A_6 = arith.constant 1 : i32
    scf.for %scan3A_102 = %scan3A_3 to %scan3A_5 step %scan3A_6  : i32 {
      %mul3A_103 = arith.constant 128 : i32
      %mul3A_104 = arith.muli %scan3A_102, %mul3A_103 : i32
      %multiple_of3A = tpu.assume_multiple %mul3A_104, 128 : i32
      %add3A_105 = arith.constant 0 : i32
      %add3A_106 = arith.addi %add3A_105, %multiple_of3A : i32
      %dma_start3A_107 = arith.constant 0 : i32
      %dma_start3A_108 = arith.constant 0 : i32
      %dma_start3A_109 = tpu.memref_slice %arg6[%dma_start3A_107, %multiple_of3A, %dma_start3A_108] : memref<2x3328x16xf32, #tpu.memory_space<vmem>> -> memref<1x128x16xf32, #tpu.memory_space<vmem>>
      %dma_start3A_110 = tpu.memref_squeeze %dma_start3A_109 : memref<1x128x16xf32, #tpu.memory_space<vmem>> -> memref<128x16xf32, #tpu.memory_space<vmem>>
      %dma_start3A_111 = tpu.memref_slice %arg5[%add3A_106] : memref<6656xi32, #tpu.memory_space<vmem>> -> memref<128xi32, #tpu.memory_space<vmem>>
      %dma_start3A_112 = arith.constant 0 : i32
      %dma_start3A_113 = arith.constant 0 : i32
      %dma_start3A_114 = tpu.memref_slice %arg2[%dma_start3A_112, %dma_start3A_113] : memref<1304576x16xf32, #tpu.memory_space<hbm>> -> memref<1304576x16xf32, #tpu.memory_space<hbm>>
      tpu.enqueue_indirect_dma source(%dma_start3A_114 : memref<1304576x16xf32, #tpu.memory_space<hbm>>) target(%dma_start3A_110 : memref<128x16xf32, #tpu.memory_space<vmem>>) offsets(%dma_start3A_111 : memref<128xi32, #tpu.memory_space<vmem>>) semaphore(%arg7 : memref<!tpu.dma_semaphore, #tpu.memory_space<semaphore_mem>>)
    }
    %scan3A_7 = arith.constant 26 : i32
    %scan3A_8 = arith.constant 0 : i32
    %scan3A_9 = arith.constant 0 : i32
    %scan3A_10 = arith.constant 26 : i32
    %scan3A_11 = arith.addi %scan3A_9, %scan3A_10 : i32
    %scan3A_12 = arith.constant 1 : i32
    scf.for %scan3A_102 = %scan3A_9 to %scan3A_11 step %scan3A_12  : i32 {
      %mul3A_103 = arith.constant 128 : i32
      %mul3A_104 = arith.muli %scan3A_102, %mul3A_103 : i32
      %multiple_of3A = tpu.assume_multiple %mul3A_104, 128 : i32
      %add3A_105 = arith.constant 3328 : i32
      %add3A_106 = arith.addi %add3A_105, %multiple_of3A : i32
      %dma_start3A_107 = arith.constant 1 : i32
      %dma_start3A_108 = arith.constant 0 : i32
      %dma_start3A_109 = tpu.memref_slice %arg6[%dma_start3A_107, %multiple_of3A, %dma_start3A_108] : memref<2x3328x16xf32, #tpu.memory_space<vmem>> -> memref<1x128x16xf32, #tpu.memory_space<vmem>>
      %dma_start3A_110 = tpu.memref_squeeze %dma_start3A_109 : memref<1x128x16xf32, #tpu.memory_space<vmem>> -> memref<128x16xf32, #tpu.memory_space<vmem>>
      %dma_start3A_111 = tpu.memref_slice %arg5[%add3A_106] : memref<6656xi32, #tpu.memory_space<vmem>> -> memref<128xi32, #tpu.memory_space<vmem>>
      %dma_start3A_112 = arith.constant 0 : i32
      %dma_start3A_113 = arith.constant 0 : i32
      %dma_start3A_114 = tpu.memref_slice %arg2[%dma_start3A_112, %dma_start3A_113] : memref<1304576x16xf32, #tpu.memory_space<hbm>> -> memref<1304576x16xf32, #tpu.memory_space<hbm>>
      tpu.enqueue_indirect_dma source(%dma_start3A_114 : memref<1304576x16xf32, #tpu.memory_space<hbm>>) target(%dma_start3A_110 : memref<128x16xf32, #tpu.memory_space<vmem>>) offsets(%dma_start3A_111 : memref<128xi32, #tpu.memory_space<vmem>>) semaphore(%arg8 : memref<!tpu.dma_semaphore, #tpu.memory_space<semaphore_mem>>)
    }
    %scan3A_13 = arith.constant 26 : i32
    %dma_wait3A = arith.constant 0 : i32
    %dma_wait3A_14 = arith.constant 0 : i32
    %dma_wait3A_15 = arith.constant 0 : i32
    %dma_wait3A_16 = tpu.memref_slice %arg6[%dma_wait3A, %dma_wait3A_14, %dma_wait3A_15] : memref<2x3328x16xf32, #tpu.memory_space<vmem>> -> memref<1x3328x16xf32, #tpu.memory_space<vmem>>
    %dma_wait3A_17 = tpu.memref_squeeze %dma_wait3A_16 : memref<1x3328x16xf32, #tpu.memory_space<vmem>> -> memref<3328x16xf32, #tpu.memory_space<vmem>>
    %dma_wait3A_18 = arith.constant 0 : i32
    %dma_wait3A_19 = arith.constant 0 : i32
    %dma_wait3A_20 = tpu.memref_slice %arg2[%dma_wait3A_18, %dma_wait3A_19] : memref<1304576x16xf32, #tpu.memory_space<hbm>> -> memref<3328x16xf32, #tpu.memory_space<hbm>>
    %dma_wait3A_21 = arith.constant 0 : i32
    %dma_wait3A_22 = arith.constant 0 : i32
    %dma_wait3A_23 = tpu.memref_slice %arg6[%dma_wait3A, %dma_wait3A_21, %dma_wait3A_22] : memref<2x3328x16xf32, #tpu.memory_space<vmem>> -> memref<1x3328x16xf32, #tpu.memory_space<vmem>>
    %dma_wait3A_24 = tpu.memref_squeeze %dma_wait3A_23 : memref<1x3328x16xf32, #tpu.memory_space<vmem>> -> memref<3328x16xf32, #tpu.memory_space<vmem>>
    %dma_wait3A_25 = arith.constant 0 : i32
    %dma_wait3A_26 = arith.constant 0 : i32
    %dma_wait3A_27 = tpu.memref_slice %arg2[%dma_wait3A_25, %dma_wait3A_26] : memref<1304576x16xf32, #tpu.memory_space<hbm>> -> memref<3328x16xf32, #tpu.memory_space<hbm>>
    tpu.wait_dma2 semaphore(%arg7 : memref<!tpu.dma_semaphore, #tpu.memory_space<semaphore_mem>>) src(%dma_wait3A_27 : memref<3328x16xf32, #tpu.memory_space<hbm>>) dst(%dma_wait3A_24 : memref<3328x16xf32, #tpu.memory_space<vmem>>)
    %add3A_28 = arith.constant 0 : i32
    %add3A_29 = arith.addi %mul3A_2, %add3A_28 : i32
    %dma_start3A = arith.constant 0 : i32
    %dma_start3A_30 = arith.constant 0 : i32
    %dma_start3A_31 = arith.constant 0 : i32
    %dma_start3A_32 = tpu.memref_slice %arg6[%dma_start3A, %dma_start3A_30, %dma_start3A_31] : memref<2x3328x16xf32, #tpu.memory_space<vmem>> -> memref<1x3328x16xf32, #tpu.memory_space<vmem>>
    %dma_start3A_33 = tpu.memref_squeeze %dma_start3A_32 : memref<1x3328x16xf32, #tpu.memory_space<vmem>> -> memref<3328x16xf32, #tpu.memory_space<vmem>>
    %dma_start3A_34 = arith.constant 0 : i32
    %dma_start3A_35 = tpu.memref_slice %arg4[%add3A_29, %dma_start3A_34] : memref<212992x16xf32, #tpu.memory_space<hbm>> -> memref<3328x16xf32, #tpu.memory_space<hbm>>
    %dma_start3A_36 = arith.constant 0 : i32
    %dma_start3A_37 = tpu.memref_slice %arg4[%add3A_29, %dma_start3A_36] : memref<212992x16xf32, #tpu.memory_space<hbm>> -> memref<3328x16xf32, #tpu.memory_space<hbm>>
    %dma_start3A_38 = arith.constant 0 : i32
    %dma_start3A_39 = arith.constant 0 : i32
    %dma_start3A_40 = tpu.memref_slice %arg6[%dma_start3A, %dma_start3A_38, %dma_start3A_39] : memref<2x3328x16xf32, #tpu.memory_space<vmem>> -> memref<1x3328x16xf32, #tpu.memory_space<vmem>>
    %dma_start3A_41 = tpu.memref_squeeze %dma_start3A_40 : memref<1x3328x16xf32, #tpu.memory_space<vmem>> -> memref<3328x16xf32, #tpu.memory_space<vmem>>
    tpu.enqueue_dma source(%dma_start3A_41 : memref<3328x16xf32, #tpu.memory_space<vmem>>) target(%dma_start3A_37 : memref<3328x16xf32, #tpu.memory_space<hbm>>) target_semaphore(%arg9 : memref<!tpu.dma_semaphore, #tpu.memory_space<semaphore_mem>>)
    %dma_wait3A_42 = arith.constant 1 : i32
    %dma_wait3A_43 = arith.constant 0 : i32
    %dma_wait3A_44 = arith.constant 0 : i32
    %dma_wait3A_45 = tpu.memref_slice %arg6[%dma_wait3A_42, %dma_wait3A_43, %dma_wait3A_44] : memref<2x3328x16xf32, #tpu.memory_space<vmem>> -> memref<1x3328x16xf32, #tpu.memory_space<vmem>>
    %dma_wait3A_46 = tpu.memref_squeeze %dma_wait3A_45 : memref<1x3328x16xf32, #tpu.memory_space<vmem>> -> memref<3328x16xf32, #tpu.memory_space<vmem>>
    %dma_wait3A_47 = arith.constant 0 : i32
    %dma_wait3A_48 = arith.constant 0 : i32
    %dma_wait3A_49 = tpu.memref_slice %arg2[%dma_wait3A_47, %dma_wait3A_48] : memref<1304576x16xf32, #tpu.memory_space<hbm>> -> memref<3328x16xf32, #tpu.memory_space<hbm>>
    %dma_wait3A_50 = arith.constant 0 : i32
    %dma_wait3A_51 = arith.constant 0 : i32
    %dma_wait3A_52 = tpu.memref_slice %arg6[%dma_wait3A_42, %dma_wait3A_50, %dma_wait3A_51] : memref<2x3328x16xf32, #tpu.memory_space<vmem>> -> memref<1x3328x16xf32, #tpu.memory_space<vmem>>
    %dma_wait3A_53 = tpu.memref_squeeze %dma_wait3A_52 : memref<1x3328x16xf32, #tpu.memory_space<vmem>> -> memref<3328x16xf32, #tpu.memory_space<vmem>>
    %dma_wait3A_54 = arith.constant 0 : i32
    %dma_wait3A_55 = arith.constant 0 : i32
    %dma_wait3A_56 = tpu.memref_slice %arg2[%dma_wait3A_54, %dma_wait3A_55] : memref<1304576x16xf32, #tpu.memory_space<hbm>> -> memref<3328x16xf32, #tpu.memory_space<hbm>>
    tpu.wait_dma2 semaphore(%arg8 : memref<!tpu.dma_semaphore, #tpu.memory_space<semaphore_mem>>) src(%dma_wait3A_56 : memref<3328x16xf32, #tpu.memory_space<hbm>>) dst(%dma_wait3A_53 : memref<3328x16xf32, #tpu.memory_space<vmem>>)
    %add3A_57 = arith.constant 3328 : i32
    %add3A_58 = arith.addi %mul3A_2, %add3A_57 : i32
    %dma_start3A_59 = arith.constant 1 : i32
    %dma_start3A_60 = arith.constant 0 : i32
    %dma_start3A_61 = arith.constant 0 : i32
    %dma_start3A_62 = tpu.memref_slice %arg6[%dma_start3A_59, %dma_start3A_60, %dma_start3A_61] : memref<2x3328x16xf32, #tpu.memory_space<vmem>> -> memref<1x3328x16xf32, #tpu.memory_space<vmem>>
    %dma_start3A_63 = tpu.memref_squeeze %dma_start3A_62 : memref<1x3328x16xf32, #tpu.memory_space<vmem>> -> memref<3328x16xf32, #tpu.memory_space<vmem>>
    %dma_start3A_64 = arith.constant 0 : i32
    %dma_start3A_65 = tpu.memref_slice %arg4[%add3A_58, %dma_start3A_64] : memref<212992x16xf32, #tpu.memory_space<hbm>> -> memref<3328x16xf32, #tpu.memory_space<hbm>>
    %dma_start3A_66 = arith.constant 0 : i32
    %dma_start3A_67 = tpu.memref_slice %arg4[%add3A_58, %dma_start3A_66] : memref<212992x16xf32, #tpu.memory_space<hbm>> -> memref<3328x16xf32, #tpu.memory_space<hbm>>
    %dma_start3A_68 = arith.constant 0 : i32
    %dma_start3A_69 = arith.constant 0 : i32
    %dma_start3A_70 = tpu.memref_slice %arg6[%dma_start3A_59, %dma_start3A_68, %dma_start3A_69] : memref<2x3328x16xf32, #tpu.memory_space<vmem>> -> memref<1x3328x16xf32, #tpu.memory_space<vmem>>
    %dma_start3A_71 = tpu.memref_squeeze %dma_start3A_70 : memref<1x3328x16xf32, #tpu.memory_space<vmem>> -> memref<3328x16xf32, #tpu.memory_space<vmem>>
    tpu.enqueue_dma source(%dma_start3A_71 : memref<3328x16xf32, #tpu.memory_space<vmem>>) target(%dma_start3A_67 : memref<3328x16xf32, #tpu.memory_space<hbm>>) target_semaphore(%arg10 : memref<!tpu.dma_semaphore, #tpu.memory_space<semaphore_mem>>)
    %add3A_72 = arith.constant 0 : i32
    %add3A_73 = arith.addi %mul3A_2, %add3A_72 : i32
    %dma_wait3A_74 = arith.constant 0 : i32
    %dma_wait3A_75 = arith.constant 0 : i32
    %dma_wait3A_76 = arith.constant 0 : i32
    %dma_wait3A_77 = tpu.memref_slice %arg6[%dma_wait3A_74, %dma_wait3A_75, %dma_wait3A_76] : memref<2x3328x16xf32, #tpu.memory_space<vmem>> -> memref<1x3328x16xf32, #tpu.memory_space<vmem>>
    %dma_wait3A_78 = tpu.memref_squeeze %dma_wait3A_77 : memref<1x3328x16xf32, #tpu.memory_space<vmem>> -> memref<3328x16xf32, #tpu.memory_space<vmem>>
    %dma_wait3A_79 = arith.constant 0 : i32
    %dma_wait3A_80 = tpu.memref_slice %arg4[%add3A_73, %dma_wait3A_79] : memref<212992x16xf32, #tpu.memory_space<hbm>> -> memref<3328x16xf32, #tpu.memory_space<hbm>>
    %dma_wait3A_81 = arith.constant 0 : i32
    %dma_wait3A_82 = tpu.memref_slice %arg4[%add3A_73, %dma_wait3A_81] : memref<212992x16xf32, #tpu.memory_space<hbm>> -> memref<3328x16xf32, #tpu.memory_space<hbm>>
    %dma_wait3A_83 = arith.constant 0 : i32
    %dma_wait3A_84 = arith.constant 0 : i32
    %dma_wait3A_85 = tpu.memref_slice %arg6[%dma_wait3A_74, %dma_wait3A_83, %dma_wait3A_84] : memref<2x3328x16xf32, #tpu.memory_space<vmem>> -> memref<1x3328x16xf32, #tpu.memory_space<vmem>>
    %dma_wait3A_86 = tpu.memref_squeeze %dma_wait3A_85 : memref<1x3328x16xf32, #tpu.memory_space<vmem>> -> memref<3328x16xf32, #tpu.memory_space<vmem>>
    tpu.wait_dma2 semaphore(%arg9 : memref<!tpu.dma_semaphore, #tpu.memory_space<semaphore_mem>>) src(%dma_wait3A_86 : memref<3328x16xf32, #tpu.memory_space<vmem>>) dst(%dma_wait3A_82 : memref<3328x16xf32, #tpu.memory_space<hbm>>)
    %add3A_87 = arith.constant 3328 : i32
    %add3A_88 = arith.addi %mul3A_2, %add3A_87 : i32
    %dma_wait3A_89 = arith.constant 1 : i32
    %dma_wait3A_90 = arith.constant 0 : i32
    %dma_wait3A_91 = arith.constant 0 : i32
    %dma_wait3A_92 = tpu.memref_slice %arg6[%dma_wait3A_89, %dma_wait3A_90, %dma_wait3A_91] : memref<2x3328x16xf32, #tpu.memory_space<vmem>> -> memref<1x3328x16xf32, #tpu.memory_space<vmem>>
    %dma_wait3A_93 = tpu.memref_squeeze %dma_wait3A_92 : memref<1x3328x16xf32, #tpu.memory_space<vmem>> -> memref<3328x16xf32, #tpu.memory_space<vmem>>
    %dma_wait3A_94 = arith.constant 0 : i32
    %dma_wait3A_95 = tpu.memref_slice %arg4[%add3A_88, %dma_wait3A_94] : memref<212992x16xf32, #tpu.memory_space<hbm>> -> memref<3328x16xf32, #tpu.memory_space<hbm>>
    %dma_wait3A_96 = arith.constant 0 : i32
    %dma_wait3A_97 = tpu.memref_slice %arg4[%add3A_88, %dma_wait3A_96] : memref<212992x16xf32, #tpu.memory_space<hbm>> -> memref<3328x16xf32, #tpu.memory_space<hbm>>
    %dma_wait3A_98 = arith.constant 0 : i32
    %dma_wait3A_99 = arith.constant 0 : i32
    %dma_wait3A_100 = tpu.memref_slice %arg6[%dma_wait3A_89, %dma_wait3A_98, %dma_wait3A_99] : memref<2x3328x16xf32, #tpu.memory_space<vmem>> -> memref<1x3328x16xf32, #tpu.memory_space<vmem>>
    %dma_wait3A_101 = tpu.memref_squeeze %dma_wait3A_100 : memref<1x3328x16xf32, #tpu.memory_space<vmem>> -> memref<3328x16xf32, #tpu.memory_space<vmem>>
    tpu.wait_dma2 semaphore(%arg10 : memref<!tpu.dma_semaphore, #tpu.memory_space<semaphore_mem>>) src(%dma_wait3A_101 : memref<3328x16xf32, #tpu.memory_space<vmem>>) dst(%dma_wait3A_97 : memref<3328x16xf32, #tpu.memory_space<hbm>>)
    return
  }
}

#map = affine_map<(d0, d1) -> (0, 0)>
#map1 = affine_map<(d0, d1) -> (0)>
module attributes {stable_mosaic.version = 14 : i64} {
  func.func @k(%arg0: i32, %arg1: i32, %arg2: memref<1304576x16xf32, #tpu.memory_space<hbm>>, %arg3: memref<212992xi32, #tpu.memory_space<hbm>>, %arg4: memref<212992x16xf32, #tpu.memory_space<hbm>>, %arg5: memref<6656xi32, #tpu.memory_space<vmem>>, %arg6: memref<2x3328x16xf32, #tpu.memory_space<vmem>>, %arg7: memref<!tpu.dma_semaphore, #tpu.memory_space<semaphore_mem>>, %arg8: memref<!tpu.dma_semaphore, #tpu.memory_space<semaphore_mem>>, %arg9: memref<!tpu.dma_semaphore, #tpu.memory_space<semaphore_mem>>, %arg10: memref<!tpu.dma_semaphore, #tpu.memory_space<semaphore_mem>>) attributes {dimension_semantics = [#tpu.dimension_semantics<core_parallel>, #tpu.dimension_semantics<subcore_parallel>], iteration_bounds = array<i64: 2, 16>, scalar_prefetch = 0 : i64, scratch_operands = 6 : i64, tpu.core_type = #tpu.core_type<sc_vector_subcore>, window_params = [{transform_indices = #map}, {transform_indices = #map1}, {transform_indices = #map}]} {
    %mul3A = arith.constant 2 : i32
    %mul3A_0 = arith.muli %arg1, %mul3A : i32
    %add3A = arith.addi %mul3A_0, %arg0 : i32
    %mul3A_1 = arith.constant 6656 : i32
    %mul3A_2 = arith.muli %add3A, %mul3A_1 : i32
    "tpu.region"() ({
      %run_scoped3A = tpu.sem_alloc : memref<!tpu.dma_semaphore, #tpu.memory_space<semaphore_mem>>
      %dma_start3A_102 = tpu.memref_slice %arg3[%mul3A_2] : memref<212992xi32, #tpu.memory_space<hbm>> -> memref<6656xi32, #tpu.memory_space<hbm>>
      %dma_start3A_103 = tpu.memref_slice %arg3[%mul3A_2] : memref<212992xi32, #tpu.memory_space<hbm>> -> memref<6656xi32, #tpu.memory_space<hbm>>
      tpu.enqueue_dma source(%dma_start3A_103 : memref<6656xi32, #tpu.memory_space<hbm>>) target(%arg5 : memref<6656xi32, #tpu.memory_space<vmem>>) target_semaphore(%run_scoped3A : memref<!tpu.dma_semaphore, #tpu.memory_space<semaphore_mem>>)
      %dma_wait3A_104 = tpu.memref_slice %arg3[%mul3A_2] : memref<212992xi32, #tpu.memory_space<hbm>> -> memref<6656xi32, #tpu.memory_space<hbm>>
      %dma_wait3A_105 = tpu.memref_slice %arg3[%mul3A_2] : memref<212992xi32, #tpu.memory_space<hbm>> -> memref<6656xi32, #tpu.memory_space<hbm>>
      tpu.wait_dma2 semaphore(%run_scoped3A : memref<!tpu.dma_semaphore, #tpu.memory_space<semaphore_mem>>) src(%dma_wait3A_105 : memref<6656xi32, #tpu.memory_space<hbm>>) dst(%arg5 : memref<6656xi32, #tpu.memory_space<vmem>>)
      tpu.yield
    }) : () -> ()
    %scan3A = arith.constant 0 : i32
    %scan3A_3 = arith.constant 0 : i32
    %scan3A_4 = arith.constant 26 : i32
    %scan3A_5 = arith.addi %scan3A_3, %scan3A_4 : i32
    %scan3A_6 = arith.constant 1 : i32
    scf.for %scan3A_102 = %scan3A_3 to %scan3A_5 step %scan3A_6  : i32 {
      %mul3A_103 = arith.constant 128 : i32
      %mul3A_104 = arith.muli %scan3A_102, %mul3A_103 : i32
      %multiple_of3A = tpu.assume_multiple %mul3A_104, 128 : i32
      %add3A_105 = arith.constant 0 : i32
      %add3A_106 = arith.addi %add3A_105, %multiple_of3A : i32
      %dma_start3A_107 = arith.constant 0 : i32
      %dma_start3A_108 = arith.constant 0 : i32
      %dma_start3A_109 = tpu.memref_slice %arg6[%dma_start3A_107, %multiple_of3A, %dma_start3A_108] : memref<2x3328x16xf32, #tpu.memory_space<vmem>> -> memref<1x128x16xf32, #tpu.memory_space<vmem>>
      %dma_start3A_110 = tpu.memref_squeeze %dma_start3A_109 : memref<1x128x16xf32, #tpu.memory_space<vmem>> -> memref<128x16xf32, #tpu.memory_space<vmem>>
      %dma_start3A_111 = tpu.memref_slice %arg5[%add3A_106] : memref<6656xi32, #tpu.memory_space<vmem>> -> memref<128xi32, #tpu.memory_space<vmem>>
      %dma_start3A_112 = arith.constant 0 : i32
      %dma_start3A_113 = arith.constant 0 : i32
      %dma_start3A_114 = tpu.memref_slice %arg2[%dma_start3A_112, %dma_start3A_113] : memref<1304576x16xf32, #tpu.memory_space<hbm>> -> memref<1304576x16xf32, #tpu.memory_space<hbm>>
      tpu.enqueue_indirect_dma source(%dma_start3A_114 : memref<1304576x16xf32, #tpu.memory_space<hbm>>) target(%dma_start3A_110 : memref<128x16xf32, #tpu.memory_space<vmem>>) offsets(%dma_start3A_111 : memref<128xi32, #tpu.memory_space<vmem>>) semaphore(%arg7 : memref<!tpu.dma_semaphore, #tpu.memory_space<semaphore_mem>>)
    }
    %scan3A_7 = arith.constant 26 : i32
    %scan3A_8 = arith.constant 0 : i32
    %scan3A_9 = arith.constant 0 : i32
    %scan3A_10 = arith.constant 26 : i32
    %scan3A_11 = arith.addi %scan3A_9, %scan3A_10 : i32
    %scan3A_12 = arith.constant 1 : i32
    scf.for %scan3A_102 = %scan3A_9 to %scan3A_11 step %scan3A_12  : i32 {
      %mul3A_103 = arith.constant 128 : i32
      %mul3A_104 = arith.muli %scan3A_102, %mul3A_103 : i32
      %multiple_of3A = tpu.assume_multiple %mul3A_104, 128 : i32
      %add3A_105 = arith.constant 3328 : i32
      %add3A_106 = arith.addi %add3A_105, %multiple_of3A : i32
      %dma_start3A_107 = arith.constant 1 : i32
      %dma_start3A_108 = arith.constant 0 : i32
      %dma_start3A_109 = tpu.memref_slice %arg6[%dma_start3A_107, %multiple_of3A, %dma_start3A_108] : memref<2x3328x16xf32, #tpu.memory_space<vmem>> -> memref<1x128x16xf32, #tpu.memory_space<vmem>>
      %dma_start3A_110 = tpu.memref_squeeze %dma_start3A_109 : memref<1x128x16xf32, #tpu.memory_space<vmem>> -> memref<128x16xf32, #tpu.memory_space<vmem>>
      %dma_start3A_111 = tpu.memref_slice %arg5[%add3A_106] : memref<6656xi32, #tpu.memory_space<vmem>> -> memref<128xi32, #tpu.memory_space<vmem>>
      %dma_start3A_112 = arith.constant 0 : i32
      %dma_start3A_113 = arith.constant 0 : i32
      %dma_start3A_114 = tpu.memref_slice %arg2[%dma_start3A_112, %dma_start3A_113] : memref<1304576x16xf32, #tpu.memory_space<hbm>> -> memref<1304576x16xf32, #tpu.memory_space<hbm>>
      tpu.enqueue_indirect_dma source(%dma_start3A_114 : memref<1304576x16xf32, #tpu.memory_space<hbm>>) target(%dma_start3A_110 : memref<128x16xf32, #tpu.memory_space<vmem>>) offsets(%dma_start3A_111 : memref<128xi32, #tpu.memory_space<vmem>>) semaphore(%arg8 : memref<!tpu.dma_semaphore, #tpu.memory_space<semaphore_mem>>)
    }
    %scan3A_13 = arith.constant 26 : i32
    %dma_wait3A = arith.constant 0 : i32
    %dma_wait3A_14 = arith.constant 0 : i32
    %dma_wait3A_15 = arith.constant 0 : i32
    %dma_wait3A_16 = tpu.memref_slice %arg6[%dma_wait3A, %dma_wait3A_14, %dma_wait3A_15] : memref<2x3328x16xf32, #tpu.memory_space<vmem>> -> memref<1x3328x16xf32, #tpu.memory_space<vmem>>
    %dma_wait3A_17 = tpu.memref_squeeze %dma_wait3A_16 : memref<1x3328x16xf32, #tpu.memory_space<vmem>> -> memref<3328x16xf32, #tpu.memory_space<vmem>>
    %dma_wait3A_18 = arith.constant 0 : i32
    %dma_wait3A_19 = arith.constant 0 : i32
    %dma_wait3A_20 = tpu.memref_slice %arg2[%dma_wait3A_18, %dma_wait3A_19] : memref<1304576x16xf32, #tpu.memory_space<hbm>> -> memref<3328x16xf32, #tpu.memory_space<hbm>>
    %dma_wait3A_21 = arith.constant 0 : i32
    %dma_wait3A_22 = arith.constant 0 : i32
    %dma_wait3A_23 = tpu.memref_slice %arg6[%dma_wait3A, %dma_wait3A_21, %dma_wait3A_22] : memref<2x3328x16xf32, #tpu.memory_space<vmem>> -> memref<1x3328x16xf32, #tpu.memory_space<vmem>>
    %dma_wait3A_24 = tpu.memref_squeeze %dma_wait3A_23 : memref<1x3328x16xf32, #tpu.memory_space<vmem>> -> memref<3328x16xf32, #tpu.memory_space<vmem>>
    %dma_wait3A_25 = arith.constant 0 : i32
    %dma_wait3A_26 = arith.constant 0 : i32
    %dma_wait3A_27 = tpu.memref_slice %arg2[%dma_wait3A_25, %dma_wait3A_26] : memref<1304576x16xf32, #tpu.memory_space<hbm>> -> memref<3328x16xf32, #tpu.memory_space<hbm>>
    tpu.wait_dma2 semaphore(%arg7 : memref<!tpu.dma_semaphore, #tpu.memory_space<semaphore_mem>>) src(%dma_wait3A_27 : memref<3328x16xf32, #tpu.memory_space<hbm>>) dst(%dma_wait3A_24 : memref<3328x16xf32, #tpu.memory_space<vmem>>)
    %add3A_28 = arith.constant 0 : i32
    %add3A_29 = arith.addi %mul3A_2, %add3A_28 : i32
    %dma_start3A = arith.constant 0 : i32
    %dma_start3A_30 = arith.constant 0 : i32
    %dma_start3A_31 = arith.constant 0 : i32
    %dma_start3A_32 = tpu.memref_slice %arg6[%dma_start3A, %dma_start3A_30, %dma_start3A_31] : memref<2x3328x16xf32, #tpu.memory_space<vmem>> -> memref<1x3328x16xf32, #tpu.memory_space<vmem>>
    %dma_start3A_33 = tpu.memref_squeeze %dma_start3A_32 : memref<1x3328x16xf32, #tpu.memory_space<vmem>> -> memref<3328x16xf32, #tpu.memory_space<vmem>>
    %dma_start3A_34 = arith.constant 0 : i32
    %dma_start3A_35 = tpu.memref_slice %arg4[%add3A_29, %dma_start3A_34] : memref<212992x16xf32, #tpu.memory_space<hbm>> -> memref<3328x16xf32, #tpu.memory_space<hbm>>
    %dma_start3A_36 = arith.constant 0 : i32
    %dma_start3A_37 = tpu.memref_slice %arg4[%add3A_29, %dma_start3A_36] : memref<212992x16xf32, #tpu.memory_space<hbm>> -> memref<3328x16xf32, #tpu.memory_space<hbm>>
    %dma_start3A_38 = arith.constant 0 : i32
    %dma_start3A_39 = arith.constant 0 : i32
    %dma_start3A_40 = tpu.memref_slice %arg6[%dma_start3A, %dma_start3A_38, %dma_start3A_39] : memref<2x3328x16xf32, #tpu.memory_space<vmem>> -> memref<1x3328x16xf32, #tpu.memory_space<vmem>>
    %dma_start3A_41 = tpu.memref_squeeze %dma_start3A_40 : memref<1x3328x16xf32, #tpu.memory_space<vmem>> -> memref<3328x16xf32, #tpu.memory_space<vmem>>
    tpu.enqueue_dma source(%dma_start3A_41 : memref<3328x16xf32, #tpu.memory_space<vmem>>) target(%dma_start3A_37 : memref<3328x16xf32, #tpu.memory_space<hbm>>) target_semaphore(%arg9 : memref<!tpu.dma_semaphore, #tpu.memory_space<semaphore_mem>>)
    %dma_wait3A_42 = arith.constant 1 : i32
    %dma_wait3A_43 = arith.constant 0 : i32
    %dma_wait3A_44 = arith.constant 0 : i32
    %dma_wait3A_45 = tpu.memref_slice %arg6[%dma_wait3A_42, %dma_wait3A_43, %dma_wait3A_44] : memref<2x3328x16xf32, #tpu.memory_space<vmem>> -> memref<1x3328x16xf32, #tpu.memory_space<vmem>>
    %dma_wait3A_46 = tpu.memref_squeeze %dma_wait3A_45 : memref<1x3328x16xf32, #tpu.memory_space<vmem>> -> memref<3328x16xf32, #tpu.memory_space<vmem>>
    %dma_wait3A_47 = arith.constant 0 : i32
    %dma_wait3A_48 = arith.constant 0 : i32
    %dma_wait3A_49 = tpu.memref_slice %arg2[%dma_wait3A_47, %dma_wait3A_48] : memref<1304576x16xf32, #tpu.memory_space<hbm>> -> memref<3328x16xf32, #tpu.memory_space<hbm>>
    %dma_wait3A_50 = arith.constant 0 : i32
    %dma_wait3A_51 = arith.constant 0 : i32
    %dma_wait3A_52 = tpu.memref_slice %arg6[%dma_wait3A_42, %dma_wait3A_50, %dma_wait3A_51] : memref<2x3328x16xf32, #tpu.memory_space<vmem>> -> memref<1x3328x16xf32, #tpu.memory_space<vmem>>
    %dma_wait3A_53 = tpu.memref_squeeze %dma_wait3A_52 : memref<1x3328x16xf32, #tpu.memory_space<vmem>> -> memref<3328x16xf32, #tpu.memory_space<vmem>>
    %dma_wait3A_54 = arith.constant 0 : i32
    %dma_wait3A_55 = arith.constant 0 : i32
    %dma_wait3A_56 = tpu.memref_slice %arg2[%dma_wait3A_54, %dma_wait3A_55] : memref<1304576x16xf32, #tpu.memory_space<hbm>> -> memref<3328x16xf32, #tpu.memory_space<hbm>>
    tpu.wait_dma2 semaphore(%arg8 : memref<!tpu.dma_semaphore, #tpu.memory_space<semaphore_mem>>) src(%dma_wait3A_56 : memref<3328x16xf32, #tpu.memory_space<hbm>>) dst(%dma_wait3A_53 : memref<3328x16xf32, #tpu.memory_space<vmem>>)
    %add3A_57 = arith.constant 3328 : i32
    %add3A_58 = arith.addi %mul3A_2, %add3A_57 : i32
    %dma_start3A_59 = arith.constant 1 : i32
    %dma_start3A_60 = arith.constant 0 : i32
    %dma_start3A_61 = arith.constant 0 : i32
    %dma_start3A_62 = tpu.memref_slice %arg6[%dma_start3A_59, %dma_start3A_60, %dma_start3A_61] : memref<2x3328x16xf32, #tpu.memory_space<vmem>> -> memref<1x3328x16xf32, #tpu.memory_space<vmem>>
    %dma_start3A_63 = tpu.memref_squeeze %dma_start3A_62 : memref<1x3328x16xf32, #tpu.memory_space<vmem>> -> memref<3328x16xf32, #tpu.memory_space<vmem>>
    %dma_start3A_64 = arith.constant 0 : i32
    %dma_start3A_65 = tpu.memref_slice %arg4[%add3A_58, %dma_start3A_64] : memref<212992x16xf32, #tpu.memory_space<hbm>> -> memref<3328x16xf32, #tpu.memory_space<hbm>>
    %dma_start3A_66 = arith.constant 0 : i32
    %dma_start3A_67 = tpu.memref_slice %arg4[%add3A_58, %dma_start3A_66] : memref<212992x16xf32, #tpu.memory_space<hbm>> -> memref<3328x16xf32, #tpu.memory_space<hbm>>
    %dma_start3A_68 = arith.constant 0 : i32
    %dma_start3A_69 = arith.constant 0 : i32
    %dma_start3A_70 = tpu.memref_slice %arg6[%dma_start3A_59, %dma_start3A_68, %dma_start3A_69] : memref<2x3328x16xf32, #tpu.memory_space<vmem>> -> memref<1x3328x16xf32, #tpu.memory_space<vmem>>
    %dma_start3A_71 = tpu.memref_squeeze %dma_start3A_70 : memref<1x3328x16xf32, #tpu.memory_space<vmem>> -> memref<3328x16xf32, #tpu.memory_space<vmem>>
    tpu.enqueue_dma source(%dma_start3A_71 : memref<3328x16xf32, #tpu.memory_space<vmem>>) target(%dma_start3A_67 : memref<3328x16xf32, #tpu.memory_space<hbm>>) target_semaphore(%arg10 : memref<!tpu.dma_semaphore, #tpu.memory_space<semaphore_mem>>)
    %add3A_72 = arith.constant 0 : i32
    %add3A_73 = arith.addi %mul3A_2, %add3A_72 : i32
    %dma_wait3A_74 = arith.constant 0 : i32
    %dma_wait3A_75 = arith.constant 0 : i32
    %dma_wait3A_76 = arith.constant 0 : i32
    %dma_wait3A_77 = tpu.memref_slice %arg6[%dma_wait3A_74, %dma_wait3A_75, %dma_wait3A_76] : memref<2x3328x16xf32, #tpu.memory_space<vmem>> -> memref<1x3328x16xf32, #tpu.memory_space<vmem>>
    %dma_wait3A_78 = tpu.memref_squeeze %dma_wait3A_77 : memref<1x3328x16xf32, #tpu.memory_space<vmem>> -> memref<3328x16xf32, #tpu.memory_space<vmem>>
    %dma_wait3A_79 = arith.constant 0 : i32
    %dma_wait3A_80 = tpu.memref_slice %arg4[%add3A_73, %dma_wait3A_79] : memref<212992x16xf32, #tpu.memory_space<hbm>> -> memref<3328x16xf32, #tpu.memory_space<hbm>>
    %dma_wait3A_81 = arith.constant 0 : i32
    %dma_wait3A_82 = tpu.memref_slice %arg4[%add3A_73, %dma_wait3A_81] : memref<212992x16xf32, #tpu.memory_space<hbm>> -> memref<3328x16xf32, #tpu.memory_space<hbm>>
    %dma_wait3A_83 = arith.constant 0 : i32
    %dma_wait3A_84 = arith.constant 0 : i32
    %dma_wait3A_85 = tpu.memref_slice %arg6[%dma_wait3A_74, %dma_wait3A_83, %dma_wait3A_84] : memref<2x3328x16xf32, #tpu.memory_space<vmem>> -> memref<1x3328x16xf32, #tpu.memory_space<vmem>>
    %dma_wait3A_86 = tpu.memref_squeeze %dma_wait3A_85 : memref<1x3328x16xf32, #tpu.memory_space<vmem>> -> memref<3328x16xf32, #tpu.memory_space<vmem>>
    tpu.wait_dma2 semaphore(%arg9 : memref<!tpu.dma_semaphore, #tpu.memory_space<semaphore_mem>>) src(%dma_wait3A_86 : memref<3328x16xf32, #tpu.memory_space<vmem>>) dst(%dma_wait3A_82 : memref<3328x16xf32, #tpu.memory_space<hbm>>)
    %add3A_87 = arith.constant 3328 : i32
    %add3A_88 = arith.addi %mul3A_2, %add3A_87 : i32
    %dma_wait3A_89 = arith.constant 1 : i32
    %dma_wait3A_90 = arith.constant 0 : i32
    %dma_wait3A_91 = arith.constant 0 : i32
    %dma_wait3A_92 = tpu.memref_slice %arg6[%dma_wait3A_89, %dma_wait3A_90, %dma_wait3A_91] : memref<2x3328x16xf32, #tpu.memory_space<vmem>> -> memref<1x3328x16xf32, #tpu.memory_space<vmem>>
    %dma_wait3A_93 = tpu.memref_squeeze %dma_wait3A_92 : memref<1x3328x16xf32, #tpu.memory_space<vmem>> -> memref<3328x16xf32, #tpu.memory_space<vmem>>
    %dma_wait3A_94 = arith.constant 0 : i32
    %dma_wait3A_95 = tpu.memref_slice %arg4[%add3A_88, %dma_wait3A_94] : memref<212992x16xf32, #tpu.memory_space<hbm>> -> memref<3328x16xf32, #tpu.memory_space<hbm>>
    %dma_wait3A_96 = arith.constant 0 : i32
    %dma_wait3A_97 = tpu.memref_slice %arg4[%add3A_88, %dma_wait3A_96] : memref<212992x16xf32, #tpu.memory_space<hbm>> -> memref<3328x16xf32, #tpu.memory_space<hbm>>
    %dma_wait3A_98 = arith.constant 0 : i32
    %dma_wait3A_99 = arith.constant 0 : i32
    %dma_wait3A_100 = tpu.memref_slice %arg6[%dma_wait3A_89, %dma_wait3A_98, %dma_wait3A_99] : memref<2x3328x16xf32, #tpu.memory_space<vmem>> -> memref<1x3328x16xf32, #tpu.memory_space<vmem>>
    %dma_wait3A_101 = tpu.memref_squeeze %dma_wait3A_100 : memref<1x3328x16xf32, #tpu.memory_space<vmem>> -> memref<3328x16xf32, #tpu.memory_space<vmem>>
    tpu.wait_dma2 semaphore(%arg10 : memref<!tpu.dma_semaphore, #tpu.memory_space<semaphore_mem>>) src(%dma_wait3A_101 : memref<3328x16xf32, #tpu.memory_space<vmem>>) dst(%dma_wait3A_97 : memref<3328x16xf32, #tpu.memory_space<hbm>>)
    return
  }
}

module attributes {stable_mosaic.version = 14 : i64} {
  func.func @body(%arg0: i32, %arg1: i32, %arg2: memref<1x16x50176xf32, #tpu.memory_space<vmem>>, %arg3: memref<1x6272x128xf32, #tpu.memory_space<vmem>>) attributes {dimension_semantics = [#tpu.dimension_semantics<arbitrary>, #tpu.dimension_semantics<arbitrary>], iteration_bounds = array<i64: 13, 2>, scalar_prefetch = 0 : i64, scratch_operands = 0 : i64, tpu.core_type = #tpu.core_type<tc>, window_params = [{transform_indices = @transform_0, window_bounds = array<i64: 1, 16, 50176>}, {transform_indices = @transform_1, window_bounds = array<i64: 1, 6272, 128>}]} {
    %get3A = arith.constant 0 : index
    %get3A_0 = arith.constant 0 : index
    %get3A_1 = arith.constant 0 : index
    %get3A_2 = vector.load %arg2[%get3A, %get3A_0, %get3A_1] : memref<1x16x50176xf32, #tpu.memory_space<vmem>>, vector<1x16x50176xf32>
    %get3A_3 = vector.shape_cast %get3A_2 : vector<1x16x50176xf32> to vector<16x50176xf32>
    %iota3A = tpu.iota {dimensions = array<i32: 0>} : vector<128x128xi32>
    %iota3A_4 = tpu.iota {dimensions = array<i32: 1>} : vector<128x128xi32>
    %add3A = arith.constant 0 : i32
    %add3A_5 = vector.broadcast %add3A : i32 to vector<128x128xi32>
    %add3A_6 = arith.addi %iota3A, %add3A_5 : vector<128x128xi32>
    %eq3A = arith.cmpi eq, %add3A_6, %iota3A_4 : vector<128x128xi32>
    %convert_element_type3A = arith.extui %eq3A : vector<128x128xi1> to vector<128x128xi32>
    %convert_element_type3A_7 = arith.sitofp %convert_element_type3A : vector<128x128xi32> to vector<128x128xf32>
    %slice3A = vector.extract_strided_slice %get3A_3 {offsets = [0, 0], sizes = [16, 128], strides = [1, 1]} : vector<16x50176xf32> to vector<16x128xf32>
    %slice3A_8 = vector.extract_strided_slice %get3A_3 {offsets = [0, 128], sizes = [16, 128], strides = [1, 1]} : vector<16x50176xf32> to vector<16x128xf32>
    %slice3A_9 = vector.extract_strided_slice %get3A_3 {offsets = [0, 256], sizes = [16, 128], strides = [1, 1]} : vector<16x50176xf32> to vector<16x128xf32>
    %slice3A_10 = vector.extract_strided_slice %get3A_3 {offsets = [0, 384], sizes = [16, 128], strides = [1, 1]} : vector<16x50176xf32> to vector<16x128xf32>
    %slice3A_11 = vector.extract_strided_slice %get3A_3 {offsets = [0, 512], sizes = [16, 128], strides = [1, 1]} : vector<16x50176xf32> to vector<16x128xf32>
    %slice3A_12 = vector.extract_strided_slice %get3A_3 {offsets = [0, 640], sizes = [16, 128], strides = [1, 1]} : vector<16x50176xf32> to vector<16x128xf32>
    %slice3A_13 = vector.extract_strided_slice %get3A_3 {offsets = [0, 768], sizes = [16, 128], strides = [1, 1]} : vector<16x50176xf32> to vector<16x128xf32>
    %slice3A_14 = vector.extract_strided_slice %get3A_3 {offsets = [0, 896], sizes = [16, 128], strides = [1, 1]} : vector<16x50176xf32> to vector<16x128xf32>
    %concatenate3A = tpu.concatenate %slice3A, %slice3A_8, %slice3A_9, %slice3A_10, %slice3A_11, %slice3A_12, %slice3A_13, %slice3A_14 in 0 : vector<16x128xf32>, vector<16x128xf32>, vector<16x128xf32>, vector<16x128xf32>, vector<16x128xf32>, vector<16x128xf32>, vector<16x128xf32>, vector<16x128xf32> -> vector<128x128xf32>
    %dot_general3A = arith.constant dense<0.000000e+00> : vector<128x128xf32>
    %dot_general3A_15 = tpu.matmul %concatenate3A, %convert_element_type3A_7, %dot_general3A {dimension_numbers = #tpu.dot_dimension_numbers<[0], [0], [1], [1], [0, 1, 1, 1], [], []>, transpose_lhs_hint = false} : vector<128x128xf32>, vector<128x128xf32>, vector<128x128xf32> -> vector<128x128xf32>
    %swap3A = arith.constant 0 : index
    %swap3A_16 = arith.constant 0 : index
    %swap3A_17 = arith.constant 0 : index
    %swap3A_18 = vector.load %arg3[%swap3A, %swap3A_16, %swap3A_17] : memref<1x6272x128xf32, #tpu.memory_space<vmem>>, vector<1x128x128xf32>
    %swap3A_19 = vector.shape_cast %swap3A_18 : vector<1x128x128xf32> to vector<128x128xf32>
    %swap3A_20 = vector.shape_cast %dot_general3A_15 : vector<128x128xf32> to vector<1x128x128xf32>
    tpu.vector_store %arg3[%swap3A, %swap3A_16, %swap3A_17], %swap3A_20 {strides = array<i32>} : memref<1x6272x128xf32, #tpu.memory_space<vmem>>, vector<1x128x128xf32>,
    %slice3A_21 = vector.extract_strided_slice %get3A_3 {offsets = [0, 1024], sizes = [16, 128], strides = [1, 1]} : vector<16x50176xf32> to vector<16x128xf32>
    %slice3A_22 = vector.extract_strided_slice %get3A_3 {offsets = [0, 1152], sizes = [16, 128], strides = [1, 1]} : vector<16x50176xf32> to vector<16x128xf32>
    %slice3A_23 = vector.extract_strided_slice %get3A_3 {offsets = [0, 1280], sizes = [16, 128], strides = [1, 1]} : vector<16x50176xf32> to vector<16x128xf32>
    %slice3A_24 = vector.extract_strided_slice %get3A_3 {offsets = [0, 1408], sizes = [16, 128], strides = [1, 1]} : vector<16x50176xf32> to vector<16x128xf32>
    %slice3A_25 = vector.extract_strided_slice %get3A_3 {offsets = [0, 1536], sizes = [16, 128], strides = [1, 1]} : vector<16x50176xf32> to vector<16x128xf32>
    %slice3A_26 = vector.extract_strided_slice %get3A_3 {offsets = [0, 1664], sizes = [16, 128], strides = [1, 1]} : vector<16x50176xf32> to vector<16x128xf32>
    %slice3A_27 = vector.extract_strided_slice %get3A_3 {offsets = [0, 1792], sizes = [16, 128], strides = [1, 1]} : vector<16x50176xf32> to vector<16x128xf32>
    %slice3A_28 = vector.extract_strided_slice %get3A_3 {offsets = [0, 1920], sizes = [16, 128], strides = [1, 1]} : vector<16x50176xf32> to vector<16x128xf32>
    %concatenate3A_29 = tpu.concatenate %slice3A_21, %slice3A_22, %slice3A_23, %slice3A_24, %slice3A_25, %slice3A_26, %slice3A_27, %slice3A_28 in 0 : vector<16x128xf32>, vector<16x128xf32>, vector<16x128xf32>, vector<16x128xf32>, vector<16x128xf32>, vector<16x128xf32>, vector<16x128xf32>, vector<16x128xf32> -> vector<128x128xf32>
    %dot_general3A_30 = arith.constant dense<0.000000e+00> : vector<128x128xf32>
    %dot_general3A_31 = tpu.matmul %concatenate3A_29, %convert_element_type3A_7, %dot_general3A_30 {dimension_numbers = #tpu.dot_dimension_numbers<[0], [0], [1], [1], [0, 1, 1, 1], [], []>, transpose_lhs_hint = false} : vector<128x128xf32>, vector<128x128xf32>, vector<128x128xf32> -> vector<128x128xf32>
    %swap3A_32 = arith.constant 0 : index
    %swap3A_33 = arith.constant 128 : index
    %swap3A_34 = arith.constant 0 : index
    %swap3A_35 = vector.load %arg3[%swap3A_32, %swap3A_33, %swap3A_34] : memref<1x6272x128xf32, #tpu.memory_space<vmem>>, vector<1x128x128xf32>
    %swap3A_36 = vector.shape_cast %swap3A_35 : vector<1x128x128xf32> to vector<128x128xf32>
    %swap3A_37 = vector.shape_cast %dot_general3A_31 : vector<128x128xf32> to vector<1x128x128xf32>
    tpu.vector_store %arg3[%swap3A_32, %swap3A_33, %swap3A_34], %swap3A_37 {strides = array<i32>} : memref<1x6272x128xf32, #tpu.memory_space<vmem>>, vector<1x128x128xf32>,
    %slice3A_38 = vector.extract_strided_slice %get3A_3 {offsets = [0, 2048], sizes = [16, 128], strides = [1, 1]} : vector<16x50176xf32> to vector<16x128xf32>
    %slice3A_39 = vector.extract_strided_slice %get3A_3 {offsets = [0, 2176], sizes = [16, 128], strides = [1, 1]} : vector<16x50176xf32> to vector<16x128xf32>
    %slice3A_40 = vector.extract_strided_slice %get3A_3 {offsets = [0, 2304], sizes = [16, 128], strides = [1, 1]} : vector<16x50176xf32> to vector<16x128xf32>
    %slice3A_41 = vector.extract_strided_slice %get3A_3 {offsets = [0, 2432], sizes = [16, 128], strides = [1, 1]} : vector<16x50176xf32> to vector<16x128xf32>
    %slice3A_42 = vector.extract_strided_slice %get3A_3 {offsets = [0, 2560], sizes = [16, 128], strides = [1, 1]} : vector<16x50176xf32> to vector<16x128xf32>
    %slice3A_43 = vector.extract_strided_slice %get3A_3 {offsets = [0, 2688], sizes = [16, 128], strides = [1, 1]} : vector<16x50176xf32> to vector<16x128xf32>
    %slice3A_44 = vector.extract_strided_slice %get3A_3 {offsets = [0, 2816], sizes = [16, 128], strides = [1, 1]} : vector<16x50176xf32> to vector<16x128xf32>
    %slice3A_45 = vector.extract_strided_slice %get3A_3 {offsets = [0, 2944], sizes = [16, 128], strides = [1, 1]} : vector<16x50176xf32> to vector<16x128xf32>
    %concatenate3A_46 = tpu.concatenate %slice3A_38, %slice3A_39, %slice3A_40, %slice3A_41, %slice3A_42, %slice3A_43, %slice3A_44, %slice3A_45 in 0 : vector<16x128xf32>, vector<16x128xf32>, vector<16x128xf32>, vector<16x128xf32>, vector<16x128xf32>, vector<16x128xf32>, vector<16x128xf32>, vector<16x128xf32> -> vector<128x128xf32>
    %dot_general3A_47 = arith.constant dense<0.000000e+00> : vector<128x128xf32>
    %dot_general3A_48 = tpu.matmul %concatenate3A_46, %convert_element_type3A_7, %dot_general3A_47 {dimension_numbers = #tpu.dot_dimension_numbers<[0], [0], [1], [1], [0, 1, 1, 1], [], []>, transpose_lhs_hint = false} : vector<128x128xf32>, vector<128x128xf32>, vector<128x128xf32> -> vector<128x128xf32>
    %swap3A_49 = arith.constant 0 : index
    %swap3A_50 = arith.constant 256 : index
    %swap3A_51 = arith.constant 0 : index
    %swap3A_52 = vector.load %arg3[%swap3A_49, %swap3A_50, %swap3A_51] : memref<1x6272x128xf32, #tpu.memory_space<vmem>>, vector<1x128x128xf32>
    %swap3A_53 = vector.shape_cast %swap3A_52 : vector<1x128x128xf32> to vector<128x128xf32>
    %swap3A_54 = vector.shape_cast %dot_general3A_48 : vector<128x128xf32> to vector<1x128x128xf32>
    tpu.vector_store %arg3[%swap3A_49, %swap3A_50, %swap3A_51], %swap3A_54 {strides = array<i32>} : memref<1x6272x128xf32, #tpu.memory_space<vmem>>, vector<1x128x128xf32>,
    %slice3A_55 = vector.extract_strided_slice %get3A_3 {offsets = [0, 3072], sizes = [16, 128], strides = [1, 1]} : vector<16x50176xf32> to vector<16x128xf32>
    %slice3A_56 = vector.extract_strided_slice %get3A_3 {offsets = [0, 3200], sizes = [16, 128], strides = [1, 1]} : vector<16x50176xf32> to vector<16x128xf32>
    %slice3A_57 = vector.extract_strided_slice %get3A_3 {offsets = [0, 3328], sizes = [16, 128], strides = [1, 1]} : vector<16x50176xf32> to vector<16x128xf32>
    %slice3A_58 = vector.extract_strided_slice %get3A_3 {offsets = [0, 3456], sizes = [16, 128], strides = [1, 1]} : vector<16x50176xf32> to vector<16x128xf32>
    %slice3A_59 = vector.extract_strided_slice %get3A_3 {offsets = [0, 3584], sizes = [16, 128], strides = [1, 1]} : vector<16x50176xf32> to vector<16x128xf32>
    %slice3A_60 = vector.extract_strided_slice %get3A_3 {offsets = [0, 3712], sizes = [16, 128], strides = [1, 1]} : vector<16x50176xf32> to vector<16x128xf32>
    %slice3A_61 = vector.extract_strided_slice %get3A_3 {offsets = [0, 3840], sizes = [16, 128], strides = [1, 1]} : vector<16x50176xf32> to vector<16x128xf32>
    %slice3A_62 = vector.extract_strided_slice %get3A_3 {offsets = [0, 3968], sizes = [16, 128], strides = [1, 1]} : vector<16x50176xf32> to vector<16x128xf32>
    %concatenate3A_63 = tpu.concatenate %slice3A_55, %slice3A_56, %slice3A_57, %slice3A_58, %slice3A_59, %slice3A_60, %slice3A_61, %slice3A_62 in 0 : vector<16x128xf32>, vector<16x128xf32>, vector<16x128xf32>, vector<16x128xf32>, vector<16x128xf32>, vector<16x128xf32>, vector<16x128xf32>, vector<16x128xf32> -> vector<128x128xf32>
    %dot_general3A_64 = arith.constant dense<0.000000e+00> : vector<128x128xf32>
    %dot_general3A_65 = tpu.matmul %concatenate3A_63, %convert_element_type3A_7, %dot_general3A_64 {dimension_numbers = #tpu.dot_dimension_numbers<[0], [0], [1], [1], [0, 1, 1, 1], [], []>, transpose_lhs_hint = false} : vector<128x128xf32>, vector<128x128xf32>, vector<128x128xf32> -> vector<128x128xf32>
    %swap3A_66 = arith.constant 0 : index
    %swap3A_67 = arith.constant 384 : index
    %swap3A_68 = arith.constant 0 : index
    %swap3A_69 = vector.load %arg3[%swap3A_66, %swap3A_67, %swap3A_68] : memref<1x6272x128xf32, #tpu.memory_space<vmem>>, vector<1x128x128xf32>
    %swap3A_70 = vector.shape_cast %swap3A_69 : vector<1x128x128xf32> to vector<128x128xf32>
    %swap3A_71 = vector.shape_cast %dot_general3A_65 : vector<128x128xf32> to vector<1x128x128xf32>
    tpu.vector_store %arg3[%swap3A_66, %swap3A_67, %swap3A_68], %swap3A_71 {strides = array<i32>} : memref<1x6272x128xf32, #tpu.memory_space<vmem>>, vector<1x128x128xf32>,
    %slice3A_72 = vector.extract_strided_slice %get3A_3 {offsets = [0, 4096], sizes = [16, 128], strides = [1, 1]} : vector<16x50176xf32> to vector<16x128xf32>
    %slice3A_73 = vector.extract_strided_slice %get3A_3 {offsets = [0, 4224], sizes = [16, 128], strides = [1, 1]} : vector<16x50176xf32> to vector<16x128xf32>
    %slice3A_74 = vector.extract_strided_slice %get3A_3 {offsets = [0, 4352], sizes = [16, 128], strides = [1, 1]} : vector<16x50176xf32> to vector<16x128xf32>
    %slice3A_75 = vector.extract_strided_slice %get3A_3 {offsets = [0, 4480], sizes = [16, 128], strides = [1, 1]} : vector<16x50176xf32> to vector<16x128xf32>
    %slice3A_76 = vector.extract_strided_slice %get3A_3 {offsets = [0, 4608], sizes = [16, 128], strides = [1, 1]} : vector<16x50176xf32> to vector<16x128xf32>
    %slice3A_77 = vector.extract_strided_slice %get3A_3 {offsets = [0, 4736], sizes = [16, 128], strides = [1, 1]} : vector<16x50176xf32> to vector<16x128xf32>
    %slice3A_78 = vector.extract_strided_slice %get3A_3 {offsets = [0, 4864], sizes = [16, 128], strides = [1, 1]} : vector<16x50176xf32> to vector<16x128xf32>
    %slice3A_79 = vector.extract_strided_slice %get3A_3 {offsets = [0, 4992], sizes = [16, 128], strides = [1, 1]} : vector<16x50176xf32> to vector<16x128xf32>
    %concatenate3A_80 = tpu.concatenate %slice3A_72, %slice3A_73, %slice3A_74, %slice3A_75, %slice3A_76, %slice3A_77, %slice3A_78, %slice3A_79 in 0 : vector<16x128xf32>, vector<16x128xf32>, vector<16x128xf32>, vector<16x128xf32>, vector<16x128xf32>, vector<16x128xf32>, vector<16x128xf32>, vector<16x128xf32> -> vector<128x128xf32>
    %dot_general3A_81 = arith.constant dense<0.000000e+00> : vector<128x128xf32>
    %dot_general3A_82 = tpu.matmul %concatenate3A_80, %convert_element_type3A_7, %dot_general3A_81 {dimension_numbers = #tpu.dot_dimension_numbers<[0], [0], [1], [1], [0, 1, 1, 1], [], []>, transpose_lhs_hint = false} : vector<128x128xf32>, vector<128x128xf32>, vector<128x128xf32> -> vector<128x128xf32>
    %swap3A_83 = arith.constant 0 : index
    %swap3A_84 = arith.constant 512 : index
    %swap3A_85 = arith.constant 0 : index
    %swap3A_86 = vector.load %arg3[%swap3A_83, %swap3A_84, %swap3A_85] : memref<1x6272x128xf32, #tpu.memory_space<vmem>>, vector<1x128x128xf32>
    %swap3A_87 = vector.shape_cast %swap3A_86 : vector<1x128x128xf32> to vector<128x128xf32>
    %swap3A_88 = vector.shape_cast %dot_general3A_82 : vector<128x128xf32> to vector<1x128x128xf32>
    tpu.vector_store %arg3[%swap3A_83, %swap3A_84, %swap3A_85], %swap3A_88 {strides = array<i32>} : memref<1x6272x128xf32, #tpu.memory_space<vmem>>, vector<1x128x128xf32>,
    %slice3A_89 = vector.extract_strided_slice %get3A_3 {offsets = [0, 5120], sizes = [16, 128], strides = [1, 1]} : vector<16x50176xf32> to vector<16x128xf32>
    %slice3A_90 = vector.extract_strided_slice %get3A_3 {offsets = [0, 5248], sizes = [16, 128], strides = [1, 1]} : vector<16x50176xf32> to vector<16x128xf32>
    %slice3A_91 = vector.extract_strided_slice %get3A_3 {offsets = [0, 5376], sizes = [16, 128], strides = [1, 1]} : vector<16x50176xf32> to vector<16x128xf32>
    %slice3A_92 = vector.extract_strided_slice %get3A_3 {offsets = [0, 5504], sizes = [16, 128], strides = [1, 1]} : vector<16x50176xf32> to vector<16x128xf32>
    %slice3A_93 = vector.extract_strided_slice %get3A_3 {offsets = [0, 5632], sizes = [16, 128], strides = [1, 1]} : vector<16x50176xf32> to vector<16x128xf32>
    %slice3A_94 = vector.extract_strided_slice %get3A_3 {offsets = [0, 5760], sizes = [16, 128], strides = [1, 1]} : vector<16x50176xf32> to vector<16x128xf32>
    %slice3A_95 = vector.extract_strided_slice %get3A_3 {offsets = [0, 5888], sizes = [16, 128], strides = [1, 1]} : vector<16x50176xf32> to vector<16x128xf32>
    %slice3A_96 = vector.extract_strided_slice %get3A_3 {offsets = [0, 6016], sizes = [16, 128], strides = [1, 1]} : vector<16x50176xf32> to vector<16x128xf32>
    %concatenate3A_97 = tpu.concatenate %slice3A_89, %slice3A_90, %slice3A_91, %slice3A_92, %slice3A_93, %slice3A_94, %slice3A_95, %slice3A_96 in 0 : vector<16x128xf32>, vector<16x128xf32>, vector<16x128xf32>, vector<16x128xf32>, vector<16x128xf32>, vector<16x128xf32>, vector<16x128xf32>, vector<16x128xf32> -> vector<128x128xf32>
    %dot_general3A_98 = arith.constant dense<0.000000e+00> : vector<128x128xf32>
    %dot_general3A_99 = tpu.matmul %concatenate3A_97, %convert_element_type3A_7, %dot_general3A_98 {dimension_numbers = #tpu.dot_dimension_numbers<[0], [0], [1], [1], [0, 1, 1, 1], [], []>, transpose_lhs_hint = false} : vector<128x128xf32>, vector<128x128xf32>, vector<128x128xf32> -> vector<128x128xf32>
    %swap3A_100 = arith.constant 0 : index
    %swap3A_101 = arith.constant 640 : index
    %swap3A_102 = arith.constant 0 : index
    %swap3A_103 = vector.load %arg3[%swap3A_100, %swap3A_101, %swap3A_102] : memref<1x6272x128xf32, #tpu.memory_space<vmem>>, vector<1x128x128xf32>
    %swap3A_104 = vector.shape_cast %swap3A_103 : vector<1x128x128xf32> to vector<128x128xf32>
    %swap3A_105 = vector.shape_cast %dot_general3A_99 : vector<128x128xf32> to vector<1x128x128xf32>
    tpu.vector_store %arg3[%swap3A_100, %swap3A_101, %swap3A_102], %swap3A_105 {strides = array<i32>} : memref<1x6272x128xf32, #tpu.memory_space<vmem>>, vector<1x128x128xf32>,
    %slice3A_106 = vector.extract_strided_slice %get3A_3 {offsets = [0, 6144], sizes = [16, 128], strides = [1, 1]} : vector<16x50176xf32> to vector<16x128xf32>
    %slice3A_107 = vector.extract_strided_slice %get3A_3 {offsets = [0, 6272], sizes = [16, 128], strides = [1, 1]} : vector<16x50176xf32> to vector<16x128xf32>
    %slice3A_108 = vector.extract_strided_slice %get3A_3 {offsets = [0, 6400], sizes = [16, 128], strides = [1, 1]} : vector<16x50176xf32> to vector<16x128xf32>
    %slice3A_109 = vector.extract_strided_slice %get3A_3 {offsets = [0, 6528], sizes = [16, 128], strides = [1, 1]} : vector<16x50176xf32> to vector<16x128xf32>
    %slice3A_110 = vector.extract_strided_slice %get3A_3 {offsets = [0, 6656], sizes = [16, 128], strides = [1, 1]} : vector<16x50176xf32> to vector<16x128xf32>
    %slice3A_111 = vector.extract_strided_slice %get3A_3 {offsets = [0, 6784], sizes = [16, 128], strides = [1, 1]} : vector<16x50176xf32> to vector<16x128xf32>
    %slice3A_112 = vector.extract_strided_slice %get3A_3 {offsets = [0, 6912], sizes = [16, 128], strides = [1, 1]} : vector<16x50176xf32> to vector<16x128xf32>
    %slice3A_113 = vector.extract_strided_slice %get3A_3 {offsets = [0, 7040], sizes = [16, 128], strides = [1, 1]} : vector<16x50176xf32> to vector<16x128xf32>
    %concatenate3A_114 = tpu.concatenate %slice3A_106, %slice3A_107, %slice3A_108, %slice3A_109, %slice3A_110, %slice3A_111, %slice3A_112, %slice3A_113 in 0 : vector<16x128xf32>, vector<16x128xf32>, vector<16x128xf32>, vector<16x128xf32>, vector<16x128xf32>, vector<16x128xf32>, vector<16x128xf32>, vector<16x128xf32> -> vector<128x128xf32>
    %dot_general3A_115 = arith.constant dense<0.000000e+00> : vector<128x128xf32>
    %dot_general3A_116 = tpu.matmul %concatenate3A_114, %convert_element_type3A_7, %dot_general3A_115 {dimension_numbers = #tpu.dot_dimension_numbers<[0], [0], [1], [1], [0, 1, 1, 1], [], []>, transpose_lhs_hint = false} : vector<128x128xf32>, vector<128x128xf32>, vector<128x128xf32> -> vector<128x128xf32>
    %swap3A_117 = arith.constant 0 : index
    %swap3A_118 = arith.constant 768 : index
    %swap3A_119 = arith.constant 0 : index
    %swap3A_120 = vector.load %arg3[%swap3A_117, %swap3A_118, %swap3A_119] : memref<1x6272x128xf32, #tpu.memory_space<vmem>>, vector<1x128x128xf32>
    %swap3A_121 = vector.shape_cast %swap3A_120 : vector<1x128x128xf32> to vector<128x128xf32>
    %swap3A_122 = vector.shape_cast %dot_general3A_116 : vector<128x128xf32> to vector<1x128x128xf32>
    tpu.vector_store %arg3[%swap3A_117, %swap3A_118, %swap3A_119], %swap3A_122 {strides = array<i32>} : memref<1x6272x128xf32, #tpu.memory_space<vmem>>, vector<1x128x128xf32>,
    %slice3A_123 = vector.extract_strided_slice %get3A_3 {offsets = [0, 7168], sizes = [16, 128], strides = [1, 1]} : vector<16x50176xf32> to vector<16x128xf32>
    %slice3A_124 = vector.extract_strided_slice %get3A_3 {offsets = [0, 7296], sizes = [16, 128], strides = [1, 1]} : vector<16x50176xf32> to vector<16x128xf32>
    %slice3A_125 = vector.extract_strided_slice %get3A_3 {offsets = [0, 7424], sizes = [16, 128], strides = [1, 1]} : vector<16x50176xf32> to vector<16x128xf32>
    %slice3A_126 = vector.extract_strided_slice %get3A_3 {offsets = [0, 7552], sizes = [16, 128], strides = [1, 1]} : vector<16x50176xf32> to vector<16x128xf32>
    %slice3A_127 = vector.extract_strided_slice %get3A_3 {offsets = [0, 7680], sizes = [16, 128], strides = [1, 1]} : vector<16x50176xf32> to vector<16x128xf32>
    %slice3A_128 = vector.extract_strided_slice %get3A_3 {offsets = [0, 7808], sizes = [16, 128], strides = [1, 1]} : vector<16x50176xf32> to vector<16x128xf32>
    %slice3A_129 = vector.extract_strided_slice %get3A_3 {offsets = [0, 7936], sizes = [16, 128], strides = [1, 1]} : vector<16x50176xf32> to vector<16x128xf32>
    %slice3A_130 = vector.extract_strided_slice %get3A_3 {offsets = [0, 8064], sizes = [16, 128], strides = [1, 1]} : vector<16x50176xf32> to vector<16x128xf32>
    %concatenate3A_131 = tpu.concatenate %slice3A_123, %slice3A_124, %slice3A_125, %slice3A_126, %slice3A_127, %slice3A_128, %slice3A_129, %slice3A_130 in 0 : vector<16x128xf32>, vector<16x128xf32>, vector<16x128xf32>, vector<16x128xf32>, vector<16x128xf32>, vector<16x128xf32>, vector<16x128xf32>, vector<16x128xf32> -> vector<128x128xf32>
    %dot_general3A_132 = arith.constant dense<0.000000e+00> : vector<128x128xf32>
    %dot_general3A_133 = tpu.matmul %concatenate3A_131, %convert_element_type3A_7, %dot_general3A_132 {dimension_numbers = #tpu.dot_dimension_numbers<[0], [0], [1], [1], [0, 1, 1, 1], [], []>, transpose_lhs_hint = false} : vector<128x128xf32>, vector<128x128xf32>, vector<128x128xf32> -> vector<128x128xf32>
    %swap3A_134 = arith.constant 0 : index
    %swap3A_135 = arith.constant 896 : index
    %swap3A_136 = arith.constant 0 : index
    %swap3A_137 = vector.load %arg3[%swap3A_134, %swap3A_135, %swap3A_136] : memref<1x6272x128xf32, #tpu.memory_space<vmem>>, vector<1x128x128xf32>
    %swap3A_138 = vector.shape_cast %swap3A_137 : vector<1x128x128xf32> to vector<128x128xf32>
    %swap3A_139 = vector.shape_cast %dot_general3A_133 : vector<128x128xf32> to vector<1x128x128xf32>
    tpu.vector_store %arg3[%swap3A_134, %swap3A_135, %swap3A_136], %swap3A_139 {strides = array<i32>} : memref<1x6272x128xf32, #tpu.memory_space<vmem>>, vector<1x128x128xf32>,
    %slice3A_140 = vector.extract_strided_slice %get3A_3 {offsets = [0, 8192], sizes = [16, 128], strides = [1, 1]} : vector<16x50176xf32> to vector<16x128xf32>
    %slice3A_141 = vector.extract_strided_slice %get3A_3 {offsets = [0, 8320], sizes = [16, 128], strides = [1, 1]} : vector<16x50176xf32> to vector<16x128xf32>
    %slice3A_142 = vector.extract_strided_slice %get3A_3 {offsets = [0, 8448], sizes = [16, 128], strides = [1, 1]} : vector<16x50176xf32> to vector<16x128xf32>
    %slice3A_143 = vector.extract_strided_slice %get3A_3 {offsets = [0, 8576], sizes = [16, 128], strides = [1, 1]} : vector<16x50176xf32> to vector<16x128xf32>
    %slice3A_144 = vector.extract_strided_slice %get3A_3 {offsets = [0, 8704], sizes = [16, 128], strides = [1, 1]} : vector<16x50176xf32> to vector<16x128xf32>
    %slice3A_145 = vector.extract_strided_slice %get3A_3 {offsets = [0, 8832], sizes = [16, 128], strides = [1, 1]} : vector<16x50176xf32> to vector<16x128xf32>
    %slice3A_146 = vector.extract_strided_slice %get3A_3 {offsets = [0, 8960], sizes = [16, 128], strides = [1, 1]} : vector<16x50176xf32> to vector<16x128xf32>
    %slice3A_147 = vector.extract_strided_slice %get3A_3 {offsets = [0, 9088], sizes = [16, 128], strides = [1, 1]} : vector<16x50176xf32> to vector<16x128xf32>
    %concatenate3A_148 = tpu.concatenate %slice3A_140, %slice3A_141, %slice3A_142, %slice3A_143, %slice3A_144, %slice3A_145, %slice3A_146, %slice3A_147 in 0 : vector<16x128xf32>, vector<16x128xf32>, vector<16x128xf32>, vector<16x128xf32>, vector<16x128xf32>, vector<16x128xf32>, vector<16x128xf32>, vector<16x128xf32> -> vector<128x128xf32>
    %dot_general3A_149 = arith.constant dense<0.000000e+00> : vector<128x128xf32>
    %dot_general3A_150 = tpu.matmul %concatenate3A_148, %convert_element_type3A_7, %dot_general3A_149 {dimension_numbers = #tpu.dot_dimension_numbers<[0], [0], [1], [1], [0, 1, 1, 1], [], []>, transpose_lhs_hint = false} : vector<128x128xf32>, vector<128x128xf32>, vector<128x128xf32> -> vector<128x128xf32>
    %swap3A_151 = arith.constant 0 : index
    %swap3A_152 = arith.constant 1024 : index
    %swap3A_153 = arith.constant 0 : index
    %swap3A_154 = vector.load %arg3[%swap3A_151, %swap3A_152, %swap3A_153] : memref<1x6272x128xf32, #tpu.memory_space<vmem>>, vector<1x128x128xf32>
    %swap3A_155 = vector.shape_cast %swap3A_154 : vector<1x128x128xf32> to vector<128x128xf32>
    %swap3A_156 = vector.shape_cast %dot_general3A_150 : vector<128x128xf32> to vector<1x128x128xf32>
    tpu.vector_store %arg3[%swap3A_151, %swap3A_152, %swap3A_153], %swap3A_156 {strides = array<i32>} : memref<1x6272x128xf32, #tpu.memory_space<vmem>>, vector<1x128x128xf32>,
    %slice3A_157 = vector.extract_strided_slice %get3A_3 {offsets = [0, 9216], sizes = [16, 128], strides = [1, 1]} : vector<16x50176xf32> to vector<16x128xf32>
    %slice3A_158 = vector.extract_strided_slice %get3A_3 {offsets = [0, 9344], sizes = [16, 128], strides = [1, 1]} : vector<16x50176xf32> to vector<16x128xf32>
    %slice3A_159 = vector.extract_strided_slice %get3A_3 {offsets = [0, 9472], sizes = [16, 128], strides = [1, 1]} : vector<16x50176xf32> to vector<16x128xf32>
    %slice3A_160 = vector.extract_strided_slice %get3A_3 {offsets = [0, 9600], sizes = [16, 128], strides = [1, 1]} : vector<16x50176xf32> to vector<16x128xf32>
    %slice3A_161 = vector.extract_strided_slice %get3A_3 {offsets = [0, 9728], sizes = [16, 128], strides = [1, 1]} : vector<16x50176xf32> to vector<16x128xf32>
    %slice3A_162 = vector.extract_strided_slice %get3A_3 {offsets = [0, 9856], sizes = [16, 128], strides = [1, 1]} : vector<16x50176xf32> to vector<16x128xf32>
    %slice3A_163 = vector.extract_strided_slice %get3A_3 {offsets = [0, 9984], sizes = [16, 128], strides = [1, 1]} : vector<16x50176xf32> to vector<16x128xf32>
    %slice3A_164 = vector.extract_strided_slice %get3A_3 {offsets = [0, 10112], sizes = [16, 128], strides = [1, 1]} : vector<16x50176xf32> to vector<16x128xf32>
    %concatenate3A_165 = tpu.concatenate %slice3A_157, %slice3A_158, %slice3A_159, %slice3A_160, %slice3A_161, %slice3A_162, %slice3A_163, %slice3A_164 in 0 : vector<16x128xf32>, vector<16x128xf32>, vector<16x128xf32>, vector<16x128xf32>, vector<16x128xf32>, vector<16x128xf32>, vector<16x128xf32>, vector<16x128xf32> -> vector<128x128xf32>
    %dot_general3A_166 = arith.constant dense<0.000000e+00> : vector<128x128xf32>
    %dot_general3A_167 = tpu.matmul %concatenate3A_165, %convert_element_type3A_7, %dot_general3A_166 {dimension_numbers = #tpu.dot_dimension_numbers<[0], [0], [1], [1], [0, 1, 1, 1], [], []>, transpose_lhs_hint = false} : vector<128x128xf32>, vector<128x128xf32>, vector<128x128xf32> -> vector<128x128xf32>
    %swap3A_168 = arith.constant 0 : index
    %swap3A_169 = arith.constant 1152 : index
    %swap3A_170 = arith.constant 0 : index
    %swap3A_171 = vector.load %arg3[%swap3A_168, %swap3A_169, %swap3A_170] : memref<1x6272x128xf32, #tpu.memory_space<vmem>>, vector<1x128x128xf32>
    %swap3A_172 = vector.shape_cast %swap3A_171 : vector<1x128x128xf32> to vector<128x128xf32>
    %swap3A_173 = vector.shape_cast %dot_general3A_167 : vector<128x128xf32> to vector<1x128x128xf32>
    tpu.vector_store %arg3[%swap3A_168, %swap3A_169, %swap3A_170], %swap3A_173 {strides = array<i32>} : memref<1x6272x128xf32, #tpu.memory_space<vmem>>, vector<1x128x128xf32>,
    %slice3A_174 = vector.extract_strided_slice %get3A_3 {offsets = [0, 10240], sizes = [16, 128], strides = [1, 1]} : vector<16x50176xf32> to vector<16x128xf32>
    %slice3A_175 = vector.extract_strided_slice %get3A_3 {offsets = [0, 10368], sizes = [16, 128], strides = [1, 1]} : vector<16x50176xf32> to vector<16x128xf32>
    %slice3A_176 = vector.extract_strided_slice %get3A_3 {offsets = [0, 10496], sizes = [16, 128], strides = [1, 1]} : vector<16x50176xf32> to vector<16x128xf32>
    %slice3A_177 = vector.extract_strided_slice %get3A_3 {offsets = [0, 10624], sizes = [16, 128], strides = [1, 1]} : vector<16x50176xf32> to vector<16x128xf32>
    %slice3A_178 = vector.extract_strided_slice %get3A_3 {offsets = [0, 10752], sizes = [16, 128], strides = [1, 1]} : vector<16x50176xf32> to vector<16x128xf32>
    %slice3A_179 = vector.extract_strided_slice %get3A_3 {offsets = [0, 10880], sizes = [16, 128], strides = [1, 1]} : vector<16x50176xf32> to vector<16x128xf32>
    %slice3A_180 = vector.extract_strided_slice %get3A_3 {offsets = [0, 11008], sizes = [16, 128], strides = [1, 1]} : vector<16x50176xf32> to vector<16x128xf32>
    %slice3A_181 = vector.extract_strided_slice %get3A_3 {offsets = [0, 11136], sizes = [16, 128], strides = [1, 1]} : vector<16x50176xf32> to vector<16x128xf32>
    %concatenate3A_182 = tpu.concatenate %slice3A_174, %slice3A_175, %slice3A_176, %slice3A_177, %slice3A_178, %slice3A_179, %slice3A_180, %slice3A_181 in 0 : vector<16x128xf32>, vector<16x128xf32>, vector<16x128xf32>, vector<16x128xf32>, vector<16x128xf32>, vector<16x128xf32>, vector<16x128xf32>, vector<16x128xf32> -> vector<128x128xf32>
    %dot_general3A_183 = arith.constant dense<0.000000e+00> : vector<128x128xf32>
    %dot_general3A_184 = tpu.matmul %concatenate3A_182, %convert_element_type3A_7, %dot_general3A_183 {dimension_numbers = #tpu.dot_dimension_numbers<[0], [0], [1], [1], [0, 1, 1, 1], [], []>, transpose_lhs_hint = false} : vector<128x128xf32>, vector<128x128xf32>, vector<128x128xf32> -> vector<128x128xf32>
    %swap3A_185 = arith.constant 0 : index
    %swap3A_186 = arith.constant 1280 : index
    %swap3A_187 = arith.constant 0 : index
    %swap3A_188 = vector.load %arg3[%swap3A_185, %swap3A_186, %swap3A_187] : memref<1x6272x128xf32, #tpu.memory_space<vmem>>, vector<1x128x128xf32>
    %swap3A_189 = vector.shape_cast %swap3A_188 : vector<1x128x128xf32> to vector<128x128xf32>
    %swap3A_190 = vector.shape_cast %dot_general3A_184 : vector<128x128xf32> to vector<1x128x128xf32>
    tpu.vector_store %arg3[%swap3A_185, %swap3A_186, %swap3A_187], %swap3A_190 {strides = array<i32>} : memref<1x6272x128xf32, #tpu.memory_space<vmem>>, vector<1x128x128xf32>,
    %slice3A_191 = vector.extract_strided_slice %get3A_3 {offsets = [0, 11264], sizes = [16, 128], strides = [1, 1]} : vector<16x50176xf32> to vector<16x128xf32>
    %slice3A_192 = vector.extract_strided_slice %get3A_3 {offsets = [0, 11392], sizes = [16, 128], strides = [1, 1]} : vector<16x50176xf32> to vector<16x128xf32>
    %slice3A_193 = vector.extract_strided_slice %get3A_3 {offsets = [0, 11520], sizes = [16, 128], strides = [1, 1]} : vector<16x50176xf32> to vector<16x128xf32>
    %slice3A_194 = vector.extract_strided_slice %get3A_3 {offsets = [0, 11648], sizes = [16, 128], strides = [1, 1]} : vector<16x50176xf32> to vector<16x128xf32>
    %slice3A_195 = vector.extract_strided_slice %get3A_3 {offsets = [0, 11776], sizes = [16, 128], strides = [1, 1]} : vector<16x50176xf32> to vector<16x128xf32>
    %slice3A_196 = vector.extract_strided_slice %get3A_3 {offsets = [0, 11904], sizes = [16, 128], strides = [1, 1]} : vector<16x50176xf32> to vector<16x128xf32>
    %slice3A_197 = vector.extract_strided_slice %get3A_3 {offsets = [0, 12032], sizes = [16, 128], strides = [1, 1]} : vector<16x50176xf32> to vector<16x128xf32>
    %slice3A_198 = vector.extract_strided_slice %get3A_3 {offsets = [0, 12160], sizes = [16, 128], strides = [1, 1]} : vector<16x50176xf32> to vector<16x128xf32>
    %concatenate3A_199 = tpu.concatenate %slice3A_191, %slice3A_192, %slice3A_193, %slice3A_194, %slice3A_195, %slice3A_196, %slice3A_197, %slice3A_198 in 0 : vector<16x128xf32>, vector<16x128xf32>, vector<16x128xf32>, vector<16x128xf32>, vector<16x128xf32>, vector<16x128xf32>, vector<16x128xf32>, vector<16x128xf32> -> vector<128x128xf32>
    %dot_general3A_200 = arith.constant dense<0.000000e+00> : vector<128x128xf32>
    %dot_general3A_201 = tpu.matmul %concatenate3A_199, %convert_element_type3A_7, %dot_general3A_200 {dimension_numbers = #tpu.dot_dimension_numbers<[0], [0], [1], [1], [0, 1, 1, 1], [], []>, transpose_lhs_hint = false} : vector<128x128xf32>, vector<128x128xf32>, vector<128x128xf32> -> vector<128x128xf32>
    %swap3A_202 = arith.constant 0 : index
    %swap3A_203 = arith.constant 1408 : index
    %swap3A_204 = arith.constant 0 : index
    %swap3A_205 = vector.load %arg3[%swap3A_202, %swap3A_203, %swap3A_204] : memref<1x6272x128xf32, #tpu.memory_space<vmem>>, vector<1x128x128xf32>
    %swap3A_206 = vector.shape_cast %swap3A_205 : vector<1x128x128xf32> to vector<128x128xf32>
    %swap3A_207 = vector.shape_cast %dot_general3A_201 : vector<128x128xf32> to vector<1x128x128xf32>
    tpu.vector_store %arg3[%swap3A_202, %swap3A_203, %swap3A_204], %swap3A_207 {strides = array<i32>} : memref<1x6272x128xf32, #tpu.memory_space<vmem>>, vector<1x128x128xf32>,
    %slice3A_208 = vector.extract_strided_slice %get3A_3 {offsets = [0, 12288], sizes = [16, 128], strides = [1, 1]} : vector<16x50176xf32> to vector<16x128xf32>
    %slice3A_209 = vector.extract_strided_slice %get3A_3 {offsets = [0, 12416], sizes = [16, 128], strides = [1, 1]} : vector<16x50176xf32> to vector<16x128xf32>
    %slice3A_210 = vector.extract_strided_slice %get3A_3 {offsets = [0, 12544], sizes = [16, 128], strides = [1, 1]} : vector<16x50176xf32> to vector<16x128xf32>
    %slice3A_211 = vector.extract_strided_slice %get3A_3 {offsets = [0, 12672], sizes = [16, 128], strides = [1, 1]} : vector<16x50176xf32> to vector<16x128xf32>
    %slice3A_212 = vector.extract_strided_slice %get3A_3 {offsets = [0, 12800], sizes = [16, 128], strides = [1, 1]} : vector<16x50176xf32> to vector<16x128xf32>
    %slice3A_213 = vector.extract_strided_slice %get3A_3 {offsets = [0, 12928], sizes = [16, 128], strides = [1, 1]} : vector<16x50176xf32> to vector<16x128xf32>
    %slice3A_214 = vector.extract_strided_slice %get3A_3 {offsets = [0, 13056], sizes = [16, 128], strides = [1, 1]} : vector<16x50176xf32> to vector<16x128xf32>
    %slice3A_215 = vector.extract_strided_slice %get3A_3 {offsets = [0, 13184], sizes = [16, 128], strides = [1, 1]} : vector<16x50176xf32> to vector<16x128xf32>
    %concatenate3A_216 = tpu.concatenate %slice3A_208, %slice3A_209, %slice3A_210, %slice3A_211, %slice3A_212, %slice3A_213, %slice3A_214, %slice3A_215 in 0 : vector<16x128xf32>, vector<16x128xf32>, vector<16x128xf32>, vector<16x128xf32>, vector<16x128xf32>, vector<16x128xf32>, vector<16x128xf32>, vector<16x128xf32> -> vector<128x128xf32>
    %dot_general3A_217 = arith.constant dense<0.000000e+00> : vector<128x128xf32>
    %dot_general3A_218 = tpu.matmul %concatenate3A_216, %convert_element_type3A_7, %dot_general3A_217 {dimension_numbers = #tpu.dot_dimension_numbers<[0], [0], [1], [1], [0, 1, 1, 1], [], []>, transpose_lhs_hint = false} : vector<128x128xf32>, vector<128x128xf32>, vector<128x128xf32> -> vector<128x128xf32>
    %swap3A_219 = arith.constant 0 : index
    %swap3A_220 = arith.constant 1536 : index
    %swap3A_221 = arith.constant 0 : index
    %swap3A_222 = vector.load %arg3[%swap3A_219, %swap3A_220, %swap3A_221] : memref<1x6272x128xf32, #tpu.memory_space<vmem>>, vector<1x128x128xf32>
    %swap3A_223 = vector.shape_cast %swap3A_222 : vector<1x128x128xf32> to vector<128x128xf32>
    %swap3A_224 = vector.shape_cast %dot_general3A_218 : vector<128x128xf32> to vector<1x128x128xf32>
    tpu.vector_store %arg3[%swap3A_219, %swap3A_220, %swap3A_221], %swap3A_224 {strides = array<i32>} : memref<1x6272x128xf32, #tpu.memory_space<vmem>>, vector<1x128x128xf32>,
    %slice3A_225 = vector.extract_strided_slice %get3A_3 {offsets = [0, 13312], sizes = [16, 128], strides = [1, 1]} : vector<16x50176xf32> to vector<16x128xf32>
    %slice3A_226 = vector.extract_strided_slice %get3A_3 {offsets = [0, 13440], sizes = [16, 128], strides = [1, 1]} : vector<16x50176xf32> to vector<16x128xf32>
    %slice3A_227 = vector.extract_strided_slice %get3A_3 {offsets = [0, 13568], sizes = [16, 128], strides = [1, 1]} : vector<16x50176xf32> to vector<16x128xf32>
    %slice3A_228 = vector.extract_strided_slice %get3A_3 {offsets = [0, 13696], sizes = [16, 128], strides = [1, 1]} : vector<16x50176xf32> to vector<16x128xf32>
    %slice3A_229 = vector.extract_strided_slice %get3A_3 {offsets = [0, 13824], sizes = [16, 128], strides = [1, 1]} : vector<16x50176xf32> to vector<16x128xf32>
    %slice3A_230 = vector.extract_strided_slice %get3A_3 {offsets = [0, 13952], sizes = [16, 128], strides = [1, 1]} : vector<16x50176xf32> to vector<16x128xf32>
    %slice3A_231 = vector.extract_strided_slice %get3A_3 {offsets = [0, 14080], sizes = [16, 128], strides = [1, 1]} : vector<16x50176xf32> to vector<16x128xf32>
    %slice3A_232 = vector.extract_strided_slice %get3A_3 {offsets = [0, 14208], sizes = [16, 128], strides = [1, 1]} : vector<16x50176xf32> to vector<16x128xf32>
    %concatenate3A_233 = tpu.concatenate %slice3A_225, %slice3A_226, %slice3A_227, %slice3A_228, %slice3A_229, %slice3A_230, %slice3A_231, %slice3A_232 in 0 : vector<16x128xf32>, vector<16x128xf32>, vector<16x128xf32>, vector<16x128xf32>, vector<16x128xf32>, vector<16x128xf32>, vector<16x128xf32>, vector<16x128xf32> -> vector<128x128xf32>
    %dot_general3A_234 = arith.constant dense<0.000000e+00> : vector<128x128xf32>
    %dot_general3A_235 = tpu.matmul %concatenate3A_233, %convert_element_type3A_7, %dot_general3A_234 {dimension_numbers = #tpu.dot_dimension_numbers<[0], [0], [1], [1], [0, 1, 1, 1], [], []>, transpose_lhs_hint = false} : vector<128x128xf32>, vector<128x128xf32>, vector<128x128xf32> -> vector<128x128xf32>
    %swap3A_236 = arith.constant 0 : index
    %swap3A_237 = arith.constant 1664 : index
    %swap3A_238 = arith.constant 0 : index
    %swap3A_239 = vector.load %arg3[%swap3A_236, %swap3A_237, %swap3A_238] : memref<1x6272x128xf32, #tpu.memory_space<vmem>>, vector<1x128x128xf32>
    %swap3A_240 = vector.shape_cast %swap3A_239 : vector<1x128x128xf32> to vector<128x128xf32>
    %swap3A_241 = vector.shape_cast %dot_general3A_235 : vector<128x128xf32> to vector<1x128x128xf32>
    tpu.vector_store %arg3[%swap3A_236, %swap3A_237, %swap3A_238], %swap3A_241 {strides = array<i32>} : memref<1x6272x128xf32, #tpu.memory_space<vmem>>, vector<1x128x128xf32>,
    %slice3A_242 = vector.extract_strided_slice %get3A_3 {offsets = [0, 14336], sizes = [16, 128], strides = [1, 1]} : vector<16x50176xf32> to vector<16x128xf32>
    %slice3A_243 = vector.extract_strided_slice %get3A_3 {offsets = [0, 14464], sizes = [16, 128], strides = [1, 1]} : vector<16x50176xf32> to vector<16x128xf32>
    %slice3A_244 = vector.extract_strided_slice %get3A_3 {offsets = [0, 14592], sizes = [16, 128], strides = [1, 1]} : vector<16x50176xf32> to vector<16x128xf32>
    %slice3A_245 = vector.extract_strided_slice %get3A_3 {offsets = [0, 14720], sizes = [16, 128], strides = [1, 1]} : vector<16x50176xf32> to vector<16x128xf32>
    %slice3A_246 = vector.extract_strided_slice %get3A_3 {offsets = [0, 14848], sizes = [16, 128], strides = [1, 1]} : vector<16x50176xf32> to vector<16x128xf32>
    %slice3A_247 = vector.extract_strided_slice %get3A_3 {offsets = [0, 14976], sizes = [16, 128], strides = [1, 1]} : vector<16x50176xf32> to vector<16x128xf32>
    %slice3A_248 = vector.extract_strided_slice %get3A_3 {offsets = [0, 15104], sizes = [16, 128], strides = [1, 1]} : vector<16x50176xf32> to vector<16x128xf32>
    %slice3A_249 = vector.extract_strided_slice %get3A_3 {offsets = [0, 15232], sizes = [16, 128], strides = [1, 1]} : vector<16x50176xf32> to vector<16x128xf32>
    %concatenate3A_250 = tpu.concatenate %slice3A_242, %slice3A_243, %slice3A_244, %slice3A_245, %slice3A_246, %slice3A_247, %slice3A_248, %slice3A_249 in 0 : vector<16x128xf32>, vector<16x128xf32>, vector<16x128xf32>, vector<16x128xf32>, vector<16x128xf32>, vector<16x128xf32>, vector<16x128xf32>, vector<16x128xf32> -> vector<128x128xf32>
    %dot_general3A_251 = arith.constant dense<0.000000e+00> : vector<128x128xf32>
    %dot_general3A_252 = tpu.matmul %concatenate3A_250, %convert_element_type3A_7, %dot_general3A_251 {dimension_numbers = #tpu.dot_dimension_numbers<[0], [0], [1], [1], [0, 1, 1, 1], [], []>, transpose_lhs_hint = false} : vector<128x128xf32>, vector<128x128xf32>, vector<128x128xf32> -> vector<128x128xf32>
    %swap3A_253 = arith.constant 0 : index
    %swap3A_254 = arith.constant 1792 : index
    %swap3A_255 = arith.constant 0 : index
    %swap3A_256 = vector.load %arg3[%swap3A_253, %swap3A_254, %swap3A_255] : memref<1x6272x128xf32, #tpu.memory_space<vmem>>, vector<1x128x128xf32>
    %swap3A_257 = vector.shape_cast %swap3A_256 : vector<1x128x128xf32> to vector<128x128xf32>
    %swap3A_258 = vector.shape_cast %dot_general3A_252 : vector<128x128xf32> to vector<1x128x128xf32>
    tpu.vector_store %arg3[%swap3A_253, %swap3A_254, %swap3A_255], %swap3A_258 {strides = array<i32>} : memref<1x6272x128xf32, #tpu.memory_space<vmem>>, vector<1x128x128xf32>,
    %slice3A_259 = vector.extract_strided_slice %get3A_3 {offsets = [0, 15360], sizes = [16, 128], strides = [1, 1]} : vector<16x50176xf32> to vector<16x128xf32>
    %slice3A_260 = vector.extract_strided_slice %get3A_3 {offsets = [0, 15488], sizes = [16, 128], strides = [1, 1]} : vector<16x50176xf32> to vector<16x128xf32>
    %slice3A_261 = vector.extract_strided_slice %get3A_3 {offsets = [0, 15616], sizes = [16, 128], strides = [1, 1]} : vector<16x50176xf32> to vector<16x128xf32>
    %slice3A_262 = vector.extract_strided_slice %get3A_3 {offsets = [0, 15744], sizes = [16, 128], strides = [1, 1]} : vector<16x50176xf32> to vector<16x128xf32>
    %slice3A_263 = vector.extract_strided_slice %get3A_3 {offsets = [0, 15872], sizes = [16, 128], strides = [1, 1]} : vector<16x50176xf32> to vector<16x128xf32>
    %slice3A_264 = vector.extract_strided_slice %get3A_3 {offsets = [0, 16000], sizes = [16, 128], strides = [1, 1]} : vector<16x50176xf32> to vector<16x128xf32>
    %slice3A_265 = vector.extract_strided_slice %get3A_3 {offsets = [0, 16128], sizes = [16, 128], strides = [1, 1]} : vector<16x50176xf32> to vector<16x128xf32>
    %slice3A_266 = vector.extract_strided_slice %get3A_3 {offsets = [0, 16256], sizes = [16, 128], strides = [1, 1]} : vector<16x50176xf32> to vector<16x128xf32>
    %concatenate3A_267 = tpu.concatenate %slice3A_259, %slice3A_260, %slice3A_261, %slice3A_262, %slice3A_263, %slice3A_264, %slice3A_265, %slice3A_266 in 0 : vector<16x128xf32>, vector<16x128xf32>, vector<16x128xf32>, vector<16x128xf32>, vector<16x128xf32>, vector<16x128xf32>, vector<16x128xf32>, vector<16x128xf32> -> vector<128x128xf32>
    %dot_general3A_268 = arith.constant dense<0.000000e+00> : vector<128x128xf32>
    %dot_general3A_269 = tpu.matmul %concatenate3A_267, %convert_element_type3A_7, %dot_general3A_268 {dimension_numbers = #tpu.dot_dimension_numbers<[0], [0], [1], [1], [0, 1, 1, 1], [], []>, transpose_lhs_hint = false} : vector<128x128xf32>, vector<128x128xf32>, vector<128x128xf32> -> vector<128x128xf32>
    %swap3A_270 = arith.constant 0 : index
    %swap3A_271 = arith.constant 1920 : index
    %swap3A_272 = arith.constant 0 : index
    %swap3A_273 = vector.load %arg3[%swap3A_270, %swap3A_271, %swap3A_272] : memref<1x6272x128xf32, #tpu.memory_space<vmem>>, vector<1x128x128xf32>
    %swap3A_274 = vector.shape_cast %swap3A_273 : vector<1x128x128xf32> to vector<128x128xf32>
    %swap3A_275 = vector.shape_cast %dot_general3A_269 : vector<128x128xf32> to vector<1x128x128xf32>
    tpu.vector_store %arg3[%swap3A_270, %swap3A_271, %swap3A_272], %swap3A_275 {strides = array<i32>} : memref<1x6272x128xf32, #tpu.memory_space<vmem>>, vector<1x128x128xf32>,
    %slice3A_276 = vector.extract_strided_slice %get3A_3 {offsets = [0, 16384], sizes = [16, 128], strides = [1, 1]} : vector<16x50176xf32> to vector<16x128xf32>
    %slice3A_277 = vector.extract_strided_slice %get3A_3 {offsets = [0, 16512], sizes = [16, 128], strides = [1, 1]} : vector<16x50176xf32> to vector<16x128xf32>
    %slice3A_278 = vector.extract_strided_slice %get3A_3 {offsets = [0, 16640], sizes = [16, 128], strides = [1, 1]} : vector<16x50176xf32> to vector<16x128xf32>
    %slice3A_279 = vector.extract_strided_slice %get3A_3 {offsets = [0, 16768], sizes = [16, 128], strides = [1, 1]} : vector<16x50176xf32> to vector<16x128xf32>
    %slice3A_280 = vector.extract_strided_slice %get3A_3 {offsets = [0, 16896], sizes = [16, 128], strides = [1, 1]} : vector<16x50176xf32> to vector<16x128xf32>
    %slice3A_281 = vector.extract_strided_slice %get3A_3 {offsets = [0, 17024], sizes = [16, 128], strides = [1, 1]} : vector<16x50176xf32> to vector<16x128xf32>
    %slice3A_282 = vector.extract_strided_slice %get3A_3 {offsets = [0, 17152], sizes = [16, 128], strides = [1, 1]} : vector<16x50176xf32> to vector<16x128xf32>
    %slice3A_283 = vector.extract_strided_slice %get3A_3 {offsets = [0, 17280], sizes = [16, 128], strides = [1, 1]} : vector<16x50176xf32> to vector<16x128xf32>
    %concatenate3A_284 = tpu.concatenate %slice3A_276, %slice3A_277, %slice3A_278, %slice3A_279, %slice3A_280, %slice3A_281, %slice3A_282, %slice3A_283 in 0 : vector<16x128xf32>, vector<16x128xf32>, vector<16x128xf32>, vector<16x128xf32>, vector<16x128xf32>, vector<16x128xf32>, vector<16x128xf32>, vector<16x128xf32> -> vector<128x128xf32>
    %dot_general3A_285 = arith.constant dense<0.000000e+00> : vector<128x128xf32>
    %dot_general3A_286 = tpu.matmul %concatenate3A_284, %convert_element_type3A_7, %dot_general3A_285 {dimension_numbers = #tpu.dot_dimension_numbers<[0], [0], [1], [1], [0, 1, 1, 1], [], []>, transpose_lhs_hint = false} : vector<128x128xf32>, vector<128x128xf32>, vector<128x128xf32> -> vector<128x128xf32>
    %swap3A_287 = arith.constant 0 : index
    %swap3A_288 = arith.constant 2048 : index
    %swap3A_289 = arith.constant 0 : index
    %swap3A_290 = vector.load %arg3[%swap3A_287, %swap3A_288, %swap3A_289] : memref<1x6272x128xf32, #tpu.memory_space<vmem>>, vector<1x128x128xf32>
    %swap3A_291 = vector.shape_cast %swap3A_290 : vector<1x128x128xf32> to vector<128x128xf32>
    %swap3A_292 = vector.shape_cast %dot_general3A_286 : vector<128x128xf32> to vector<1x128x128xf32>
    tpu.vector_store %arg3[%swap3A_287, %swap3A_288, %swap3A_289], %swap3A_292 {strides = array<i32>} : memref<1x6272x128xf32, #tpu.memory_space<vmem>>, vector<1x128x128xf32>,
    %slice3A_293 = vector.extract_strided_slice %get3A_3 {offsets = [0, 17408], sizes = [16, 128], strides = [1, 1]} : vector<16x50176xf32> to vector<16x128xf32>
    %slice3A_294 = vector.extract_strided_slice %get3A_3 {offsets = [0, 17536], sizes = [16, 128], strides = [1, 1]} : vector<16x50176xf32> to vector<16x128xf32>
    %slice3A_295 = vector.extract_strided_slice %get3A_3 {offsets = [0, 17664], sizes = [16, 128], strides = [1, 1]} : vector<16x50176xf32> to vector<16x128xf32>
    %slice3A_296 = vector.extract_strided_slice %get3A_3 {offsets = [0, 17792], sizes = [16, 128], strides = [1, 1]} : vector<16x50176xf32> to vector<16x128xf32>
    %slice3A_297 = vector.extract_strided_slice %get3A_3 {offsets = [0, 17920], sizes = [16, 128], strides = [1, 1]} : vector<16x50176xf32> to vector<16x128xf32>
    %slice3A_298 = vector.extract_strided_slice %get3A_3 {offsets = [0, 18048], sizes = [16, 128], strides = [1, 1]} : vector<16x50176xf32> to vector<16x128xf32>
    %slice3A_299 = vector.extract_strided_slice %get3A_3 {offsets = [0, 18176], sizes = [16, 128], strides = [1, 1]} : vector<16x50176xf32> to vector<16x128xf32>
    %slice3A_300 = vector.extract_strided_slice %get3A_3 {offsets = [0, 18304], sizes = [16, 128], strides = [1, 1]} : vector<16x50176xf32> to vector<16x128xf32>
    %concatenate3A_301 = tpu.concatenate %slice3A_293, %slice3A_294, %slice3A_295, %slice3A_296, %slice3A_297, %slice3A_298, %slice3A_299, %slice3A_300 in 0 : vector<16x128xf32>, vector<16x128xf32>, vector<16x128xf32>, vector<16x128xf32>, vector<16x128xf32>, vector<16x128xf32>, vector<16x128xf32>, vector<16x128xf32> -> vector<128x128xf32>
    %dot_general3A_302 = arith.constant dense<0.000000e+00> : vector<128x128xf32>
    %dot_general3A_303 = tpu.matmul %concatenate3A_301, %convert_element_type3A_7, %dot_general3A_302 {dimension_numbers = #tpu.dot_dimension_numbers<[0], [0], [1], [1], [0, 1, 1, 1], [], []>, transpose_lhs_hint = false} : vector<128x128xf32>, vector<128x128xf32>, vector<128x128xf32> -> vector<128x128xf32>
    %swap3A_304 = arith.constant 0 : index
    %swap3A_305 = arith.constant 2176 : index
    %swap3A_306 = arith.constant 0 : index
    %swap3A_307 = vector.load %arg3[%swap3A_304, %swap3A_305, %swap3A_306] : memref<1x6272x128xf32, #tpu.memory_space<vmem>>, vector<1x128x128xf32>
    %swap3A_308 = vector.shape_cast %swap3A_307 : vector<1x128x128xf32> to vector<128x128xf32>
    %swap3A_309 = vector.shape_cast %dot_general3A_303 : vector<128x128xf32> to vector<1x128x128xf32>
    tpu.vector_store %arg3[%swap3A_304, %swap3A_305, %swap3A_306], %swap3A_309 {strides = array<i32>} : memref<1x6272x128xf32, #tpu.memory_space<vmem>>, vector<1x128x128xf32>,
    %slice3A_310 = vector.extract_strided_slice %get3A_3 {offsets = [0, 18432], sizes = [16, 128], strides = [1, 1]} : vector<16x50176xf32> to vector<16x128xf32>
    %slice3A_311 = vector.extract_strided_slice %get3A_3 {offsets = [0, 18560], sizes = [16, 128], strides = [1, 1]} : vector<16x50176xf32> to vector<16x128xf32>
    %slice3A_312 = vector.extract_strided_slice %get3A_3 {offsets = [0, 18688], sizes = [16, 128], strides = [1, 1]} : vector<16x50176xf32> to vector<16x128xf32>
    %slice3A_313 = vector.extract_strided_slice %get3A_3 {offsets = [0, 18816], sizes = [16, 128], strides = [1, 1]} : vector<16x50176xf32> to vector<16x128xf32>
    %slice3A_314 = vector.extract_strided_slice %get3A_3 {offsets = [0, 18944], sizes = [16, 128], strides = [1, 1]} : vector<16x50176xf32> to vector<16x128xf32>
    %slice3A_315 = vector.extract_strided_slice %get3A_3 {offsets = [0, 19072], sizes = [16, 128], strides = [1, 1]} : vector<16x50176xf32> to vector<16x128xf32>
    %slice3A_316 = vector.extract_strided_slice %get3A_3 {offsets = [0, 19200], sizes = [16, 128], strides = [1, 1]} : vector<16x50176xf32> to vector<16x128xf32>
    %slice3A_317 = vector.extract_strided_slice %get3A_3 {offsets = [0, 19328], sizes = [16, 128], strides = [1, 1]} : vector<16x50176xf32> to vector<16x128xf32>
    %concatenate3A_318 = tpu.concatenate %slice3A_310, %slice3A_311, %slice3A_312, %slice3A_313, %slice3A_314, %slice3A_315, %slice3A_316, %slice3A_317 in 0 : vector<16x128xf32>, vector<16x128xf32>, vector<16x128xf32>, vector<16x128xf32>, vector<16x128xf32>, vector<16x128xf32>, vector<16x128xf32>, vector<16x128xf32> -> vector<128x128xf32>
    %dot_general3A_319 = arith.constant dense<0.000000e+00> : vector<128x128xf32>
    %dot_general3A_320 = tpu.matmul %concatenate3A_318, %convert_element_type3A_7, %dot_general3A_319 {dimension_numbers = #tpu.dot_dimension_numbers<[0], [0], [1], [1], [0, 1, 1, 1], [], []>, transpose_lhs_hint = false} : vector<128x128xf32>, vector<128x128xf32>, vector<128x128xf32> -> vector<128x128xf32>
    %swap3A_321 = arith.constant 0 : index
    %swap3A_322 = arith.constant 2304 : index
    %swap3A_323 = arith.constant 0 : index
    %swap3A_324 = vector.load %arg3[%swap3A_321, %swap3A_322, %swap3A_323] : memref<1x6272x128xf32, #tpu.memory_space<vmem>>, vector<1x128x128xf32>
    %swap3A_325 = vector.shape_cast %swap3A_324 : vector<1x128x128xf32> to vector<128x128xf32>
    %swap3A_326 = vector.shape_cast %dot_general3A_320 : vector<128x128xf32> to vector<1x128x128xf32>
    tpu.vector_store %arg3[%swap3A_321, %swap3A_322, %swap3A_323], %swap3A_326 {strides = array<i32>} : memref<1x6272x128xf32, #tpu.memory_space<vmem>>, vector<1x128x128xf32>,
    %slice3A_327 = vector.extract_strided_slice %get3A_3 {offsets = [0, 19456], sizes = [16, 128], strides = [1, 1]} : vector<16x50176xf32> to vector<16x128xf32>
    %slice3A_328 = vector.extract_strided_slice %get3A_3 {offsets = [0, 19584], sizes = [16, 128], strides = [1, 1]} : vector<16x50176xf32> to vector<16x128xf32>
    %slice3A_329 = vector.extract_strided_slice %get3A_3 {offsets = [0, 19712], sizes = [16, 128], strides = [1, 1]} : vector<16x50176xf32> to vector<16x128xf32>
    %slice3A_330 = vector.extract_strided_slice %get3A_3 {offsets = [0, 19840], sizes = [16, 128], strides = [1, 1]} : vector<16x50176xf32> to vector<16x128xf32>
    %slice3A_331 = vector.extract_strided_slice %get3A_3 {offsets = [0, 19968], sizes = [16, 128], strides = [1, 1]} : vector<16x50176xf32> to vector<16x128xf32>
    %slice3A_332 = vector.extract_strided_slice %get3A_3 {offsets = [0, 20096], sizes = [16, 128], strides = [1, 1]} : vector<16x50176xf32> to vector<16x128xf32>
    %slice3A_333 = vector.extract_strided_slice %get3A_3 {offsets = [0, 20224], sizes = [16, 128], strides = [1, 1]} : vector<16x50176xf32> to vector<16x128xf32>
    %slice3A_334 = vector.extract_strided_slice %get3A_3 {offsets = [0, 20352], sizes = [16, 128], strides = [1, 1]} : vector<16x50176xf32> to vector<16x128xf32>
    %concatenate3A_335 = tpu.concatenate %slice3A_327, %slice3A_328, %slice3A_329, %slice3A_330, %slice3A_331, %slice3A_332, %slice3A_333, %slice3A_334 in 0 : vector<16x128xf32>, vector<16x128xf32>, vector<16x128xf32>, vector<16x128xf32>, vector<16x128xf32>, vector<16x128xf32>, vector<16x128xf32>, vector<16x128xf32> -> vector<128x128xf32>
    %dot_general3A_336 = arith.constant dense<0.000000e+00> : vector<128x128xf32>
    %dot_general3A_337 = tpu.matmul %concatenate3A_335, %convert_element_type3A_7, %dot_general3A_336 {dimension_numbers = #tpu.dot_dimension_numbers<[0], [0], [1], [1], [0, 1, 1, 1], [], []>, transpose_lhs_hint = false} : vector<128x128xf32>, vector<128x128xf32>, vector<128x128xf32> -> vector<128x128xf32>
    %swap3A_338 = arith.constant 0 : index
    %swap3A_339 = arith.constant 2432 : index
    %swap3A_340 = arith.constant 0 : index
    %swap3A_341 = vector.load %arg3[%swap3A_338, %swap3A_339, %swap3A_340] : memref<1x6272x128xf32, #tpu.memory_space<vmem>>, vector<1x128x128xf32>
    %swap3A_342 = vector.shape_cast %swap3A_341 : vector<1x128x128xf32> to vector<128x128xf32>
    %swap3A_343 = vector.shape_cast %dot_general3A_337 : vector<128x128xf32> to vector<1x128x128xf32>
    tpu.vector_store %arg3[%swap3A_338, %swap3A_339, %swap3A_340], %swap3A_343 {strides = array<i32>} : memref<1x6272x128xf32, #tpu.memory_space<vmem>>, vector<1x128x128xf32>,
    %slice3A_344 = vector.extract_strided_slice %get3A_3 {offsets = [0, 20480], sizes = [16, 128], strides = [1, 1]} : vector<16x50176xf32> to vector<16x128xf32>
    %slice3A_345 = vector.extract_strided_slice %get3A_3 {offsets = [0, 20608], sizes = [16, 128], strides = [1, 1]} : vector<16x50176xf32> to vector<16x128xf32>
    %slice3A_346 = vector.extract_strided_slice %get3A_3 {offsets = [0, 20736], sizes = [16, 128], strides = [1, 1]} : vector<16x50176xf32> to vector<16x128xf32>
    %slice3A_347 = vector.extract_strided_slice %get3A_3 {offsets = [0, 20864], sizes = [16, 128], strides = [1, 1]} : vector<16x50176xf32> to vector<16x128xf32>
    %slice3A_348 = vector.extract_strided_slice %get3A_3 {offsets = [0, 20992], sizes = [16, 128], strides = [1, 1]} : vector<16x50176xf32> to vector<16x128xf32>
    %slice3A_349 = vector.extract_strided_slice %get3A_3 {offsets = [0, 21120], sizes = [16, 128], strides = [1, 1]} : vector<16x50176xf32> to vector<16x128xf32>
    %slice3A_350 = vector.extract_strided_slice %get3A_3 {offsets = [0, 21248], sizes = [16, 128], strides = [1, 1]} : vector<16x50176xf32> to vector<16x128xf32>
    %slice3A_351 = vector.extract_strided_slice %get3A_3 {offsets = [0, 21376], sizes = [16, 128], strides = [1, 1]} : vector<16x50176xf32> to vector<16x128xf32>
    %concatenate3A_352 = tpu.concatenate %slice3A_344, %slice3A_345, %slice3A_346, %slice3A_347, %slice3A_348, %slice3A_349, %slice3A_350, %slice3A_351 in 0 : vector<16x128xf32>, vector<16x128xf32>, vector<16x128xf32>, vector<16x128xf32>, vector<16x128xf32>, vector<16x128xf32>, vector<16x128xf32>, vector<16x128xf32> -> vector<128x128xf32>
    %dot_general3A_353 = arith.constant dense<0.000000e+00> : vector<128x128xf32>
    %dot_general3A_354 = tpu.matmul %concatenate3A_352, %convert_element_type3A_7, %dot_general3A_353 {dimension_numbers = #tpu.dot_dimension_numbers<[0], [0], [1], [1], [0, 1, 1, 1], [], []>, transpose_lhs_hint = false} : vector<128x128xf32>, vector<128x128xf32>, vector<128x128xf32> -> vector<128x128xf32>
    %swap3A_355 = arith.constant 0 : index
    %swap3A_356 = arith.constant 2560 : index
    %swap3A_357 = arith.constant 0 : index
    %swap3A_358 = vector.load %arg3[%swap3A_355, %swap3A_356, %swap3A_357] : memref<1x6272x128xf32, #tpu.memory_space<vmem>>, vector<1x128x128xf32>
    %swap3A_359 = vector.shape_cast %swap3A_358 : vector<1x128x128xf32> to vector<128x128xf32>
    %swap3A_360 = vector.shape_cast %dot_general3A_354 : vector<128x128xf32> to vector<1x128x128xf32>
    tpu.vector_store %arg3[%swap3A_355, %swap3A_356, %swap3A_357], %swap3A_360 {strides = array<i32>} : memref<1x6272x128xf32, #tpu.memory_space<vmem>>, vector<1x128x128xf32>,
    %slice3A_361 = vector.extract_strided_slice %get3A_3 {offsets = [0, 21504], sizes = [16, 128], strides = [1, 1]} : vector<16x50176xf32> to vector<16x128xf32>
    %slice3A_362 = vector.extract_strided_slice %get3A_3 {offsets = [0, 21632], sizes = [16, 128], strides = [1, 1]} : vector<16x50176xf32> to vector<16x128xf32>
    %slice3A_363 = vector.extract_strided_slice %get3A_3 {offsets = [0, 21760], sizes = [16, 128], strides = [1, 1]} : vector<16x50176xf32> to vector<16x128xf32>
    %slice3A_364 = vector.extract_strided_slice %get3A_3 {offsets = [0, 21888], sizes = [16, 128], strides = [1, 1]} : vector<16x50176xf32> to vector<16x128xf32>
    %slice3A_365 = vector.extract_strided_slice %get3A_3 {offsets = [0, 22016], sizes = [16, 128], strides = [1, 1]} : vector<16x50176xf32> to vector<16x128xf32>
    %slice3A_366 = vector.extract_strided_slice %get3A_3 {offsets = [0, 22144], sizes = [16, 128], strides = [1, 1]} : vector<16x50176xf32> to vector<16x128xf32>
    %slice3A_367 = vector.extract_strided_slice %get3A_3 {offsets = [0, 22272], sizes = [16, 128], strides = [1, 1]} : vector<16x50176xf32> to vector<16x128xf32>
    %slice3A_368 = vector.extract_strided_slice %get3A_3 {offsets = [0, 22400], sizes = [16, 128], strides = [1, 1]} : vector<16x50176xf32> to vector<16x128xf32>
    %concatenate3A_369 = tpu.concatenate %slice3A_361, %slice3A_362, %slice3A_363, %slice3A_364, %slice3A_365, %slice3A_366, %slice3A_367, %slice3A_368 in 0 : vector<16x128xf32>, vector<16x128xf32>, vector<16x128xf32>, vector<16x128xf32>, vector<16x128xf32>, vector<16x128xf32>, vector<16x128xf32>, vector<16x128xf32> -> vector<128x128xf32>
    %dot_general3A_370 = arith.constant dense<0.000000e+00> : vector<128x128xf32>
    %dot_general3A_371 = tpu.matmul %concatenate3A_369, %convert_element_type3A_7, %dot_general3A_370 {dimension_numbers = #tpu.dot_dimension_numbers<[0], [0], [1], [1], [0, 1, 1, 1], [], []>, transpose_lhs_hint = false} : vector<128x128xf32>, vector<128x128xf32>, vector<128x128xf32> -> vector<128x128xf32>
    %swap3A_372 = arith.constant 0 : index
    %swap3A_373 = arith.constant 2688 : index
    %swap3A_374 = arith.constant 0 : index
    %swap3A_375 = vector.load %arg3[%swap3A_372, %swap3A_373, %swap3A_374] : memref<1x6272x128xf32, #tpu.memory_space<vmem>>, vector<1x128x128xf32>
    %swap3A_376 = vector.shape_cast %swap3A_375 : vector<1x128x128xf32> to vector<128x128xf32>
    %swap3A_377 = vector.shape_cast %dot_general3A_371 : vector<128x128xf32> to vector<1x128x128xf32>
    tpu.vector_store %arg3[%swap3A_372, %swap3A_373, %swap3A_374], %swap3A_377 {strides = array<i32>} : memref<1x6272x128xf32, #tpu.memory_space<vmem>>, vector<1x128x128xf32>,
    %slice3A_378 = vector.extract_strided_slice %get3A_3 {offsets = [0, 22528], sizes = [16, 128], strides = [1, 1]} : vector<16x50176xf32> to vector<16x128xf32>
    %slice3A_379 = vector.extract_strided_slice %get3A_3 {offsets = [0, 22656], sizes = [16, 128], strides = [1, 1]} : vector<16x50176xf32> to vector<16x128xf32>
    %slice3A_380 = vector.extract_strided_slice %get3A_3 {offsets = [0, 22784], sizes = [16, 128], strides = [1, 1]} : vector<16x50176xf32> to vector<16x128xf32>
    %slice3A_381 = vector.extract_strided_slice %get3A_3 {offsets = [0, 22912], sizes = [16, 128], strides = [1, 1]} : vector<16x50176xf32> to vector<16x128xf32>
    %slice3A_382 = vector.extract_strided_slice %get3A_3 {offsets = [0, 23040], sizes = [16, 128], strides = [1, 1]} : vector<16x50176xf32> to vector<16x128xf32>
    %slice3A_383 = vector.extract_strided_slice %get3A_3 {offsets = [0, 23168], sizes = [16, 128], strides = [1, 1]} : vector<16x50176xf32> to vector<16x128xf32>
    %slice3A_384 = vector.extract_strided_slice %get3A_3 {offsets = [0, 23296], sizes = [16, 128], strides = [1, 1]} : vector<16x50176xf32> to vector<16x128xf32>
    %slice3A_385 = vector.extract_strided_slice %get3A_3 {offsets = [0, 23424], sizes = [16, 128], strides = [1, 1]} : vector<16x50176xf32> to vector<16x128xf32>
    %concatenate3A_386 = tpu.concatenate %slice3A_378, %slice3A_379, %slice3A_380, %slice3A_381, %slice3A_382, %slice3A_383, %slice3A_384, %slice3A_385 in 0 : vector<16x128xf32>, vector<16x128xf32>, vector<16x128xf32>, vector<16x128xf32>, vector<16x128xf32>, vector<16x128xf32>, vector<16x128xf32>, vector<16x128xf32> -> vector<128x128xf32>
    %dot_general3A_387 = arith.constant dense<0.000000e+00> : vector<128x128xf32>
    %dot_general3A_388 = tpu.matmul %concatenate3A_386, %convert_element_type3A_7, %dot_general3A_387 {dimension_numbers = #tpu.dot_dimension_numbers<[0], [0], [1], [1], [0, 1, 1, 1], [], []>, transpose_lhs_hint = false} : vector<128x128xf32>, vector<128x128xf32>, vector<128x128xf32> -> vector<128x128xf32>
    %swap3A_389 = arith.constant 0 : index
    %swap3A_390 = arith.constant 2816 : index
    %swap3A_391 = arith.constant 0 : index
    %swap3A_392 = vector.load %arg3[%swap3A_389, %swap3A_390, %swap3A_391] : memref<1x6272x128xf32, #tpu.memory_space<vmem>>, vector<1x128x128xf32>
    %swap3A_393 = vector.shape_cast %swap3A_392 : vector<1x128x128xf32> to vector<128x128xf32>
    %swap3A_394 = vector.shape_cast %dot_general3A_388 : vector<128x128xf32> to vector<1x128x128xf32>
    tpu.vector_store %arg3[%swap3A_389, %swap3A_390, %swap3A_391], %swap3A_394 {strides = array<i32>} : memref<1x6272x128xf32, #tpu.memory_space<vmem>>, vector<1x128x128xf32>,
    %slice3A_395 = vector.extract_strided_slice %get3A_3 {offsets = [0, 23552], sizes = [16, 128], strides = [1, 1]} : vector<16x50176xf32> to vector<16x128xf32>
    %slice3A_396 = vector.extract_strided_slice %get3A_3 {offsets = [0, 23680], sizes = [16, 128], strides = [1, 1]} : vector<16x50176xf32> to vector<16x128xf32>
    %slice3A_397 = vector.extract_strided_slice %get3A_3 {offsets = [0, 23808], sizes = [16, 128], strides = [1, 1]} : vector<16x50176xf32> to vector<16x128xf32>
    %slice3A_398 = vector.extract_strided_slice %get3A_3 {offsets = [0, 23936], sizes = [16, 128], strides = [1, 1]} : vector<16x50176xf32> to vector<16x128xf32>
    %slice3A_399 = vector.extract_strided_slice %get3A_3 {offsets = [0, 24064], sizes = [16, 128], strides = [1, 1]} : vector<16x50176xf32> to vector<16x128xf32>
    %slice3A_400 = vector.extract_strided_slice %get3A_3 {offsets = [0, 24192], sizes = [16, 128], strides = [1, 1]} : vector<16x50176xf32> to vector<16x128xf32>
    %slice3A_401 = vector.extract_strided_slice %get3A_3 {offsets = [0, 24320], sizes = [16, 128], strides = [1, 1]} : vector<16x50176xf32> to vector<16x128xf32>
    %slice3A_402 = vector.extract_strided_slice %get3A_3 {offsets = [0, 24448], sizes = [16, 128], strides = [1, 1]} : vector<16x50176xf32> to vector<16x128xf32>
    %concatenate3A_403 = tpu.concatenate %slice3A_395, %slice3A_396, %slice3A_397, %slice3A_398, %slice3A_399, %slice3A_400, %slice3A_401, %slice3A_402 in 0 : vector<16x128xf32>, vector<16x128xf32>, vector<16x128xf32>, vector<16x128xf32>, vector<16x128xf32>, vector<16x128xf32>, vector<16x128xf32>, vector<16x128xf32> -> vector<128x128xf32>
    %dot_general3A_404 = arith.constant dense<0.000000e+00> : vector<128x128xf32>
    %dot_general3A_405 = tpu.matmul %concatenate3A_403, %convert_element_type3A_7, %dot_general3A_404 {dimension_numbers = #tpu.dot_dimension_numbers<[0], [0], [1], [1], [0, 1, 1, 1], [], []>, transpose_lhs_hint = false} : vector<128x128xf32>, vector<128x128xf32>, vector<128x128xf32> -> vector<128x128xf32>
    %swap3A_406 = arith.constant 0 : index
    %swap3A_407 = arith.constant 2944 : index
    %swap3A_408 = arith.constant 0 : index
    %swap3A_409 = vector.load %arg3[%swap3A_406, %swap3A_407, %swap3A_408] : memref<1x6272x128xf32, #tpu.memory_space<vmem>>, vector<1x128x128xf32>
    %swap3A_410 = vector.shape_cast %swap3A_409 : vector<1x128x128xf32> to vector<128x128xf32>
    %swap3A_411 = vector.shape_cast %dot_general3A_405 : vector<128x128xf32> to vector<1x128x128xf32>
    tpu.vector_store %arg3[%swap3A_406, %swap3A_407, %swap3A_408], %swap3A_411 {strides = array<i32>} : memref<1x6272x128xf32, #tpu.memory_space<vmem>>, vector<1x128x128xf32>,
    %slice3A_412 = vector.extract_strided_slice %get3A_3 {offsets = [0, 24576], sizes = [16, 128], strides = [1, 1]} : vector<16x50176xf32> to vector<16x128xf32>
    %slice3A_413 = vector.extract_strided_slice %get3A_3 {offsets = [0, 24704], sizes = [16, 128], strides = [1, 1]} : vector<16x50176xf32> to vector<16x128xf32>
    %slice3A_414 = vector.extract_strided_slice %get3A_3 {offsets = [0, 24832], sizes = [16, 128], strides = [1, 1]} : vector<16x50176xf32> to vector<16x128xf32>
    %slice3A_415 = vector.extract_strided_slice %get3A_3 {offsets = [0, 24960], sizes = [16, 128], strides = [1, 1]} : vector<16x50176xf32> to vector<16x128xf32>
    %slice3A_416 = vector.extract_strided_slice %get3A_3 {offsets = [0, 25088], sizes = [16, 128], strides = [1, 1]} : vector<16x50176xf32> to vector<16x128xf32>
    %slice3A_417 = vector.extract_strided_slice %get3A_3 {offsets = [0, 25216], sizes = [16, 128], strides = [1, 1]} : vector<16x50176xf32> to vector<16x128xf32>
    %slice3A_418 = vector.extract_strided_slice %get3A_3 {offsets = [0, 25344], sizes = [16, 128], strides = [1, 1]} : vector<16x50176xf32> to vector<16x128xf32>
    %slice3A_419 = vector.extract_strided_slice %get3A_3 {offsets = [0, 25472], sizes = [16, 128], strides = [1, 1]} : vector<16x50176xf32> to vector<16x128xf32>
    %concatenate3A_420 = tpu.concatenate %slice3A_412, %slice3A_413, %slice3A_414, %slice3A_415, %slice3A_416, %slice3A_417, %slice3A_418, %slice3A_419 in 0 : vector<16x128xf32>, vector<16x128xf32>, vector<16x128xf32>, vector<16x128xf32>, vector<16x128xf32>, vector<16x128xf32>, vector<16x128xf32>, vector<16x128xf32> -> vector<128x128xf32>
    %dot_general3A_421 = arith.constant dense<0.000000e+00> : vector<128x128xf32>
    %dot_general3A_422 = tpu.matmul %concatenate3A_420, %convert_element_type3A_7, %dot_general3A_421 {dimension_numbers = #tpu.dot_dimension_numbers<[0], [0], [1], [1], [0, 1, 1, 1], [], []>, transpose_lhs_hint = false} : vector<128x128xf32>, vector<128x128xf32>, vector<128x128xf32> -> vector<128x128xf32>
    %swap3A_423 = arith.constant 0 : index
    %swap3A_424 = arith.constant 3072 : index
    %swap3A_425 = arith.constant 0 : index
    %swap3A_426 = vector.load %arg3[%swap3A_423, %swap3A_424, %swap3A_425] : memref<1x6272x128xf32, #tpu.memory_space<vmem>>, vector<1x128x128xf32>
    %swap3A_427 = vector.shape_cast %swap3A_426 : vector<1x128x128xf32> to vector<128x128xf32>
    %swap3A_428 = vector.shape_cast %dot_general3A_422 : vector<128x128xf32> to vector<1x128x128xf32>
    tpu.vector_store %arg3[%swap3A_423, %swap3A_424, %swap3A_425], %swap3A_428 {strides = array<i32>} : memref<1x6272x128xf32, #tpu.memory_space<vmem>>, vector<1x128x128xf32>,
    %slice3A_429 = vector.extract_strided_slice %get3A_3 {offsets = [0, 25600], sizes = [16, 128], strides = [1, 1]} : vector<16x50176xf32> to vector<16x128xf32>
    %slice3A_430 = vector.extract_strided_slice %get3A_3 {offsets = [0, 25728], sizes = [16, 128], strides = [1, 1]} : vector<16x50176xf32> to vector<16x128xf32>
    %slice3A_431 = vector.extract_strided_slice %get3A_3 {offsets = [0, 25856], sizes = [16, 128], strides = [1, 1]} : vector<16x50176xf32> to vector<16x128xf32>
    %slice3A_432 = vector.extract_strided_slice %get3A_3 {offsets = [0, 25984], sizes = [16, 128], strides = [1, 1]} : vector<16x50176xf32> to vector<16x128xf32>
    %slice3A_433 = vector.extract_strided_slice %get3A_3 {offsets = [0, 26112], sizes = [16, 128], strides = [1, 1]} : vector<16x50176xf32> to vector<16x128xf32>
    %slice3A_434 = vector.extract_strided_slice %get3A_3 {offsets = [0, 26240], sizes = [16, 128], strides = [1, 1]} : vector<16x50176xf32> to vector<16x128xf32>
    %slice3A_435 = vector.extract_strided_slice %get3A_3 {offsets = [0, 26368], sizes = [16, 128], strides = [1, 1]} : vector<16x50176xf32> to vector<16x128xf32>
    %slice3A_436 = vector.extract_strided_slice %get3A_3 {offsets = [0, 26496], sizes = [16, 128], strides = [1, 1]} : vector<16x50176xf32> to vector<16x128xf32>
    %concatenate3A_437 = tpu.concatenate %slice3A_429, %slice3A_430, %slice3A_431, %slice3A_432, %slice3A_433, %slice3A_434, %slice3A_435, %slice3A_436 in 0 : vector<16x128xf32>, vector<16x128xf32>, vector<16x128xf32>, vector<16x128xf32>, vector<16x128xf32>, vector<16x128xf32>, vector<16x128xf32>, vector<16x128xf32> -> vector<128x128xf32>
    %dot_general3A_438 = arith.constant dense<0.000000e+00> : vector<128x128xf32>
    %dot_general3A_439 = tpu.matmul %concatenate3A_437, %convert_element_type3A_7, %dot_general3A_438 {dimension_numbers = #tpu.dot_dimension_numbers<[0], [0], [1], [1], [0, 1, 1, 1], [], []>, transpose_lhs_hint = false} : vector<128x128xf32>, vector<128x128xf32>, vector<128x128xf32> -> vector<128x128xf32>
    %swap3A_440 = arith.constant 0 : index
    %swap3A_441 = arith.constant 3200 : index
    %swap3A_442 = arith.constant 0 : index
    %swap3A_443 = vector.load %arg3[%swap3A_440, %swap3A_441, %swap3A_442] : memref<1x6272x128xf32, #tpu.memory_space<vmem>>, vector<1x128x128xf32>
    %swap3A_444 = vector.shape_cast %swap3A_443 : vector<1x128x128xf32> to vector<128x128xf32>
    %swap3A_445 = vector.shape_cast %dot_general3A_439 : vector<128x128xf32> to vector<1x128x128xf32>
    tpu.vector_store %arg3[%swap3A_440, %swap3A_441, %swap3A_442], %swap3A_445 {strides = array<i32>} : memref<1x6272x128xf32, #tpu.memory_space<vmem>>, vector<1x128x128xf32>,
    %slice3A_446 = vector.extract_strided_slice %get3A_3 {offsets = [0, 26624], sizes = [16, 128], strides = [1, 1]} : vector<16x50176xf32> to vector<16x128xf32>
    %slice3A_447 = vector.extract_strided_slice %get3A_3 {offsets = [0, 26752], sizes = [16, 128], strides = [1, 1]} : vector<16x50176xf32> to vector<16x128xf32>
    %slice3A_448 = vector.extract_strided_slice %get3A_3 {offsets = [0, 26880], sizes = [16, 128], strides = [1, 1]} : vector<16x50176xf32> to vector<16x128xf32>
    %slice3A_449 = vector.extract_strided_slice %get3A_3 {offsets = [0, 27008], sizes = [16, 128], strides = [1, 1]} : vector<16x50176xf32> to vector<16x128xf32>
    %slice3A_450 = vector.extract_strided_slice %get3A_3 {offsets = [0, 27136], sizes = [16, 128], strides = [1, 1]} : vector<16x50176xf32> to vector<16x128xf32>
    %slice3A_451 = vector.extract_strided_slice %get3A_3 {offsets = [0, 27264], sizes = [16, 128], strides = [1, 1]} : vector<16x50176xf32> to vector<16x128xf32>
    %slice3A_452 = vector.extract_strided_slice %get3A_3 {offsets = [0, 27392], sizes = [16, 128], strides = [1, 1]} : vector<16x50176xf32> to vector<16x128xf32>
    %slice3A_453 = vector.extract_strided_slice %get3A_3 {offsets = [0, 27520], sizes = [16, 128], strides = [1, 1]} : vector<16x50176xf32> to vector<16x128xf32>
    %concatenate3A_454 = tpu.concatenate %slice3A_446, %slice3A_447, %slice3A_448, %slice3A_449, %slice3A_450, %slice3A_451, %slice3A_452, %slice3A_453 in 0 : vector<16x128xf32>, vector<16x128xf32>, vector<16x128xf32>, vector<16x128xf32>, vector<16x128xf32>, vector<16x128xf32>, vector<16x128xf32>, vector<16x128xf32> -> vector<128x128xf32>
    %dot_general3A_455 = arith.constant dense<0.000000e+00> : vector<128x128xf32>
    %dot_general3A_456 = tpu.matmul %concatenate3A_454, %convert_element_type3A_7, %dot_general3A_455 {dimension_numbers = #tpu.dot_dimension_numbers<[0], [0], [1], [1], [0, 1, 1, 1], [], []>, transpose_lhs_hint = false} : vector<128x128xf32>, vector<128x128xf32>, vector<128x128xf32> -> vector<128x128xf32>
    %swap3A_457 = arith.constant 0 : index
    %swap3A_458 = arith.constant 3328 : index
    %swap3A_459 = arith.constant 0 : index
    %swap3A_460 = vector.load %arg3[%swap3A_457, %swap3A_458, %swap3A_459] : memref<1x6272x128xf32, #tpu.memory_space<vmem>>, vector<1x128x128xf32>
    %swap3A_461 = vector.shape_cast %swap3A_460 : vector<1x128x128xf32> to vector<128x128xf32>
    %swap3A_462 = vector.shape_cast %dot_general3A_456 : vector<128x128xf32> to vector<1x128x128xf32>
    tpu.vector_store %arg3[%swap3A_457, %swap3A_458, %swap3A_459], %swap3A_462 {strides = array<i32>} : memref<1x6272x128xf32, #tpu.memory_space<vmem>>, vector<1x128x128xf32>,
    %slice3A_463 = vector.extract_strided_slice %get3A_3 {offsets = [0, 27648], sizes = [16, 128], strides = [1, 1]} : vector<16x50176xf32> to vector<16x128xf32>
    %slice3A_464 = vector.extract_strided_slice %get3A_3 {offsets = [0, 27776], sizes = [16, 128], strides = [1, 1]} : vector<16x50176xf32> to vector<16x128xf32>
    %slice3A_465 = vector.extract_strided_slice %get3A_3 {offsets = [0, 27904], sizes = [16, 128], strides = [1, 1]} : vector<16x50176xf32> to vector<16x128xf32>
    %slice3A_466 = vector.extract_strided_slice %get3A_3 {offsets = [0, 28032], sizes = [16, 128], strides = [1, 1]} : vector<16x50176xf32> to vector<16x128xf32>
    %slice3A_467 = vector.extract_strided_slice %get3A_3 {offsets = [0, 28160], sizes = [16, 128], strides = [1, 1]} : vector<16x50176xf32> to vector<16x128xf32>
    %slice3A_468 = vector.extract_strided_slice %get3A_3 {offsets = [0, 28288], sizes = [16, 128], strides = [1, 1]} : vector<16x50176xf32> to vector<16x128xf32>
    %slice3A_469 = vector.extract_strided_slice %get3A_3 {offsets = [0, 28416], sizes = [16, 128], strides = [1, 1]} : vector<16x50176xf32> to vector<16x128xf32>
    %slice3A_470 = vector.extract_strided_slice %get3A_3 {offsets = [0, 28544], sizes = [16, 128], strides = [1, 1]} : vector<16x50176xf32> to vector<16x128xf32>
    %concatenate3A_471 = tpu.concatenate %slice3A_463, %slice3A_464, %slice3A_465, %slice3A_466, %slice3A_467, %slice3A_468, %slice3A_469, %slice3A_470 in 0 : vector<16x128xf32>, vector<16x128xf32>, vector<16x128xf32>, vector<16x128xf32>, vector<16x128xf32>, vector<16x128xf32>, vector<16x128xf32>, vector<16x128xf32> -> vector<128x128xf32>
    %dot_general3A_472 = arith.constant dense<0.000000e+00> : vector<128x128xf32>
    %dot_general3A_473 = tpu.matmul %concatenate3A_471, %convert_element_type3A_7, %dot_general3A_472 {dimension_numbers = #tpu.dot_dimension_numbers<[0], [0], [1], [1], [0, 1, 1, 1], [], []>, transpose_lhs_hint = false} : vector<128x128xf32>, vector<128x128xf32>, vector<128x128xf32> -> vector<128x128xf32>
    %swap3A_474 = arith.constant 0 : index
    %swap3A_475 = arith.constant 3456 : index
    %swap3A_476 = arith.constant 0 : index
    %swap3A_477 = vector.load %arg3[%swap3A_474, %swap3A_475, %swap3A_476] : memref<1x6272x128xf32, #tpu.memory_space<vmem>>, vector<1x128x128xf32>
    %swap3A_478 = vector.shape_cast %swap3A_477 : vector<1x128x128xf32> to vector<128x128xf32>
    %swap3A_479 = vector.shape_cast %dot_general3A_473 : vector<128x128xf32> to vector<1x128x128xf32>
    tpu.vector_store %arg3[%swap3A_474, %swap3A_475, %swap3A_476], %swap3A_479 {strides = array<i32>} : memref<1x6272x128xf32, #tpu.memory_space<vmem>>, vector<1x128x128xf32>,
    %slice3A_480 = vector.extract_strided_slice %get3A_3 {offsets = [0, 28672], sizes = [16, 128], strides = [1, 1]} : vector<16x50176xf32> to vector<16x128xf32>
    %slice3A_481 = vector.extract_strided_slice %get3A_3 {offsets = [0, 28800], sizes = [16, 128], strides = [1, 1]} : vector<16x50176xf32> to vector<16x128xf32>
    %slice3A_482 = vector.extract_strided_slice %get3A_3 {offsets = [0, 28928], sizes = [16, 128], strides = [1, 1]} : vector<16x50176xf32> to vector<16x128xf32>
    %slice3A_483 = vector.extract_strided_slice %get3A_3 {offsets = [0, 29056], sizes = [16, 128], strides = [1, 1]} : vector<16x50176xf32> to vector<16x128xf32>
    %slice3A_484 = vector.extract_strided_slice %get3A_3 {offsets = [0, 29184], sizes = [16, 128], strides = [1, 1]} : vector<16x50176xf32> to vector<16x128xf32>
    %slice3A_485 = vector.extract_strided_slice %get3A_3 {offsets = [0, 29312], sizes = [16, 128], strides = [1, 1]} : vector<16x50176xf32> to vector<16x128xf32>
    %slice3A_486 = vector.extract_strided_slice %get3A_3 {offsets = [0, 29440], sizes = [16, 128], strides = [1, 1]} : vector<16x50176xf32> to vector<16x128xf32>
    %slice3A_487 = vector.extract_strided_slice %get3A_3 {offsets = [0, 29568], sizes = [16, 128], strides = [1, 1]} : vector<16x50176xf32> to vector<16x128xf32>
    %concatenate3A_488 = tpu.concatenate %slice3A_480, %slice3A_481, %slice3A_482, %slice3A_483, %slice3A_484, %slice3A_485, %slice3A_486, %slice3A_487 in 0 : vector<16x128xf32>, vector<16x128xf32>, vector<16x128xf32>, vector<16x128xf32>, vector<16x128xf32>, vector<16x128xf32>, vector<16x128xf32>, vector<16x128xf32> -> vector<128x128xf32>
    %dot_general3A_489 = arith.constant dense<0.000000e+00> : vector<128x128xf32>
    %dot_general3A_490 = tpu.matmul %concatenate3A_488, %convert_element_type3A_7, %dot_general3A_489 {dimension_numbers = #tpu.dot_dimension_numbers<[0], [0], [1], [1], [0, 1, 1, 1], [], []>, transpose_lhs_hint = false} : vector<128x128xf32>, vector<128x128xf32>, vector<128x128xf32> -> vector<128x128xf32>
    %swap3A_491 = arith.constant 0 : index
    %swap3A_492 = arith.constant 3584 : index
    %swap3A_493 = arith.constant 0 : index
    %swap3A_494 = vector.load %arg3[%swap3A_491, %swap3A_492, %swap3A_493] : memref<1x6272x128xf32, #tpu.memory_space<vmem>>, vector<1x128x128xf32>
    %swap3A_495 = vector.shape_cast %swap3A_494 : vector<1x128x128xf32> to vector<128x128xf32>
    %swap3A_496 = vector.shape_cast %dot_general3A_490 : vector<128x128xf32> to vector<1x128x128xf32>
    tpu.vector_store %arg3[%swap3A_491, %swap3A_492, %swap3A_493], %swap3A_496 {strides = array<i32>} : memref<1x6272x128xf32, #tpu.memory_space<vmem>>, vector<1x128x128xf32>,
    %slice3A_497 = vector.extract_strided_slice %get3A_3 {offsets = [0, 29696], sizes = [16, 128], strides = [1, 1]} : vector<16x50176xf32> to vector<16x128xf32>
    %slice3A_498 = vector.extract_strided_slice %get3A_3 {offsets = [0, 29824], sizes = [16, 128], strides = [1, 1]} : vector<16x50176xf32> to vector<16x128xf32>
    %slice3A_499 = vector.extract_strided_slice %get3A_3 {offsets = [0, 29952], sizes = [16, 128], strides = [1, 1]} : vector<16x50176xf32> to vector<16x128xf32>
    %slice3A_500 = vector.extract_strided_slice %get3A_3 {offsets = [0, 30080], sizes = [16, 128], strides = [1, 1]} : vector<16x50176xf32> to vector<16x128xf32>
    %slice3A_501 = vector.extract_strided_slice %get3A_3 {offsets = [0, 30208], sizes = [16, 128], strides = [1, 1]} : vector<16x50176xf32> to vector<16x128xf32>
    %slice3A_502 = vector.extract_strided_slice %get3A_3 {offsets = [0, 30336], sizes = [16, 128], strides = [1, 1]} : vector<16x50176xf32> to vector<16x128xf32>
    %slice3A_503 = vector.extract_strided_slice %get3A_3 {offsets = [0, 30464], sizes = [16, 128], strides = [1, 1]} : vector<16x50176xf32> to vector<16x128xf32>
    %slice3A_504 = vector.extract_strided_slice %get3A_3 {offsets = [0, 30592], sizes = [16, 128], strides = [1, 1]} : vector<16x50176xf32> to vector<16x128xf32>
    %concatenate3A_505 = tpu.concatenate %slice3A_497, %slice3A_498, %slice3A_499, %slice3A_500, %slice3A_501, %slice3A_502, %slice3A_503, %slice3A_504 in 0 : vector<16x128xf32>, vector<16x128xf32>, vector<16x128xf32>, vector<16x128xf32>, vector<16x128xf32>, vector<16x128xf32>, vector<16x128xf32>, vector<16x128xf32> -> vector<128x128xf32>
    %dot_general3A_506 = arith.constant dense<0.000000e+00> : vector<128x128xf32>
    %dot_general3A_507 = tpu.matmul %concatenate3A_505, %convert_element_type3A_7, %dot_general3A_506 {dimension_numbers = #tpu.dot_dimension_numbers<[0], [0], [1], [1], [0, 1, 1, 1], [], []>, transpose_lhs_hint = false} : vector<128x128xf32>, vector<128x128xf32>, vector<128x128xf32> -> vector<128x128xf32>
    %swap3A_508 = arith.constant 0 : index
    %swap3A_509 = arith.constant 3712 : index
    %swap3A_510 = arith.constant 0 : index
    %swap3A_511 = vector.load %arg3[%swap3A_508, %swap3A_509, %swap3A_510] : memref<1x6272x128xf32, #tpu.memory_space<vmem>>, vector<1x128x128xf32>
    %swap3A_512 = vector.shape_cast %swap3A_511 : vector<1x128x128xf32> to vector<128x128xf32>
    %swap3A_513 = vector.shape_cast %dot_general3A_507 : vector<128x128xf32> to vector<1x128x128xf32>
    tpu.vector_store %arg3[%swap3A_508, %swap3A_509, %swap3A_510], %swap3A_513 {strides = array<i32>} : memref<1x6272x128xf32, #tpu.memory_space<vmem>>, vector<1x128x128xf32>,
    %slice3A_514 = vector.extract_strided_slice %get3A_3 {offsets = [0, 30720], sizes = [16, 128], strides = [1, 1]} : vector<16x50176xf32> to vector<16x128xf32>
    %slice3A_515 = vector.extract_strided_slice %get3A_3 {offsets = [0, 30848], sizes = [16, 128], strides = [1, 1]} : vector<16x50176xf32> to vector<16x128xf32>
    %slice3A_516 = vector.extract_strided_slice %get3A_3 {offsets = [0, 30976], sizes = [16, 128], strides = [1, 1]} : vector<16x50176xf32> to vector<16x128xf32>
    %slice3A_517 = vector.extract_strided_slice %get3A_3 {offsets = [0, 31104], sizes = [16, 128], strides = [1, 1]} : vector<16x50176xf32> to vector<16x128xf32>
    %slice3A_518 = vector.extract_strided_slice %get3A_3 {offsets = [0, 31232], sizes = [16, 128], strides = [1, 1]} : vector<16x50176xf32> to vector<16x128xf32>
    %slice3A_519 = vector.extract_strided_slice %get3A_3 {offsets = [0, 31360], sizes = [16, 128], strides = [1, 1]} : vector<16x50176xf32> to vector<16x128xf32>
    %slice3A_520 = vector.extract_strided_slice %get3A_3 {offsets = [0, 31488], sizes = [16, 128], strides = [1, 1]} : vector<16x50176xf32> to vector<16x128xf32>
    %slice3A_521 = vector.extract_strided_slice %get3A_3 {offsets = [0, 31616], sizes = [16, 128], strides = [1, 1]} : vector<16x50176xf32> to vector<16x128xf32>
    %concatenate3A_522 = tpu.concatenate %slice3A_514, %slice3A_515, %slice3A_516, %slice3A_517, %slice3A_518, %slice3A_519, %slice3A_520, %slice3A_521 in 0 : vector<16x128xf32>, vector<16x128xf32>, vector<16x128xf32>, vector<16x128xf32>, vector<16x128xf32>, vector<16x128xf32>, vector<16x128xf32>, vector<16x128xf32> -> vector<128x128xf32>
    %dot_general3A_523 = arith.constant dense<0.000000e+00> : vector<128x128xf32>
    %dot_general3A_524 = tpu.matmul %concatenate3A_522, %convert_element_type3A_7, %dot_general3A_523 {dimension_numbers = #tpu.dot_dimension_numbers<[0], [0], [1], [1], [0, 1, 1, 1], [], []>, transpose_lhs_hint = false} : vector<128x128xf32>, vector<128x128xf32>, vector<128x128xf32> -> vector<128x128xf32>
    %swap3A_525 = arith.constant 0 : index
    %swap3A_526 = arith.constant 3840 : index
    %swap3A_527 = arith.constant 0 : index
    %swap3A_528 = vector.load %arg3[%swap3A_525, %swap3A_526, %swap3A_527] : memref<1x6272x128xf32, #tpu.memory_space<vmem>>, vector<1x128x128xf32>
    %swap3A_529 = vector.shape_cast %swap3A_528 : vector<1x128x128xf32> to vector<128x128xf32>
    %swap3A_530 = vector.shape_cast %dot_general3A_524 : vector<128x128xf32> to vector<1x128x128xf32>
    tpu.vector_store %arg3[%swap3A_525, %swap3A_526, %swap3A_527], %swap3A_530 {strides = array<i32>} : memref<1x6272x128xf32, #tpu.memory_space<vmem>>, vector<1x128x128xf32>,
    %slice3A_531 = vector.extract_strided_slice %get3A_3 {offsets = [0, 31744], sizes = [16, 128], strides = [1, 1]} : vector<16x50176xf32> to vector<16x128xf32>
    %slice3A_532 = vector.extract_strided_slice %get3A_3 {offsets = [0, 31872], sizes = [16, 128], strides = [1, 1]} : vector<16x50176xf32> to vector<16x128xf32>
    %slice3A_533 = vector.extract_strided_slice %get3A_3 {offsets = [0, 32000], sizes = [16, 128], strides = [1, 1]} : vector<16x50176xf32> to vector<16x128xf32>
    %slice3A_534 = vector.extract_strided_slice %get3A_3 {offsets = [0, 32128], sizes = [16, 128], strides = [1, 1]} : vector<16x50176xf32> to vector<16x128xf32>
    %slice3A_535 = vector.extract_strided_slice %get3A_3 {offsets = [0, 32256], sizes = [16, 128], strides = [1, 1]} : vector<16x50176xf32> to vector<16x128xf32>
    %slice3A_536 = vector.extract_strided_slice %get3A_3 {offsets = [0, 32384], sizes = [16, 128], strides = [1, 1]} : vector<16x50176xf32> to vector<16x128xf32>
    %slice3A_537 = vector.extract_strided_slice %get3A_3 {offsets = [0, 32512], sizes = [16, 128], strides = [1, 1]} : vector<16x50176xf32> to vector<16x128xf32>
    %slice3A_538 = vector.extract_strided_slice %get3A_3 {offsets = [0, 32640], sizes = [16, 128], strides = [1, 1]} : vector<16x50176xf32> to vector<16x128xf32>
    %concatenate3A_539 = tpu.concatenate %slice3A_531, %slice3A_532, %slice3A_533, %slice3A_534, %slice3A_535, %slice3A_536, %slice3A_537, %slice3A_538 in 0 : vector<16x128xf32>, vector<16x128xf32>, vector<16x128xf32>, vector<16x128xf32>, vector<16x128xf32>, vector<16x128xf32>, vector<16x128xf32>, vector<16x128xf32> -> vector<128x128xf32>
    %dot_general3A_540 = arith.constant dense<0.000000e+00> : vector<128x128xf32>
    %dot_general3A_541 = tpu.matmul %concatenate3A_539, %convert_element_type3A_7, %dot_general3A_540 {dimension_numbers = #tpu.dot_dimension_numbers<[0], [0], [1], [1], [0, 1, 1, 1], [], []>, transpose_lhs_hint = false} : vector<128x128xf32>, vector<128x128xf32>, vector<128x128xf32> -> vector<128x128xf32>
    %swap3A_542 = arith.constant 0 : index
    %swap3A_543 = arith.constant 3968 : index
    %swap3A_544 = arith.constant 0 : index
    %swap3A_545 = vector.load %arg3[%swap3A_542, %swap3A_543, %swap3A_544] : memref<1x6272x128xf32, #tpu.memory_space<vmem>>, vector<1x128x128xf32>
    %swap3A_546 = vector.shape_cast %swap3A_545 : vector<1x128x128xf32> to vector<128x128xf32>
    %swap3A_547 = vector.shape_cast %dot_general3A_541 : vector<128x128xf32> to vector<1x128x128xf32>
    tpu.vector_store %arg3[%swap3A_542, %swap3A_543, %swap3A_544], %swap3A_547 {strides = array<i32>} : memref<1x6272x128xf32, #tpu.memory_space<vmem>>, vector<1x128x128xf32>,
    %slice3A_548 = vector.extract_strided_slice %get3A_3 {offsets = [0, 32768], sizes = [16, 128], strides = [1, 1]} : vector<16x50176xf32> to vector<16x128xf32>
    %slice3A_549 = vector.extract_strided_slice %get3A_3 {offsets = [0, 32896], sizes = [16, 128], strides = [1, 1]} : vector<16x50176xf32> to vector<16x128xf32>
    %slice3A_550 = vector.extract_strided_slice %get3A_3 {offsets = [0, 33024], sizes = [16, 128], strides = [1, 1]} : vector<16x50176xf32> to vector<16x128xf32>
    %slice3A_551 = vector.extract_strided_slice %get3A_3 {offsets = [0, 33152], sizes = [16, 128], strides = [1, 1]} : vector<16x50176xf32> to vector<16x128xf32>
    %slice3A_552 = vector.extract_strided_slice %get3A_3 {offsets = [0, 33280], sizes = [16, 128], strides = [1, 1]} : vector<16x50176xf32> to vector<16x128xf32>
    %slice3A_553 = vector.extract_strided_slice %get3A_3 {offsets = [0, 33408], sizes = [16, 128], strides = [1, 1]} : vector<16x50176xf32> to vector<16x128xf32>
    %slice3A_554 = vector.extract_strided_slice %get3A_3 {offsets = [0, 33536], sizes = [16, 128], strides = [1, 1]} : vector<16x50176xf32> to vector<16x128xf32>
    %slice3A_555 = vector.extract_strided_slice %get3A_3 {offsets = [0, 33664], sizes = [16, 128], strides = [1, 1]} : vector<16x50176xf32> to vector<16x128xf32>
    %concatenate3A_556 = tpu.concatenate %slice3A_548, %slice3A_549, %slice3A_550, %slice3A_551, %slice3A_552, %slice3A_553, %slice3A_554, %slice3A_555 in 0 : vector<16x128xf32>, vector<16x128xf32>, vector<16x128xf32>, vector<16x128xf32>, vector<16x128xf32>, vector<16x128xf32>, vector<16x128xf32>, vector<16x128xf32> -> vector<128x128xf32>
    %dot_general3A_557 = arith.constant dense<0.000000e+00> : vector<128x128xf32>
    %dot_general3A_558 = tpu.matmul %concatenate3A_556, %convert_element_type3A_7, %dot_general3A_557 {dimension_numbers = #tpu.dot_dimension_numbers<[0], [0], [1], [1], [0, 1, 1, 1], [], []>, transpose_lhs_hint = false} : vector<128x128xf32>, vector<128x128xf32>, vector<128x128xf32> -> vector<128x128xf32>
    %swap3A_559 = arith.constant 0 : index
    %swap3A_560 = arith.constant 4096 : index
    %swap3A_561 = arith.constant 0 : index
    %swap3A_562 = vector.load %arg3[%swap3A_559, %swap3A_560, %swap3A_561] : memref<1x6272x128xf32, #tpu.memory_space<vmem>>, vector<1x128x128xf32>
    %swap3A_563 = vector.shape_cast %swap3A_562 : vector<1x128x128xf32> to vector<128x128xf32>
    %swap3A_564 = vector.shape_cast %dot_general3A_558 : vector<128x128xf32> to vector<1x128x128xf32>
    tpu.vector_store %arg3[%swap3A_559, %swap3A_560, %swap3A_561], %swap3A_564 {strides = array<i32>} : memref<1x6272x128xf32, #tpu.memory_space<vmem>>, vector<1x128x128xf32>,
    %slice3A_565 = vector.extract_strided_slice %get3A_3 {offsets = [0, 33792], sizes = [16, 128], strides = [1, 1]} : vector<16x50176xf32> to vector<16x128xf32>
    %slice3A_566 = vector.extract_strided_slice %get3A_3 {offsets = [0, 33920], sizes = [16, 128], strides = [1, 1]} : vector<16x50176xf32> to vector<16x128xf32>
    %slice3A_567 = vector.extract_strided_slice %get3A_3 {offsets = [0, 34048], sizes = [16, 128], strides = [1, 1]} : vector<16x50176xf32> to vector<16x128xf32>
    %slice3A_568 = vector.extract_strided_slice %get3A_3 {offsets = [0, 34176], sizes = [16, 128], strides = [1, 1]} : vector<16x50176xf32> to vector<16x128xf32>
    %slice3A_569 = vector.extract_strided_slice %get3A_3 {offsets = [0, 34304], sizes = [16, 128], strides = [1, 1]} : vector<16x50176xf32> to vector<16x128xf32>
    %slice3A_570 = vector.extract_strided_slice %get3A_3 {offsets = [0, 34432], sizes = [16, 128], strides = [1, 1]} : vector<16x50176xf32> to vector<16x128xf32>
    %slice3A_571 = vector.extract_strided_slice %get3A_3 {offsets = [0, 34560], sizes = [16, 128], strides = [1, 1]} : vector<16x50176xf32> to vector<16x128xf32>
    %slice3A_572 = vector.extract_strided_slice %get3A_3 {offsets = [0, 34688], sizes = [16, 128], strides = [1, 1]} : vector<16x50176xf32> to vector<16x128xf32>
    %concatenate3A_573 = tpu.concatenate %slice3A_565, %slice3A_566, %slice3A_567, %slice3A_568, %slice3A_569, %slice3A_570, %slice3A_571, %slice3A_572 in 0 : vector<16x128xf32>, vector<16x128xf32>, vector<16x128xf32>, vector<16x128xf32>, vector<16x128xf32>, vector<16x128xf32>, vector<16x128xf32>, vector<16x128xf32> -> vector<128x128xf32>
    %dot_general3A_574 = arith.constant dense<0.000000e+00> : vector<128x128xf32>
    %dot_general3A_575 = tpu.matmul %concatenate3A_573, %convert_element_type3A_7, %dot_general3A_574 {dimension_numbers = #tpu.dot_dimension_numbers<[0], [0], [1], [1], [0, 1, 1, 1], [], []>, transpose_lhs_hint = false} : vector<128x128xf32>, vector<128x128xf32>, vector<128x128xf32> -> vector<128x128xf32>
    %swap3A_576 = arith.constant 0 : index
    %swap3A_577 = arith.constant 4224 : index
    %swap3A_578 = arith.constant 0 : index
    %swap3A_579 = vector.load %arg3[%swap3A_576, %swap3A_577, %swap3A_578] : memref<1x6272x128xf32, #tpu.memory_space<vmem>>, vector<1x128x128xf32>
    %swap3A_580 = vector.shape_cast %swap3A_579 : vector<1x128x128xf32> to vector<128x128xf32>
    %swap3A_581 = vector.shape_cast %dot_general3A_575 : vector<128x128xf32> to vector<1x128x128xf32>
    tpu.vector_store %arg3[%swap3A_576, %swap3A_577, %swap3A_578], %swap3A_581 {strides = array<i32>} : memref<1x6272x128xf32, #tpu.memory_space<vmem>>, vector<1x128x128xf32>,
    %slice3A_582 = vector.extract_strided_slice %get3A_3 {offsets = [0, 34816], sizes = [16, 128], strides = [1, 1]} : vector<16x50176xf32> to vector<16x128xf32>
    %slice3A_583 = vector.extract_strided_slice %get3A_3 {offsets = [0, 34944], sizes = [16, 128], strides = [1, 1]} : vector<16x50176xf32> to vector<16x128xf32>
    %slice3A_584 = vector.extract_strided_slice %get3A_3 {offsets = [0, 35072], sizes = [16, 128], strides = [1, 1]} : vector<16x50176xf32> to vector<16x128xf32>
    %slice3A_585 = vector.extract_strided_slice %get3A_3 {offsets = [0, 35200], sizes = [16, 128], strides = [1, 1]} : vector<16x50176xf32> to vector<16x128xf32>
    %slice3A_586 = vector.extract_strided_slice %get3A_3 {offsets = [0, 35328], sizes = [16, 128], strides = [1, 1]} : vector<16x50176xf32> to vector<16x128xf32>
    %slice3A_587 = vector.extract_strided_slice %get3A_3 {offsets = [0, 35456], sizes = [16, 128], strides = [1, 1]} : vector<16x50176xf32> to vector<16x128xf32>
    %slice3A_588 = vector.extract_strided_slice %get3A_3 {offsets = [0, 35584], sizes = [16, 128], strides = [1, 1]} : vector<16x50176xf32> to vector<16x128xf32>
    %slice3A_589 = vector.extract_strided_slice %get3A_3 {offsets = [0, 35712], sizes = [16, 128], strides = [1, 1]} : vector<16x50176xf32> to vector<16x128xf32>
    %concatenate3A_590 = tpu.concatenate %slice3A_582, %slice3A_583, %slice3A_584, %slice3A_585, %slice3A_586, %slice3A_587, %slice3A_588, %slice3A_589 in 0 : vector<16x128xf32>, vector<16x128xf32>, vector<16x128xf32>, vector<16x128xf32>, vector<16x128xf32>, vector<16x128xf32>, vector<16x128xf32>, vector<16x128xf32> -> vector<128x128xf32>
    %dot_general3A_591 = arith.constant dense<0.000000e+00> : vector<128x128xf32>
    %dot_general3A_592 = tpu.matmul %concatenate3A_590, %convert_element_type3A_7, %dot_general3A_591 {dimension_numbers = #tpu.dot_dimension_numbers<[0], [0], [1], [1], [0, 1, 1, 1], [], []>, transpose_lhs_hint = false} : vector<128x128xf32>, vector<128x128xf32>, vector<128x128xf32> -> vector<128x128xf32>
    %swap3A_593 = arith.constant 0 : index
    %swap3A_594 = arith.constant 4352 : index
    %swap3A_595 = arith.constant 0 : index
    %swap3A_596 = vector.load %arg3[%swap3A_593, %swap3A_594, %swap3A_595] : memref<1x6272x128xf32, #tpu.memory_space<vmem>>, vector<1x128x128xf32>
    %swap3A_597 = vector.shape_cast %swap3A_596 : vector<1x128x128xf32> to vector<128x128xf32>
    %swap3A_598 = vector.shape_cast %dot_general3A_592 : vector<128x128xf32> to vector<1x128x128xf32>
    tpu.vector_store %arg3[%swap3A_593, %swap3A_594, %swap3A_595], %swap3A_598 {strides = array<i32>} : memref<1x6272x128xf32, #tpu.memory_space<vmem>>, vector<1x128x128xf32>,
    %slice3A_599 = vector.extract_strided_slice %get3A_3 {offsets = [0, 35840], sizes = [16, 128], strides = [1, 1]} : vector<16x50176xf32> to vector<16x128xf32>
    %slice3A_600 = vector.extract_strided_slice %get3A_3 {offsets = [0, 35968], sizes = [16, 128], strides = [1, 1]} : vector<16x50176xf32> to vector<16x128xf32>
    %slice3A_601 = vector.extract_strided_slice %get3A_3 {offsets = [0, 36096], sizes = [16, 128], strides = [1, 1]} : vector<16x50176xf32> to vector<16x128xf32>
    %slice3A_602 = vector.extract_strided_slice %get3A_3 {offsets = [0, 36224], sizes = [16, 128], strides = [1, 1]} : vector<16x50176xf32> to vector<16x128xf32>
    %slice3A_603 = vector.extract_strided_slice %get3A_3 {offsets = [0, 36352], sizes = [16, 128], strides = [1, 1]} : vector<16x50176xf32> to vector<16x128xf32>
    %slice3A_604 = vector.extract_strided_slice %get3A_3 {offsets = [0, 36480], sizes = [16, 128], strides = [1, 1]} : vector<16x50176xf32> to vector<16x128xf32>
    %slice3A_605 = vector.extract_strided_slice %get3A_3 {offsets = [0, 36608], sizes = [16, 128], strides = [1, 1]} : vector<16x50176xf32> to vector<16x128xf32>
    %slice3A_606 = vector.extract_strided_slice %get3A_3 {offsets = [0, 36736], sizes = [16, 128], strides = [1, 1]} : vector<16x50176xf32> to vector<16x128xf32>
    %concatenate3A_607 = tpu.concatenate %slice3A_599, %slice3A_600, %slice3A_601, %slice3A_602, %slice3A_603, %slice3A_604, %slice3A_605, %slice3A_606 in 0 : vector<16x128xf32>, vector<16x128xf32>, vector<16x128xf32>, vector<16x128xf32>, vector<16x128xf32>, vector<16x128xf32>, vector<16x128xf32>, vector<16x128xf32> -> vector<128x128xf32>
    %dot_general3A_608 = arith.constant dense<0.000000e+00> : vector<128x128xf32>
    %dot_general3A_609 = tpu.matmul %concatenate3A_607, %convert_element_type3A_7, %dot_general3A_608 {dimension_numbers = #tpu.dot_dimension_numbers<[0], [0], [1], [1], [0, 1, 1, 1], [], []>, transpose_lhs_hint = false} : vector<128x128xf32>, vector<128x128xf32>, vector<128x128xf32> -> vector<128x128xf32>
    %swap3A_610 = arith.constant 0 : index
    %swap3A_611 = arith.constant 4480 : index
    %swap3A_612 = arith.constant 0 : index
    %swap3A_613 = vector.load %arg3[%swap3A_610, %swap3A_611, %swap3A_612] : memref<1x6272x128xf32, #tpu.memory_space<vmem>>, vector<1x128x128xf32>
    %swap3A_614 = vector.shape_cast %swap3A_613 : vector<1x128x128xf32> to vector<128x128xf32>
    %swap3A_615 = vector.shape_cast %dot_general3A_609 : vector<128x128xf32> to vector<1x128x128xf32>
    tpu.vector_store %arg3[%swap3A_610, %swap3A_611, %swap3A_612], %swap3A_615 {strides = array<i32>} : memref<1x6272x128xf32, #tpu.memory_space<vmem>>, vector<1x128x128xf32>,
    %slice3A_616 = vector.extract_strided_slice %get3A_3 {offsets = [0, 36864], sizes = [16, 128], strides = [1, 1]} : vector<16x50176xf32> to vector<16x128xf32>
    %slice3A_617 = vector.extract_strided_slice %get3A_3 {offsets = [0, 36992], sizes = [16, 128], strides = [1, 1]} : vector<16x50176xf32> to vector<16x128xf32>
    %slice3A_618 = vector.extract_strided_slice %get3A_3 {offsets = [0, 37120], sizes = [16, 128], strides = [1, 1]} : vector<16x50176xf32> to vector<16x128xf32>
    %slice3A_619 = vector.extract_strided_slice %get3A_3 {offsets = [0, 37248], sizes = [16, 128], strides = [1, 1]} : vector<16x50176xf32> to vector<16x128xf32>
    %slice3A_620 = vector.extract_strided_slice %get3A_3 {offsets = [0, 37376], sizes = [16, 128], strides = [1, 1]} : vector<16x50176xf32> to vector<16x128xf32>
    %slice3A_621 = vector.extract_strided_slice %get3A_3 {offsets = [0, 37504], sizes = [16, 128], strides = [1, 1]} : vector<16x50176xf32> to vector<16x128xf32>
    %slice3A_622 = vector.extract_strided_slice %get3A_3 {offsets = [0, 37632], sizes = [16, 128], strides = [1, 1]} : vector<16x50176xf32> to vector<16x128xf32>
    %slice3A_623 = vector.extract_strided_slice %get3A_3 {offsets = [0, 37760], sizes = [16, 128], strides = [1, 1]} : vector<16x50176xf32> to vector<16x128xf32>
    %concatenate3A_624 = tpu.concatenate %slice3A_616, %slice3A_617, %slice3A_618, %slice3A_619, %slice3A_620, %slice3A_621, %slice3A_622, %slice3A_623 in 0 : vector<16x128xf32>, vector<16x128xf32>, vector<16x128xf32>, vector<16x128xf32>, vector<16x128xf32>, vector<16x128xf32>, vector<16x128xf32>, vector<16x128xf32> -> vector<128x128xf32>
    %dot_general3A_625 = arith.constant dense<0.000000e+00> : vector<128x128xf32>
    %dot_general3A_626 = tpu.matmul %concatenate3A_624, %convert_element_type3A_7, %dot_general3A_625 {dimension_numbers = #tpu.dot_dimension_numbers<[0], [0], [1], [1], [0, 1, 1, 1], [], []>, transpose_lhs_hint = false} : vector<128x128xf32>, vector<128x128xf32>, vector<128x128xf32> -> vector<128x128xf32>
    %swap3A_627 = arith.constant 0 : index
    %swap3A_628 = arith.constant 4608 : index
    %swap3A_629 = arith.constant 0 : index
    %swap3A_630 = vector.load %arg3[%swap3A_627, %swap3A_628, %swap3A_629] : memref<1x6272x128xf32, #tpu.memory_space<vmem>>, vector<1x128x128xf32>
    %swap3A_631 = vector.shape_cast %swap3A_630 : vector<1x128x128xf32> to vector<128x128xf32>
    %swap3A_632 = vector.shape_cast %dot_general3A_626 : vector<128x128xf32> to vector<1x128x128xf32>
    tpu.vector_store %arg3[%swap3A_627, %swap3A_628, %swap3A_629], %swap3A_632 {strides = array<i32>} : memref<1x6272x128xf32, #tpu.memory_space<vmem>>, vector<1x128x128xf32>,
    %slice3A_633 = vector.extract_strided_slice %get3A_3 {offsets = [0, 37888], sizes = [16, 128], strides = [1, 1]} : vector<16x50176xf32> to vector<16x128xf32>
    %slice3A_634 = vector.extract_strided_slice %get3A_3 {offsets = [0, 38016], sizes = [16, 128], strides = [1, 1]} : vector<16x50176xf32> to vector<16x128xf32>
    %slice3A_635 = vector.extract_strided_slice %get3A_3 {offsets = [0, 38144], sizes = [16, 128], strides = [1, 1]} : vector<16x50176xf32> to vector<16x128xf32>
    %slice3A_636 = vector.extract_strided_slice %get3A_3 {offsets = [0, 38272], sizes = [16, 128], strides = [1, 1]} : vector<16x50176xf32> to vector<16x128xf32>
    %slice3A_637 = vector.extract_strided_slice %get3A_3 {offsets = [0, 38400], sizes = [16, 128], strides = [1, 1]} : vector<16x50176xf32> to vector<16x128xf32>
    %slice3A_638 = vector.extract_strided_slice %get3A_3 {offsets = [0, 38528], sizes = [16, 128], strides = [1, 1]} : vector<16x50176xf32> to vector<16x128xf32>
    %slice3A_639 = vector.extract_strided_slice %get3A_3 {offsets = [0, 38656], sizes = [16, 128], strides = [1, 1]} : vector<16x50176xf32> to vector<16x128xf32>
    %slice3A_640 = vector.extract_strided_slice %get3A_3 {offsets = [0, 38784], sizes = [16, 128], strides = [1, 1]} : vector<16x50176xf32> to vector<16x128xf32>
    %concatenate3A_641 = tpu.concatenate %slice3A_633, %slice3A_634, %slice3A_635, %slice3A_636, %slice3A_637, %slice3A_638, %slice3A_639, %slice3A_640 in 0 : vector<16x128xf32>, vector<16x128xf32>, vector<16x128xf32>, vector<16x128xf32>, vector<16x128xf32>, vector<16x128xf32>, vector<16x128xf32>, vector<16x128xf32> -> vector<128x128xf32>
    %dot_general3A_642 = arith.constant dense<0.000000e+00> : vector<128x128xf32>
    %dot_general3A_643 = tpu.matmul %concatenate3A_641, %convert_element_type3A_7, %dot_general3A_642 {dimension_numbers = #tpu.dot_dimension_numbers<[0], [0], [1], [1], [0, 1, 1, 1], [], []>, transpose_lhs_hint = false} : vector<128x128xf32>, vector<128x128xf32>, vector<128x128xf32> -> vector<128x128xf32>
    %swap3A_644 = arith.constant 0 : index
    %swap3A_645 = arith.constant 4736 : index
    %swap3A_646 = arith.constant 0 : index
    %swap3A_647 = vector.load %arg3[%swap3A_644, %swap3A_645, %swap3A_646] : memref<1x6272x128xf32, #tpu.memory_space<vmem>>, vector<1x128x128xf32>
    %swap3A_648 = vector.shape_cast %swap3A_647 : vector<1x128x128xf32> to vector<128x128xf32>
    %swap3A_649 = vector.shape_cast %dot_general3A_643 : vector<128x128xf32> to vector<1x128x128xf32>
    tpu.vector_store %arg3[%swap3A_644, %swap3A_645, %swap3A_646], %swap3A_649 {strides = array<i32>} : memref<1x6272x128xf32, #tpu.memory_space<vmem>>, vector<1x128x128xf32>,
    %slice3A_650 = vector.extract_strided_slice %get3A_3 {offsets = [0, 38912], sizes = [16, 128], strides = [1, 1]} : vector<16x50176xf32> to vector<16x128xf32>
    %slice3A_651 = vector.extract_strided_slice %get3A_3 {offsets = [0, 39040], sizes = [16, 128], strides = [1, 1]} : vector<16x50176xf32> to vector<16x128xf32>
    %slice3A_652 = vector.extract_strided_slice %get3A_3 {offsets = [0, 39168], sizes = [16, 128], strides = [1, 1]} : vector<16x50176xf32> to vector<16x128xf32>
    %slice3A_653 = vector.extract_strided_slice %get3A_3 {offsets = [0, 39296], sizes = [16, 128], strides = [1, 1]} : vector<16x50176xf32> to vector<16x128xf32>
    %slice3A_654 = vector.extract_strided_slice %get3A_3 {offsets = [0, 39424], sizes = [16, 128], strides = [1, 1]} : vector<16x50176xf32> to vector<16x128xf32>
    %slice3A_655 = vector.extract_strided_slice %get3A_3 {offsets = [0, 39552], sizes = [16, 128], strides = [1, 1]} : vector<16x50176xf32> to vector<16x128xf32>
    %slice3A_656 = vector.extract_strided_slice %get3A_3 {offsets = [0, 39680], sizes = [16, 128], strides = [1, 1]} : vector<16x50176xf32> to vector<16x128xf32>
    %slice3A_657 = vector.extract_strided_slice %get3A_3 {offsets = [0, 39808], sizes = [16, 128], strides = [1, 1]} : vector<16x50176xf32> to vector<16x128xf32>
    %concatenate3A_658 = tpu.concatenate %slice3A_650, %slice3A_651, %slice3A_652, %slice3A_653, %slice3A_654, %slice3A_655, %slice3A_656, %slice3A_657 in 0 : vector<16x128xf32>, vector<16x128xf32>, vector<16x128xf32>, vector<16x128xf32>, vector<16x128xf32>, vector<16x128xf32>, vector<16x128xf32>, vector<16x128xf32> -> vector<128x128xf32>
    %dot_general3A_659 = arith.constant dense<0.000000e+00> : vector<128x128xf32>
    %dot_general3A_660 = tpu.matmul %concatenate3A_658, %convert_element_type3A_7, %dot_general3A_659 {dimension_numbers = #tpu.dot_dimension_numbers<[0], [0], [1], [1], [0, 1, 1, 1], [], []>, transpose_lhs_hint = false} : vector<128x128xf32>, vector<128x128xf32>, vector<128x128xf32> -> vector<128x128xf32>
    %swap3A_661 = arith.constant 0 : index
    %swap3A_662 = arith.constant 4864 : index
    %swap3A_663 = arith.constant 0 : index
    %swap3A_664 = vector.load %arg3[%swap3A_661, %swap3A_662, %swap3A_663] : memref<1x6272x128xf32, #tpu.memory_space<vmem>>, vector<1x128x128xf32>
    %swap3A_665 = vector.shape_cast %swap3A_664 : vector<1x128x128xf32> to vector<128x128xf32>
    %swap3A_666 = vector.shape_cast %dot_general3A_660 : vector<128x128xf32> to vector<1x128x128xf32>
    tpu.vector_store %arg3[%swap3A_661, %swap3A_662, %swap3A_663], %swap3A_666 {strides = array<i32>} : memref<1x6272x128xf32, #tpu.memory_space<vmem>>, vector<1x128x128xf32>,
    %slice3A_667 = vector.extract_strided_slice %get3A_3 {offsets = [0, 39936], sizes = [16, 128], strides = [1, 1]} : vector<16x50176xf32> to vector<16x128xf32>
    %slice3A_668 = vector.extract_strided_slice %get3A_3 {offsets = [0, 40064], sizes = [16, 128], strides = [1, 1]} : vector<16x50176xf32> to vector<16x128xf32>
    %slice3A_669 = vector.extract_strided_slice %get3A_3 {offsets = [0, 40192], sizes = [16, 128], strides = [1, 1]} : vector<16x50176xf32> to vector<16x128xf32>
    %slice3A_670 = vector.extract_strided_slice %get3A_3 {offsets = [0, 40320], sizes = [16, 128], strides = [1, 1]} : vector<16x50176xf32> to vector<16x128xf32>
    %slice3A_671 = vector.extract_strided_slice %get3A_3 {offsets = [0, 40448], sizes = [16, 128], strides = [1, 1]} : vector<16x50176xf32> to vector<16x128xf32>
    %slice3A_672 = vector.extract_strided_slice %get3A_3 {offsets = [0, 40576], sizes = [16, 128], strides = [1, 1]} : vector<16x50176xf32> to vector<16x128xf32>
    %slice3A_673 = vector.extract_strided_slice %get3A_3 {offsets = [0, 40704], sizes = [16, 128], strides = [1, 1]} : vector<16x50176xf32> to vector<16x128xf32>
    %slice3A_674 = vector.extract_strided_slice %get3A_3 {offsets = [0, 40832], sizes = [16, 128], strides = [1, 1]} : vector<16x50176xf32> to vector<16x128xf32>
    %concatenate3A_675 = tpu.concatenate %slice3A_667, %slice3A_668, %slice3A_669, %slice3A_670, %slice3A_671, %slice3A_672, %slice3A_673, %slice3A_674 in 0 : vector<16x128xf32>, vector<16x128xf32>, vector<16x128xf32>, vector<16x128xf32>, vector<16x128xf32>, vector<16x128xf32>, vector<16x128xf32>, vector<16x128xf32> -> vector<128x128xf32>
    %dot_general3A_676 = arith.constant dense<0.000000e+00> : vector<128x128xf32>
    %dot_general3A_677 = tpu.matmul %concatenate3A_675, %convert_element_type3A_7, %dot_general3A_676 {dimension_numbers = #tpu.dot_dimension_numbers<[0], [0], [1], [1], [0, 1, 1, 1], [], []>, transpose_lhs_hint = false} : vector<128x128xf32>, vector<128x128xf32>, vector<128x128xf32> -> vector<128x128xf32>
    %swap3A_678 = arith.constant 0 : index
    %swap3A_679 = arith.constant 4992 : index
    %swap3A_680 = arith.constant 0 : index
    %swap3A_681 = vector.load %arg3[%swap3A_678, %swap3A_679, %swap3A_680] : memref<1x6272x128xf32, #tpu.memory_space<vmem>>, vector<1x128x128xf32>
    %swap3A_682 = vector.shape_cast %swap3A_681 : vector<1x128x128xf32> to vector<128x128xf32>
    %swap3A_683 = vector.shape_cast %dot_general3A_677 : vector<128x128xf32> to vector<1x128x128xf32>
    tpu.vector_store %arg3[%swap3A_678, %swap3A_679, %swap3A_680], %swap3A_683 {strides = array<i32>} : memref<1x6272x128xf32, #tpu.memory_space<vmem>>, vector<1x128x128xf32>,
    %slice3A_684 = vector.extract_strided_slice %get3A_3 {offsets = [0, 40960], sizes = [16, 128], strides = [1, 1]} : vector<16x50176xf32> to vector<16x128xf32>
    %slice3A_685 = vector.extract_strided_slice %get3A_3 {offsets = [0, 41088], sizes = [16, 128], strides = [1, 1]} : vector<16x50176xf32> to vector<16x128xf32>
    %slice3A_686 = vector.extract_strided_slice %get3A_3 {offsets = [0, 41216], sizes = [16, 128], strides = [1, 1]} : vector<16x50176xf32> to vector<16x128xf32>
    %slice3A_687 = vector.extract_strided_slice %get3A_3 {offsets = [0, 41344], sizes = [16, 128], strides = [1, 1]} : vector<16x50176xf32> to vector<16x128xf32>
    %slice3A_688 = vector.extract_strided_slice %get3A_3 {offsets = [0, 41472], sizes = [16, 128], strides = [1, 1]} : vector<16x50176xf32> to vector<16x128xf32>
    %slice3A_689 = vector.extract_strided_slice %get3A_3 {offsets = [0, 41600], sizes = [16, 128], strides = [1, 1]} : vector<16x50176xf32> to vector<16x128xf32>
    %slice3A_690 = vector.extract_strided_slice %get3A_3 {offsets = [0, 41728], sizes = [16, 128], strides = [1, 1]} : vector<16x50176xf32> to vector<16x128xf32>
    %slice3A_691 = vector.extract_strided_slice %get3A_3 {offsets = [0, 41856], sizes = [16, 128], strides = [1, 1]} : vector<16x50176xf32> to vector<16x128xf32>
    %concatenate3A_692 = tpu.concatenate %slice3A_684, %slice3A_685, %slice3A_686, %slice3A_687, %slice3A_688, %slice3A_689, %slice3A_690, %slice3A_691 in 0 : vector<16x128xf32>, vector<16x128xf32>, vector<16x128xf32>, vector<16x128xf32>, vector<16x128xf32>, vector<16x128xf32>, vector<16x128xf32>, vector<16x128xf32> -> vector<128x128xf32>
    %dot_general3A_693 = arith.constant dense<0.000000e+00> : vector<128x128xf32>
    %dot_general3A_694 = tpu.matmul %concatenate3A_692, %convert_element_type3A_7, %dot_general3A_693 {dimension_numbers = #tpu.dot_dimension_numbers<[0], [0], [1], [1], [0, 1, 1, 1], [], []>, transpose_lhs_hint = false} : vector<128x128xf32>, vector<128x128xf32>, vector<128x128xf32> -> vector<128x128xf32>
    %swap3A_695 = arith.constant 0 : index
    %swap3A_696 = arith.constant 5120 : index
    %swap3A_697 = arith.constant 0 : index
    %swap3A_698 = vector.load %arg3[%swap3A_695, %swap3A_696, %swap3A_697] : memref<1x6272x128xf32, #tpu.memory_space<vmem>>, vector<1x128x128xf32>
    %swap3A_699 = vector.shape_cast %swap3A_698 : vector<1x128x128xf32> to vector<128x128xf32>
    %swap3A_700 = vector.shape_cast %dot_general3A_694 : vector<128x128xf32> to vector<1x128x128xf32>
    tpu.vector_store %arg3[%swap3A_695, %swap3A_696, %swap3A_697], %swap3A_700 {strides = array<i32>} : memref<1x6272x128xf32, #tpu.memory_space<vmem>>, vector<1x128x128xf32>,
    %slice3A_701 = vector.extract_strided_slice %get3A_3 {offsets = [0, 41984], sizes = [16, 128], strides = [1, 1]} : vector<16x50176xf32> to vector<16x128xf32>
    %slice3A_702 = vector.extract_strided_slice %get3A_3 {offsets = [0, 42112], sizes = [16, 128], strides = [1, 1]} : vector<16x50176xf32> to vector<16x128xf32>
    %slice3A_703 = vector.extract_strided_slice %get3A_3 {offsets = [0, 42240], sizes = [16, 128], strides = [1, 1]} : vector<16x50176xf32> to vector<16x128xf32>
    %slice3A_704 = vector.extract_strided_slice %get3A_3 {offsets = [0, 42368], sizes = [16, 128], strides = [1, 1]} : vector<16x50176xf32> to vector<16x128xf32>
    %slice3A_705 = vector.extract_strided_slice %get3A_3 {offsets = [0, 42496], sizes = [16, 128], strides = [1, 1]} : vector<16x50176xf32> to vector<16x128xf32>
    %slice3A_706 = vector.extract_strided_slice %get3A_3 {offsets = [0, 42624], sizes = [16, 128], strides = [1, 1]} : vector<16x50176xf32> to vector<16x128xf32>
    %slice3A_707 = vector.extract_strided_slice %get3A_3 {offsets = [0, 42752], sizes = [16, 128], strides = [1, 1]} : vector<16x50176xf32> to vector<16x128xf32>
    %slice3A_708 = vector.extract_strided_slice %get3A_3 {offsets = [0, 42880], sizes = [16, 128], strides = [1, 1]} : vector<16x50176xf32> to vector<16x128xf32>
    %concatenate3A_709 = tpu.concatenate %slice3A_701, %slice3A_702, %slice3A_703, %slice3A_704, %slice3A_705, %slice3A_706, %slice3A_707, %slice3A_708 in 0 : vector<16x128xf32>, vector<16x128xf32>, vector<16x128xf32>, vector<16x128xf32>, vector<16x128xf32>, vector<16x128xf32>, vector<16x128xf32>, vector<16x128xf32> -> vector<128x128xf32>
    %dot_general3A_710 = arith.constant dense<0.000000e+00> : vector<128x128xf32>
    %dot_general3A_711 = tpu.matmul %concatenate3A_709, %convert_element_type3A_7, %dot_general3A_710 {dimension_numbers = #tpu.dot_dimension_numbers<[0], [0], [1], [1], [0, 1, 1, 1], [], []>, transpose_lhs_hint = false} : vector<128x128xf32>, vector<128x128xf32>, vector<128x128xf32> -> vector<128x128xf32>
    %swap3A_712 = arith.constant 0 : index
    %swap3A_713 = arith.constant 5248 : index
    %swap3A_714 = arith.constant 0 : index
    %swap3A_715 = vector.load %arg3[%swap3A_712, %swap3A_713, %swap3A_714] : memref<1x6272x128xf32, #tpu.memory_space<vmem>>, vector<1x128x128xf32>
    %swap3A_716 = vector.shape_cast %swap3A_715 : vector<1x128x128xf32> to vector<128x128xf32>
    %swap3A_717 = vector.shape_cast %dot_general3A_711 : vector<128x128xf32> to vector<1x128x128xf32>
    tpu.vector_store %arg3[%swap3A_712, %swap3A_713, %swap3A_714], %swap3A_717 {strides = array<i32>} : memref<1x6272x128xf32, #tpu.memory_space<vmem>>, vector<1x128x128xf32>,
    %slice3A_718 = vector.extract_strided_slice %get3A_3 {offsets = [0, 43008], sizes = [16, 128], strides = [1, 1]} : vector<16x50176xf32> to vector<16x128xf32>
    %slice3A_719 = vector.extract_strided_slice %get3A_3 {offsets = [0, 43136], sizes = [16, 128], strides = [1, 1]} : vector<16x50176xf32> to vector<16x128xf32>
    %slice3A_720 = vector.extract_strided_slice %get3A_3 {offsets = [0, 43264], sizes = [16, 128], strides = [1, 1]} : vector<16x50176xf32> to vector<16x128xf32>
    %slice3A_721 = vector.extract_strided_slice %get3A_3 {offsets = [0, 43392], sizes = [16, 128], strides = [1, 1]} : vector<16x50176xf32> to vector<16x128xf32>
    %slice3A_722 = vector.extract_strided_slice %get3A_3 {offsets = [0, 43520], sizes = [16, 128], strides = [1, 1]} : vector<16x50176xf32> to vector<16x128xf32>
    %slice3A_723 = vector.extract_strided_slice %get3A_3 {offsets = [0, 43648], sizes = [16, 128], strides = [1, 1]} : vector<16x50176xf32> to vector<16x128xf32>
    %slice3A_724 = vector.extract_strided_slice %get3A_3 {offsets = [0, 43776], sizes = [16, 128], strides = [1, 1]} : vector<16x50176xf32> to vector<16x128xf32>
    %slice3A_725 = vector.extract_strided_slice %get3A_3 {offsets = [0, 43904], sizes = [16, 128], strides = [1, 1]} : vector<16x50176xf32> to vector<16x128xf32>
    %concatenate3A_726 = tpu.concatenate %slice3A_718, %slice3A_719, %slice3A_720, %slice3A_721, %slice3A_722, %slice3A_723, %slice3A_724, %slice3A_725 in 0 : vector<16x128xf32>, vector<16x128xf32>, vector<16x128xf32>, vector<16x128xf32>, vector<16x128xf32>, vector<16x128xf32>, vector<16x128xf32>, vector<16x128xf32> -> vector<128x128xf32>
    %dot_general3A_727 = arith.constant dense<0.000000e+00> : vector<128x128xf32>
    %dot_general3A_728 = tpu.matmul %concatenate3A_726, %convert_element_type3A_7, %dot_general3A_727 {dimension_numbers = #tpu.dot_dimension_numbers<[0], [0], [1], [1], [0, 1, 1, 1], [], []>, transpose_lhs_hint = false} : vector<128x128xf32>, vector<128x128xf32>, vector<128x128xf32> -> vector<128x128xf32>
    %swap3A_729 = arith.constant 0 : index
    %swap3A_730 = arith.constant 5376 : index
    %swap3A_731 = arith.constant 0 : index
    %swap3A_732 = vector.load %arg3[%swap3A_729, %swap3A_730, %swap3A_731] : memref<1x6272x128xf32, #tpu.memory_space<vmem>>, vector<1x128x128xf32>
    %swap3A_733 = vector.shape_cast %swap3A_732 : vector<1x128x128xf32> to vector<128x128xf32>
    %swap3A_734 = vector.shape_cast %dot_general3A_728 : vector<128x128xf32> to vector<1x128x128xf32>
    tpu.vector_store %arg3[%swap3A_729, %swap3A_730, %swap3A_731], %swap3A_734 {strides = array<i32>} : memref<1x6272x128xf32, #tpu.memory_space<vmem>>, vector<1x128x128xf32>,
    %slice3A_735 = vector.extract_strided_slice %get3A_3 {offsets = [0, 44032], sizes = [16, 128], strides = [1, 1]} : vector<16x50176xf32> to vector<16x128xf32>
    %slice3A_736 = vector.extract_strided_slice %get3A_3 {offsets = [0, 44160], sizes = [16, 128], strides = [1, 1]} : vector<16x50176xf32> to vector<16x128xf32>
    %slice3A_737 = vector.extract_strided_slice %get3A_3 {offsets = [0, 44288], sizes = [16, 128], strides = [1, 1]} : vector<16x50176xf32> to vector<16x128xf32>
    %slice3A_738 = vector.extract_strided_slice %get3A_3 {offsets = [0, 44416], sizes = [16, 128], strides = [1, 1]} : vector<16x50176xf32> to vector<16x128xf32>
    %slice3A_739 = vector.extract_strided_slice %get3A_3 {offsets = [0, 44544], sizes = [16, 128], strides = [1, 1]} : vector<16x50176xf32> to vector<16x128xf32>
    %slice3A_740 = vector.extract_strided_slice %get3A_3 {offsets = [0, 44672], sizes = [16, 128], strides = [1, 1]} : vector<16x50176xf32> to vector<16x128xf32>
    %slice3A_741 = vector.extract_strided_slice %get3A_3 {offsets = [0, 44800], sizes = [16, 128], strides = [1, 1]} : vector<16x50176xf32> to vector<16x128xf32>
    %slice3A_742 = vector.extract_strided_slice %get3A_3 {offsets = [0, 44928], sizes = [16, 128], strides = [1, 1]} : vector<16x50176xf32> to vector<16x128xf32>
    %concatenate3A_743 = tpu.concatenate %slice3A_735, %slice3A_736, %slice3A_737, %slice3A_738, %slice3A_739, %slice3A_740, %slice3A_741, %slice3A_742 in 0 : vector<16x128xf32>, vector<16x128xf32>, vector<16x128xf32>, vector<16x128xf32>, vector<16x128xf32>, vector<16x128xf32>, vector<16x128xf32>, vector<16x128xf32> -> vector<128x128xf32>
    %dot_general3A_744 = arith.constant dense<0.000000e+00> : vector<128x128xf32>
    %dot_general3A_745 = tpu.matmul %concatenate3A_743, %convert_element_type3A_7, %dot_general3A_744 {dimension_numbers = #tpu.dot_dimension_numbers<[0], [0], [1], [1], [0, 1, 1, 1], [], []>, transpose_lhs_hint = false} : vector<128x128xf32>, vector<128x128xf32>, vector<128x128xf32> -> vector<128x128xf32>
    %swap3A_746 = arith.constant 0 : index
    %swap3A_747 = arith.constant 5504 : index
    %swap3A_748 = arith.constant 0 : index
    %swap3A_749 = vector.load %arg3[%swap3A_746, %swap3A_747, %swap3A_748] : memref<1x6272x128xf32, #tpu.memory_space<vmem>>, vector<1x128x128xf32>
    %swap3A_750 = vector.shape_cast %swap3A_749 : vector<1x128x128xf32> to vector<128x128xf32>
    %swap3A_751 = vector.shape_cast %dot_general3A_745 : vector<128x128xf32> to vector<1x128x128xf32>
    tpu.vector_store %arg3[%swap3A_746, %swap3A_747, %swap3A_748], %swap3A_751 {strides = array<i32>} : memref<1x6272x128xf32, #tpu.memory_space<vmem>>, vector<1x128x128xf32>,
    %slice3A_752 = vector.extract_strided_slice %get3A_3 {offsets = [0, 45056], sizes = [16, 128], strides = [1, 1]} : vector<16x50176xf32> to vector<16x128xf32>
    %slice3A_753 = vector.extract_strided_slice %get3A_3 {offsets = [0, 45184], sizes = [16, 128], strides = [1, 1]} : vector<16x50176xf32> to vector<16x128xf32>
    %slice3A_754 = vector.extract_strided_slice %get3A_3 {offsets = [0, 45312], sizes = [16, 128], strides = [1, 1]} : vector<16x50176xf32> to vector<16x128xf32>
    %slice3A_755 = vector.extract_strided_slice %get3A_3 {offsets = [0, 45440], sizes = [16, 128], strides = [1, 1]} : vector<16x50176xf32> to vector<16x128xf32>
    %slice3A_756 = vector.extract_strided_slice %get3A_3 {offsets = [0, 45568], sizes = [16, 128], strides = [1, 1]} : vector<16x50176xf32> to vector<16x128xf32>
    %slice3A_757 = vector.extract_strided_slice %get3A_3 {offsets = [0, 45696], sizes = [16, 128], strides = [1, 1]} : vector<16x50176xf32> to vector<16x128xf32>
    %slice3A_758 = vector.extract_strided_slice %get3A_3 {offsets = [0, 45824], sizes = [16, 128], strides = [1, 1]} : vector<16x50176xf32> to vector<16x128xf32>
    %slice3A_759 = vector.extract_strided_slice %get3A_3 {offsets = [0, 45952], sizes = [16, 128], strides = [1, 1]} : vector<16x50176xf32> to vector<16x128xf32>
    %concatenate3A_760 = tpu.concatenate %slice3A_752, %slice3A_753, %slice3A_754, %slice3A_755, %slice3A_756, %slice3A_757, %slice3A_758, %slice3A_759 in 0 : vector<16x128xf32>, vector<16x128xf32>, vector<16x128xf32>, vector<16x128xf32>, vector<16x128xf32>, vector<16x128xf32>, vector<16x128xf32>, vector<16x128xf32> -> vector<128x128xf32>
    %dot_general3A_761 = arith.constant dense<0.000000e+00> : vector<128x128xf32>
    %dot_general3A_762 = tpu.matmul %concatenate3A_760, %convert_element_type3A_7, %dot_general3A_761 {dimension_numbers = #tpu.dot_dimension_numbers<[0], [0], [1], [1], [0, 1, 1, 1], [], []>, transpose_lhs_hint = false} : vector<128x128xf32>, vector<128x128xf32>, vector<128x128xf32> -> vector<128x128xf32>
    %swap3A_763 = arith.constant 0 : index
    %swap3A_764 = arith.constant 5632 : index
    %swap3A_765 = arith.constant 0 : index
    %swap3A_766 = vector.load %arg3[%swap3A_763, %swap3A_764, %swap3A_765] : memref<1x6272x128xf32, #tpu.memory_space<vmem>>, vector<1x128x128xf32>
    %swap3A_767 = vector.shape_cast %swap3A_766 : vector<1x128x128xf32> to vector<128x128xf32>
    %swap3A_768 = vector.shape_cast %dot_general3A_762 : vector<128x128xf32> to vector<1x128x128xf32>
    tpu.vector_store %arg3[%swap3A_763, %swap3A_764, %swap3A_765], %swap3A_768 {strides = array<i32>} : memref<1x6272x128xf32, #tpu.memory_space<vmem>>, vector<1x128x128xf32>,
    %slice3A_769 = vector.extract_strided_slice %get3A_3 {offsets = [0, 46080], sizes = [16, 128], strides = [1, 1]} : vector<16x50176xf32> to vector<16x128xf32>
    %slice3A_770 = vector.extract_strided_slice %get3A_3 {offsets = [0, 46208], sizes = [16, 128], strides = [1, 1]} : vector<16x50176xf32> to vector<16x128xf32>
    %slice3A_771 = vector.extract_strided_slice %get3A_3 {offsets = [0, 46336], sizes = [16, 128], strides = [1, 1]} : vector<16x50176xf32> to vector<16x128xf32>
    %slice3A_772 = vector.extract_strided_slice %get3A_3 {offsets = [0, 46464], sizes = [16, 128], strides = [1, 1]} : vector<16x50176xf32> to vector<16x128xf32>
    %slice3A_773 = vector.extract_strided_slice %get3A_3 {offsets = [0, 46592], sizes = [16, 128], strides = [1, 1]} : vector<16x50176xf32> to vector<16x128xf32>
    %slice3A_774 = vector.extract_strided_slice %get3A_3 {offsets = [0, 46720], sizes = [16, 128], strides = [1, 1]} : vector<16x50176xf32> to vector<16x128xf32>
    %slice3A_775 = vector.extract_strided_slice %get3A_3 {offsets = [0, 46848], sizes = [16, 128], strides = [1, 1]} : vector<16x50176xf32> to vector<16x128xf32>
    %slice3A_776 = vector.extract_strided_slice %get3A_3 {offsets = [0, 46976], sizes = [16, 128], strides = [1, 1]} : vector<16x50176xf32> to vector<16x128xf32>
    %concatenate3A_777 = tpu.concatenate %slice3A_769, %slice3A_770, %slice3A_771, %slice3A_772, %slice3A_773, %slice3A_774, %slice3A_775, %slice3A_776 in 0 : vector<16x128xf32>, vector<16x128xf32>, vector<16x128xf32>, vector<16x128xf32>, vector<16x128xf32>, vector<16x128xf32>, vector<16x128xf32>, vector<16x128xf32> -> vector<128x128xf32>
    %dot_general3A_778 = arith.constant dense<0.000000e+00> : vector<128x128xf32>
    %dot_general3A_779 = tpu.matmul %concatenate3A_777, %convert_element_type3A_7, %dot_general3A_778 {dimension_numbers = #tpu.dot_dimension_numbers<[0], [0], [1], [1], [0, 1, 1, 1], [], []>, transpose_lhs_hint = false} : vector<128x128xf32>, vector<128x128xf32>, vector<128x128xf32> -> vector<128x128xf32>
    %swap3A_780 = arith.constant 0 : index
    %swap3A_781 = arith.constant 5760 : index
    %swap3A_782 = arith.constant 0 : index
    %swap3A_783 = vector.load %arg3[%swap3A_780, %swap3A_781, %swap3A_782] : memref<1x6272x128xf32, #tpu.memory_space<vmem>>, vector<1x128x128xf32>
    %swap3A_784 = vector.shape_cast %swap3A_783 : vector<1x128x128xf32> to vector<128x128xf32>
    %swap3A_785 = vector.shape_cast %dot_general3A_779 : vector<128x128xf32> to vector<1x128x128xf32>
    tpu.vector_store %arg3[%swap3A_780, %swap3A_781, %swap3A_782], %swap3A_785 {strides = array<i32>} : memref<1x6272x128xf32, #tpu.memory_space<vmem>>, vector<1x128x128xf32>,
    %slice3A_786 = vector.extract_strided_slice %get3A_3 {offsets = [0, 47104], sizes = [16, 128], strides = [1, 1]} : vector<16x50176xf32> to vector<16x128xf32>
    %slice3A_787 = vector.extract_strided_slice %get3A_3 {offsets = [0, 47232], sizes = [16, 128], strides = [1, 1]} : vector<16x50176xf32> to vector<16x128xf32>
    %slice3A_788 = vector.extract_strided_slice %get3A_3 {offsets = [0, 47360], sizes = [16, 128], strides = [1, 1]} : vector<16x50176xf32> to vector<16x128xf32>
    %slice3A_789 = vector.extract_strided_slice %get3A_3 {offsets = [0, 47488], sizes = [16, 128], strides = [1, 1]} : vector<16x50176xf32> to vector<16x128xf32>
    %slice3A_790 = vector.extract_strided_slice %get3A_3 {offsets = [0, 47616], sizes = [16, 128], strides = [1, 1]} : vector<16x50176xf32> to vector<16x128xf32>
    %slice3A_791 = vector.extract_strided_slice %get3A_3 {offsets = [0, 47744], sizes = [16, 128], strides = [1, 1]} : vector<16x50176xf32> to vector<16x128xf32>
    %slice3A_792 = vector.extract_strided_slice %get3A_3 {offsets = [0, 47872], sizes = [16, 128], strides = [1, 1]} : vector<16x50176xf32> to vector<16x128xf32>
    %slice3A_793 = vector.extract_strided_slice %get3A_3 {offsets = [0, 48000], sizes = [16, 128], strides = [1, 1]} : vector<16x50176xf32> to vector<16x128xf32>
    %concatenate3A_794 = tpu.concatenate %slice3A_786, %slice3A_787, %slice3A_788, %slice3A_789, %slice3A_790, %slice3A_791, %slice3A_792, %slice3A_793 in 0 : vector<16x128xf32>, vector<16x128xf32>, vector<16x128xf32>, vector<16x128xf32>, vector<16x128xf32>, vector<16x128xf32>, vector<16x128xf32>, vector<16x128xf32> -> vector<128x128xf32>
    %dot_general3A_795 = arith.constant dense<0.000000e+00> : vector<128x128xf32>
    %dot_general3A_796 = tpu.matmul %concatenate3A_794, %convert_element_type3A_7, %dot_general3A_795 {dimension_numbers = #tpu.dot_dimension_numbers<[0], [0], [1], [1], [0, 1, 1, 1], [], []>, transpose_lhs_hint = false} : vector<128x128xf32>, vector<128x128xf32>, vector<128x128xf32> -> vector<128x128xf32>
    %swap3A_797 = arith.constant 0 : index
    %swap3A_798 = arith.constant 5888 : index
    %swap3A_799 = arith.constant 0 : index
    %swap3A_800 = vector.load %arg3[%swap3A_797, %swap3A_798, %swap3A_799] : memref<1x6272x128xf32, #tpu.memory_space<vmem>>, vector<1x128x128xf32>
    %swap3A_801 = vector.shape_cast %swap3A_800 : vector<1x128x128xf32> to vector<128x128xf32>
    %swap3A_802 = vector.shape_cast %dot_general3A_796 : vector<128x128xf32> to vector<1x128x128xf32>
    tpu.vector_store %arg3[%swap3A_797, %swap3A_798, %swap3A_799], %swap3A_802 {strides = array<i32>} : memref<1x6272x128xf32, #tpu.memory_space<vmem>>, vector<1x128x128xf32>,
    %slice3A_803 = vector.extract_strided_slice %get3A_3 {offsets = [0, 48128], sizes = [16, 128], strides = [1, 1]} : vector<16x50176xf32> to vector<16x128xf32>
    %slice3A_804 = vector.extract_strided_slice %get3A_3 {offsets = [0, 48256], sizes = [16, 128], strides = [1, 1]} : vector<16x50176xf32> to vector<16x128xf32>
    %slice3A_805 = vector.extract_strided_slice %get3A_3 {offsets = [0, 48384], sizes = [16, 128], strides = [1, 1]} : vector<16x50176xf32> to vector<16x128xf32>
    %slice3A_806 = vector.extract_strided_slice %get3A_3 {offsets = [0, 48512], sizes = [16, 128], strides = [1, 1]} : vector<16x50176xf32> to vector<16x128xf32>
    %slice3A_807 = vector.extract_strided_slice %get3A_3 {offsets = [0, 48640], sizes = [16, 128], strides = [1, 1]} : vector<16x50176xf32> to vector<16x128xf32>
    %slice3A_808 = vector.extract_strided_slice %get3A_3 {offsets = [0, 48768], sizes = [16, 128], strides = [1, 1]} : vector<16x50176xf32> to vector<16x128xf32>
    %slice3A_809 = vector.extract_strided_slice %get3A_3 {offsets = [0, 48896], sizes = [16, 128], strides = [1, 1]} : vector<16x50176xf32> to vector<16x128xf32>
    %slice3A_810 = vector.extract_strided_slice %get3A_3 {offsets = [0, 49024], sizes = [16, 128], strides = [1, 1]} : vector<16x50176xf32> to vector<16x128xf32>
    %concatenate3A_811 = tpu.concatenate %slice3A_803, %slice3A_804, %slice3A_805, %slice3A_806, %slice3A_807, %slice3A_808, %slice3A_809, %slice3A_810 in 0 : vector<16x128xf32>, vector<16x128xf32>, vector<16x128xf32>, vector<16x128xf32>, vector<16x128xf32>, vector<16x128xf32>, vector<16x128xf32>, vector<16x128xf32> -> vector<128x128xf32>
    %dot_general3A_812 = arith.constant dense<0.000000e+00> : vector<128x128xf32>
    %dot_general3A_813 = tpu.matmul %concatenate3A_811, %convert_element_type3A_7, %dot_general3A_812 {dimension_numbers = #tpu.dot_dimension_numbers<[0], [0], [1], [1], [0, 1, 1, 1], [], []>, transpose_lhs_hint = false} : vector<128x128xf32>, vector<128x128xf32>, vector<128x128xf32> -> vector<128x128xf32>
    %swap3A_814 = arith.constant 0 : index
    %swap3A_815 = arith.constant 6016 : index
    %swap3A_816 = arith.constant 0 : index
    %swap3A_817 = vector.load %arg3[%swap3A_814, %swap3A_815, %swap3A_816] : memref<1x6272x128xf32, #tpu.memory_space<vmem>>, vector<1x128x128xf32>
    %swap3A_818 = vector.shape_cast %swap3A_817 : vector<1x128x128xf32> to vector<128x128xf32>
    %swap3A_819 = vector.shape_cast %dot_general3A_813 : vector<128x128xf32> to vector<1x128x128xf32>
    tpu.vector_store %arg3[%swap3A_814, %swap3A_815, %swap3A_816], %swap3A_819 {strides = array<i32>} : memref<1x6272x128xf32, #tpu.memory_space<vmem>>, vector<1x128x128xf32>,
    %slice3A_820 = vector.extract_strided_slice %get3A_3 {offsets = [0, 49152], sizes = [16, 128], strides = [1, 1]} : vector<16x50176xf32> to vector<16x128xf32>
    %slice3A_821 = vector.extract_strided_slice %get3A_3 {offsets = [0, 49280], sizes = [16, 128], strides = [1, 1]} : vector<16x50176xf32> to vector<16x128xf32>
    %slice3A_822 = vector.extract_strided_slice %get3A_3 {offsets = [0, 49408], sizes = [16, 128], strides = [1, 1]} : vector<16x50176xf32> to vector<16x128xf32>
    %slice3A_823 = vector.extract_strided_slice %get3A_3 {offsets = [0, 49536], sizes = [16, 128], strides = [1, 1]} : vector<16x50176xf32> to vector<16x128xf32>
    %slice3A_824 = vector.extract_strided_slice %get3A_3 {offsets = [0, 49664], sizes = [16, 128], strides = [1, 1]} : vector<16x50176xf32> to vector<16x128xf32>
    %slice3A_825 = vector.extract_strided_slice %get3A_3 {offsets = [0, 49792], sizes = [16, 128], strides = [1, 1]} : vector<16x50176xf32> to vector<16x128xf32>
    %slice3A_826 = vector.extract_strided_slice %get3A_3 {offsets = [0, 49920], sizes = [16, 128], strides = [1, 1]} : vector<16x50176xf32> to vector<16x128xf32>
    %slice3A_827 = vector.extract_strided_slice %get3A_3 {offsets = [0, 50048], sizes = [16, 128], strides = [1, 1]} : vector<16x50176xf32> to vector<16x128xf32>
    %concatenate3A_828 = tpu.concatenate %slice3A_820, %slice3A_821, %slice3A_822, %slice3A_823, %slice3A_824, %slice3A_825, %slice3A_826, %slice3A_827 in 0 : vector<16x128xf32>, vector<16x128xf32>, vector<16x128xf32>, vector<16x128xf32>, vector<16x128xf32>, vector<16x128xf32>, vector<16x128xf32>, vector<16x128xf32> -> vector<128x128xf32>
    %dot_general3A_829 = arith.constant dense<0.000000e+00> : vector<128x128xf32>
    %dot_general3A_830 = tpu.matmul %concatenate3A_828, %convert_element_type3A_7, %dot_general3A_829 {dimension_numbers = #tpu.dot_dimension_numbers<[0], [0], [1], [1], [0, 1, 1, 1], [], []>, transpose_lhs_hint = false} : vector<128x128xf32>, vector<128x128xf32>, vector<128x128xf32> -> vector<128x128xf32>
    %swap3A_831 = arith.constant 0 : index
    %swap3A_832 = arith.constant 6144 : index
    %swap3A_833 = arith.constant 0 : index
    %swap3A_834 = vector.load %arg3[%swap3A_831, %swap3A_832, %swap3A_833] : memref<1x6272x128xf32, #tpu.memory_space<vmem>>, vector<1x128x128xf32>
    %swap3A_835 = vector.shape_cast %swap3A_834 : vector<1x128x128xf32> to vector<128x128xf32>
    %swap3A_836 = vector.shape_cast %dot_general3A_830 : vector<128x128xf32> to vector<1x128x128xf32>
    tpu.vector_store %arg3[%swap3A_831, %swap3A_832, %swap3A_833], %swap3A_836 {strides = array<i32>} : memref<1x6272x128xf32, #tpu.memory_space<vmem>>, vector<1x128x128xf32>,
    return
  }
  func.func @transform_0(%arg0: i32, %arg1: i32) -> (i32, i32, i32) {
    %c0_i32 = arith.constant 0 : i32
    %c0_i32_0 = arith.constant 0 : i32
    return %arg0, %c0_i32, %arg1 : i32, i32, i32
  }
  func.func @transform_1(%arg0: i32, %arg1: i32) -> (i32, i32, i32) {
    %c0_i32 = arith.constant 0 : i32
    %c0_i32_0 = arith.constant 0 : i32
    return %arg0, %arg1, %c0_i32 : i32, i32, i32
  }
}

module attributes {stable_mosaic.version = 14 : i64} {
  func.func @body(%arg0: i32, %arg1: memref<2048x208xf32, #tpu.memory_space<vmem>>, %arg2: memref<2048x208xf32, #tpu.memory_space<vmem>>, %arg3: memref<2048x30xf32, #tpu.memory_space<vmem>>, %arg4: memref<208x30xf32, #tpu.memory_space<vmem>>, %arg5: memref<208x30xf32, #tpu.memory_space<vmem>>, %arg6: memref<30x15xf32, #tpu.memory_space<vmem>>, %arg7: memref<1x15xf32, #tpu.memory_space<vmem>>, %arg8: memref<15x1xf32, #tpu.memory_space<vmem>>, %arg9: memref<1x1xf32, #tpu.memory_space<vmem>>, %arg10: memref<2048x1xf32, #tpu.memory_space<vmem>>) attributes {dimension_semantics = [#tpu.dimension_semantics<arbitrary>], iteration_bounds = array<i64: 8>, scalar_prefetch = 0 : i64, scratch_operands = 0 : i64, tpu.core_type = #tpu.core_type<tc>, window_params = [{transform_indices = @transform_0, window_bounds = array<i64: 2048, 208>}, {transform_indices = @transform_1, window_bounds = array<i64: 2048, 208>}, {transform_indices = @transform_2, window_bounds = array<i64: 2048, 30>}, {pipeline_mode = #tpu.pipeline_mode<synchronous>, transform_indices = @transform_3, window_bounds = array<i64: 208, 30>}, {pipeline_mode = #tpu.pipeline_mode<synchronous>, transform_indices = @transform_4, window_bounds = array<i64: 208, 30>}, {pipeline_mode = #tpu.pipeline_mode<synchronous>, transform_indices = @transform_5, window_bounds = array<i64: 30, 15>}, {pipeline_mode = #tpu.pipeline_mode<synchronous>, transform_indices = @transform_6, window_bounds = array<i64: 1, 15>}, {pipeline_mode = #tpu.pipeline_mode<synchronous>, transform_indices = @transform_7, window_bounds = array<i64: 15, 1>}, {pipeline_mode = #tpu.pipeline_mode<synchronous>, transform_indices = @transform_8, window_bounds = array<i64: 1, 1>}, {transform_indices = @transform_9, window_bounds = array<i64: 2048, 1>}]} {
    %get3A = arith.constant 0 : index
    %get3A_0 = arith.constant 0 : index
    %get3A_1 = vector.load %arg1[%get3A, %get3A_0] : memref<2048x208xf32, #tpu.memory_space<vmem>>, vector<2048x208xf32>
    %get3A_2 = arith.constant 0 : index
    %get3A_3 = arith.constant 0 : index
    %get3A_4 = vector.load %arg4[%get3A_2, %get3A_3] : memref<208x30xf32, #tpu.memory_space<vmem>>, vector<208x30xf32>
    %dot_general3A = arith.constant dense<0.000000e+00> : vector<2048x30xf32>
    %dot_general3A_5 = tpu.matmul %get3A_1, %get3A_4, %dot_general3A {dimension_numbers = #tpu.dot_dimension_numbers<[1], [0], [0], [1], [0, 0, 1, 1], [], []>, transpose_lhs_hint = false} : vector<2048x208xf32>, vector<208x30xf32>, vector<2048x30xf32> -> vector<2048x30xf32>
    %get3A_6 = arith.constant 0 : index
    %get3A_7 = arith.constant 0 : index
    %get3A_8 = vector.load %arg2[%get3A_6, %get3A_7] : memref<2048x208xf32, #tpu.memory_space<vmem>>, vector<2048x208xf32>
    %get3A_9 = arith.constant 0 : index
    %get3A_10 = arith.constant 0 : index
    %get3A_11 = vector.load %arg5[%get3A_9, %get3A_10] : memref<208x30xf32, #tpu.memory_space<vmem>>, vector<208x30xf32>
    %dot_general3A_12 = arith.constant dense<0.000000e+00> : vector<2048x30xf32>
    %dot_general3A_13 = tpu.matmul %get3A_8, %get3A_11, %dot_general3A_12 {dimension_numbers = #tpu.dot_dimension_numbers<[1], [0], [0], [1], [0, 0, 1, 1], [], []>, transpose_lhs_hint = false} : vector<2048x208xf32>, vector<208x30xf32>, vector<2048x30xf32> -> vector<2048x30xf32>
    %add3A = arith.addf %dot_general3A_5, %dot_general3A_13 : vector<2048x30xf32>
    %get3A_14 = arith.constant 0 : index
    %get3A_15 = arith.constant 0 : index
    %get3A_16 = vector.load %arg3[%get3A_14, %get3A_15] : memref<2048x30xf32, #tpu.memory_space<vmem>>, vector<2048x30xf32>
    %add3A_17 = arith.addf %add3A, %get3A_16 : vector<2048x30xf32>
    %tanh3A = math.tanh %add3A_17 : vector<2048x30xf32>
    %get3A_18 = arith.constant 0 : index
    %get3A_19 = arith.constant 0 : index
    %get3A_20 = vector.load %arg6[%get3A_18, %get3A_19] : memref<30x15xf32, #tpu.memory_space<vmem>>, vector<30x15xf32>
    %dot_general3A_21 = arith.constant dense<0.000000e+00> : vector<2048x15xf32>
    %dot_general3A_22 = tpu.matmul %tanh3A, %get3A_20, %dot_general3A_21 {dimension_numbers = #tpu.dot_dimension_numbers<[1], [0], [0], [1], [0, 0, 1, 1], [], []>, transpose_lhs_hint = false} : vector<2048x30xf32>, vector<30x15xf32>, vector<2048x15xf32> -> vector<2048x15xf32>
    %get3A_23 = arith.constant 0 : index
    %get3A_24 = arith.constant 0 : index
    %get3A_25 = vector.load %arg7[%get3A_23, %get3A_24] : memref<1x15xf32, #tpu.memory_space<vmem>>, vector<1x15xf32>
    %add3A_26 = vector.broadcast %get3A_25 : vector<1x15xf32> to vector<2048x15xf32>
    %add3A_27 = arith.addf %dot_general3A_22, %add3A_26 : vector<2048x15xf32>
    %tanh3A_28 = math.tanh %add3A_27 : vector<2048x15xf32>
    %get3A_29 = arith.constant 0 : index
    %get3A_30 = arith.constant 0 : index
    %get3A_31 = vector.load %arg8[%get3A_29, %get3A_30] : memref<15x1xf32, #tpu.memory_space<vmem>>, vector<15x1xf32>
    %dot_general3A_32 = arith.constant dense<0.000000e+00> : vector<2048x1xf32>
    %dot_general3A_33 = tpu.matmul %tanh3A_28, %get3A_31, %dot_general3A_32 {dimension_numbers = #tpu.dot_dimension_numbers<[1], [0], [0], [1], [0, 0, 1, 1], [], []>, transpose_lhs_hint = false} : vector<2048x15xf32>, vector<15x1xf32>, vector<2048x1xf32> -> vector<2048x1xf32>
    %get3A_34 = arith.constant 0 : index
    %get3A_35 = arith.constant 0 : index
    %get3A_36 = vector.load %arg9[%get3A_34, %get3A_35] : memref<1x1xf32, #tpu.memory_space<vmem>>, vector<1x1xf32>
    %add3A_37 = vector.broadcast %get3A_36 : vector<1x1xf32> to vector<2048x1xf32>
    %add3A_38 = arith.addf %dot_general3A_33, %add3A_37 : vector<2048x1xf32>
    %neg3A = arith.constant 0.000000e+00 : f32
    %neg3A_39 = vector.broadcast %neg3A : f32 to vector<2048x1xf32>
    %neg3A_40 = arith.subf %neg3A_39, %add3A_38 : vector<2048x1xf32>
    %exp3A = math.exp %neg3A_40 : vector<2048x1xf32>
    %add3A_41 = arith.constant 1.000000e+00 : f32
    %add3A_42 = vector.broadcast %add3A_41 : f32 to vector<2048x1xf32>
    %add3A_43 = arith.addf %add3A_42, %exp3A : vector<2048x1xf32>
    %div3A = arith.constant 1.000000e+00 : f32
    %div3A_44 = vector.broadcast %div3A : f32 to vector<2048x1xf32>
    %div3A_45 = arith.divf %div3A_44, %add3A_43 : vector<2048x1xf32>
    %swap3A = arith.constant 0 : index
    %swap3A_46 = arith.constant 0 : index
    %swap3A_47 = vector.load %arg10[%swap3A, %swap3A_46] : memref<2048x1xf32, #tpu.memory_space<vmem>>, vector<2048x1xf32>
    tpu.vector_store %arg10[%swap3A, %swap3A_46], %div3A_45 {strides = array<i32>} : memref<2048x1xf32, #tpu.memory_space<vmem>>, vector<2048x1xf32>,
    return
  }
  func.func @transform_0(%arg0: i32) -> (i32, i32) {
    %c0_i32 = arith.constant 0 : i32
    %c0_i32_0 = arith.constant 0 : i32
    return %arg0, %c0_i32 : i32, i32
  }
  func.func @transform_1(%arg0: i32) -> (i32, i32) {
    %c0_i32 = arith.constant 0 : i32
    %c0_i32_0 = arith.constant 0 : i32
    return %arg0, %c0_i32 : i32, i32
  }
  func.func @transform_2(%arg0: i32) -> (i32, i32) {
    %c0_i32 = arith.constant 0 : i32
    %c0_i32_0 = arith.constant 0 : i32
    return %arg0, %c0_i32 : i32, i32
  }
  func.func @transform_3(%arg0: i32) -> (i32, i32) {
    %c0_i32 = arith.constant 0 : i32
    %c0_i32_0 = arith.constant 0 : i32
    %c0_i32_1 = arith.constant 0 : i32
    return %c0_i32, %c0_i32_0 : i32, i32
  }
  func.func @transform_4(%arg0: i32) -> (i32, i32) {
    %c0_i32 = arith.constant 0 : i32
    %c0_i32_0 = arith.constant 0 : i32
    %c0_i32_1 = arith.constant 0 : i32
    return %c0_i32, %c0_i32_0 : i32, i32
  }
  func.func @transform_5(%arg0: i32) -> (i32, i32) {
    %c0_i32 = arith.constant 0 : i32
    %c0_i32_0 = arith.constant 0 : i32
    %c0_i32_1 = arith.constant 0 : i32
    return %c0_i32, %c0_i32_0 : i32, i32
  }
  func.func @transform_6(%arg0: i32) -> (i32, i32) {
    %c0_i32 = arith.constant 0 : i32
    %c0_i32_0 = arith.constant 0 : i32
    %c0_i32_1 = arith.constant 0 : i32
    return %c0_i32, %c0_i32_0 : i32, i32
  }
  func.func @transform_7(%arg0: i32) -> (i32, i32) {
    %c0_i32 = arith.constant 0 : i32
    %c0_i32_0 = arith.constant 0 : i32
    %c0_i32_1 = arith.constant 0 : i32
    return %c0_i32, %c0_i32_0 : i32, i32
  }
  func.func @transform_8(%arg0: i32) -> (i32, i32) {
    %c0_i32 = arith.constant 0 : i32
    %c0_i32_0 = arith.constant 0 : i32
    %c0_i32_1 = arith.constant 0 : i32
    return %c0_i32, %c0_i32_0 : i32, i32
  }
  func.func @transform_9(%arg0: i32) -> (i32, i32) {
    %c0_i32 = arith.constant 0 : i32
    %c0_i32_0 = arith.constant 0 : i32
    return %arg0, %c0_i32 : i32, i32
  }
}

</mosaic_0001>

<sc_bundles>
// kernel: kernel.10.cloned.1.call-start
scs
__scs_entry_jumppad:
0x0: {  	(pc) =	sbr.rel $0x88, $3  }
0x1: {  	(tag) =	ssettag $0x0;
	lr =	simm.s32 $0x1  }
0x2: {  	[smem:$0x3F97] =	sst lr;
	_ =	strace $0xD0000000  }
0x3: {  	_ = 	snop  }
0x4: {  	_ = 	snop  }
0x5: {  	_ = 	snop  }
0x6: {  	_ = 	snop  }
0x7: {  	_ = 	snop  }
__scs_overlays_trampoline_lowered:
0x8: {  	[smem:$0x3FA6] =	sst s0  }
0x9: {  	[smem:$0x3FA7] =	sst s1  }
0xa: {  	[smem:$0x3FA8] =	sst s2  }
0xb: {  	[smem:$0x3FA9] =	sst s3  }
0xc: {  	[smem:$0x3FAA] =	sst s4  }
0xd: {  	[smem:$0x3FAB] =	sst s5  }
0xe: {  	[smem:$0x3FAC] =	sst s6  }
0xf: {  	[smem:$0x3FAD] =	sst s7  }
0x10: {  	[smem:$0x3FAE] =	sst s8  }
0x11: {  	[smem:$0x3FAF] =	sst s9;
	s0 =	simm.s32 @!p0 $0x0  }
0x12: {  	s1 =	sld [smem:$0x3F95];
	s0 =	simm.s32 @p0 $0x1  }
0x13: {  	[smem:$0x3FB0] =	sst s0;
	s0 =	simm.s32 @!p1 $0x0  }
0x14: {  	s2 =	sld [smem:$0x3F94];
	s0 =	simm.s32 @p1 $0x1  }
0x15: {  	[smem:$0x3FB1] =	sst s0;
	s0 =	simm.s32 @!p2 $0x0  }
0x16: {  	s3 =	sld [smem:$0x3FDB];
	s0 =	simm.s32 @p2 $0x1  }
0x17: {  	s4 =	simm.s32 $0x1BF5;
	[smem:$0x3FB3] =	sst s0  }
0x18: {  	s0 =	sld [smem:$0x3F96];
	_ =	swait.ge [sflag:s4], $0x0  }
0x19: {  	s7 =	sld [smem:$0x3F97]  }
0x1a: {  	s8 =	sadd.s32 $0xFFFFE003, lr  }
0x1b: {  	s9 =	sadd.s32 $0xFFFFFEF7, lr;
	s5 =	simm.s32 $0xFFFFFFFF;
	p2 =	slt.u32 s8, $0xFFFFF086  }
0x1c: {  	p1 =	slt.u32 s9, $0xF7A;
	s5 =	simm.s32 @!p2 $0x0  }
0x1d: {  	s5 =	simm.s32 @p1 $0x1;
	p0 =	seq.s32 s7, s2  }
0x1e: {  	s7 =	smul.u32 @!p0 $0xF7A, s2;
	p2 =	seq.s32 @!p0 s5, $0x0  }
0x1f: {  	s9 =	smul.u32 $0xF7A, s1;
	s8 =	simm.s32 @!p0 $0x1BF5;
	p2 =	por !p2, p0  }
0x20: {  	[sflag:s8] =	ssyncset.s32 @!p0 $0xFFFFF086;
	s6 =	sadd.s32 @!p0 s3, s7;
	s7 =	simm.s32 @!p0 $0x108  }
0x21: {  	s3 =	sadd.s32 s3, s9;
	s6 =	sadd.s32 @!p0 $0x88, s6;
	s7 =	simm.s32 @p2 $0x1082  }
0x22: {  	[simem:s7], [sflag:s8] =	dma.local @!p0 [hbm:s6], $0xF7A  }
0x23: {  	s9 =	sor.u32 $0xD0000000, s2;
	s6 =	simm.s32 $0x108;
	_ =	swait.ge @!p0 [sflag:s8], $0x0  }
0x24: {  	s3 =	sadd.s32 $0x88, s3;
	s6 =	simm.s32 @!p1 $0x1082;
	[sflag:s4] =	ssyncset.s32 $0xFFFFF086  }
0x25: {  	[simem:s6], [sflag:s4] =	dma.local [hbm:s3], $0xF7A  }
0x26: {  	[smem:$0x3F97] =	sst s1;
	(tag) =	ssettag s2;
	_ =	strace s9  }
0x27: {  	s1 =	sld [smem:$0x3FA7]  }
0x28: {  	s2 =	sld [smem:$0x3FA8]  }
0x29: {  	s4 =	sld [smem:$0x3FAA]  }
0x2a: {  	p0 =	seq.s32 s5, $0x0;
	s5 =	sld [smem:$0x3FAB]  }
0x2b: {  	s6 =	sld [smem:$0x3FAC]  }
0x2c: {  	s7 =	sld [smem:$0x3FAD]  }
0x2d: {  	s3 =	simm.s32 $0x108;
	s8 =	sld [smem:$0x3FAE]  }
0x2e: {  	s3 =	simm.s32 @!p0 $0x1082;
	s9 =	sld [smem:$0x3FAF]  }
0x2f: {  	lr =	sadd.s32 s0, s3;
	s0 =	sld [smem:$0x3FA6]  }
0x30: {  	s3 =	sld [smem:$0x3FA9]  }
0x31: {  	[smem:$0x3FB2] =	sst s10  }
0x32: {  	s10 =	sld [smem:$0x3FB0];
	_ =	sdelay $0x3  }
0x33: {  	p0 =	seq.s32 s10, $0x1;
	s10 =	sld [smem:$0x3FB2];
	_ =	sdelay $0x3  }
0x34: {  	[smem:$0x3FB2] =	sst s10  }
0x35: {  	s10 =	sld [smem:$0x3FB1];
	_ =	sdelay $0x3  }
0x36: {  	p1 =	seq.s32 s10, $0x1;
	s10 =	sld [smem:$0x3FB2];
	_ =	sdelay $0x3  }
0x37: {  	[smem:$0x3FB2] =	sst s10  }
0x38: {  	s10 =	sld [smem:$0x3FB3]  }
0x39: {  	_ = 	snop;
	(pc) =	sbr.ind lr, $3  }
0x3a: {  	_ = 	snop  }
0x3b: {  	_ = 	snop  }
0x3c: {  	p2 =	seq.s32 s10, $0x1;
	s10 =	sld [smem:$0x3FB2]  }
0x3d: {  	_ =	shalt  }
0x3e: {  	_ =	shalt  }
0x3f: {  	_ =	shalt  }
0x40: {  	_ =	shalt  }
0x41: {  	_ =	shalt  }
0x42: {  	_ =	shalt  }
0x43: {  	_ =	shalt  }
0x44: {  	_ =	shalt  }
0x45: {  	_ =	shalt  }
0x46: {  	_ =	shalt  }
0x47: {  	_ =	shalt  }
0x48: {  	_ =	shalt  }
0x49: {  	_ =	shalt  }
0x4a: {  	_ =	shalt  }
0x4b: {  	_ =	shalt  }
0x4c: {  	_ =	shalt  }
0x4d: {  	_ =	shalt  }
0x4e: {  	_ =	shalt  }
0x4f: {  	_ =	shalt  }
0x50: {  	_ =	shalt  }
0x51: {  	_ =	shalt  }
0x52: {  	_ =	shalt  }
0x53: {  	_ =	shalt  }
0x54: {  	_ =	shalt  }
0x55: {  	_ =	shalt  }
0x56: {  	_ =	shalt  }
0x57: {  	_ =	shalt  }
0x58: {  	_ =	shalt  }
0x59: {  	_ =	shalt  }
0x5a: {  	_ =	shalt  }
0x5b: {  	_ =	shalt  }
0x5c: {  	_ =	shalt  }
0x5d: {  	_ =	shalt  }
0x5e: {  	_ =	shalt  }
0x5f: {  	_ =	shalt  }
0x60: {  	_ =	shalt  }
0x61: {  	_ =	shalt  }
0x62: {  	_ =	shalt  }
0x63: {  	_ =	shalt  }
0x64: {  	_ =	shalt  }
0x65: {  	_ =	shalt  }
0x66: {  	_ =	shalt  }
0x67: {  	_ =	shalt  }
0x68: {  	_ =	shalt  }
0x69: {  	_ =	shalt  }
0x6a: {  	_ =	shalt  }
0x6b: {  	_ =	shalt  }
0x6c: {  	_ =	shalt  }
0x6d: {  	_ =	shalt  }
0x6e: {  	_ =	shalt  }
0x6f: {  	_ =	shalt  }
0x70: {  	_ =	shalt  }
0x71: {  	_ =	shalt  }
0x72: {  	_ =	shalt  }
0x73: {  	_ =	shalt  }
0x74: {  	_ =	shalt  }
0x75: {  	_ =	shalt  }
0x76: {  	_ =	shalt  }
0x77: {  	_ =	shalt  }
0x78: {  	_ =	shalt  }
0x79: {  	_ =	shalt  }
0x7a: {  	_ =	shalt  }
0x7b: {  	_ =	shalt  }
0x7c: {  	_ =	shalt  }
0x7d: {  	_ =	shalt  }
0x7e: {  	_ =	shalt  }
0x7f: {  	_ =	shalt  }
0x80: {  	_ =	shalt  }
0x81: {  	_ =	shalt  }
0x82: {  	_ =	shalt  }
0x83: {  	_ =	shalt  }
0x84: {  	_ =	shalt  }
0x85: {  	_ =	shalt  }
0x86: {  	_ =	shalt  }
0x87: {  	_ =	shalt  }
.Lfunc_end0:
.L_simem_size_0:
called_computation.1_lowered:
.L_overlay_start_0:
0x88: {  	s2 =	sld [smem:$0x3FD9]  }
0x89: {  	s3 =	sld [smem:$0x3FFE];
	_ =	sdelay $0x1  }
0x8a: {  	s1 =	srdreg.scid  }
0x8b: {  	s0 =	sand.u32 $0x1, s1  }
0x8c: {  	s17 =	sshll.u32 s0, $0xA;
	s2 =	sadd.s32 s3, s2  }
0x8d: {  	s2 =	sadd.s32 s2, s17  }
0x8e: {  	[smem:$0x3FBE] =	sst s2  }
0x8f: {  	_ = 	snop  }
0x90: {  	(tm) =	ssettm $0x1  }
0x91: {  	s18 =	sld [smem:$0x3FFB];
	_ =	sdelay $0x3  }
0x92: {  	_ =	strace s18  }
0x93: {  	s2 =	sld [smem:$0x3FFC];
	_ =	sdelay $0x3  }
0x94: {  	_ =	strace s2  }
0x95: {  	s2 =	sld [smem:$0x3FFD];
	_ =	sdelay $0x3  }
0x96: {  	_ =	strace s2  }
0x97: {  	_ =	strace $0x8FFFFFFF  }
0x98: {  	s19 =	sld [smem:$0x3FDB];
	_ =	sdelay $0x1  }
0x99: {  	s20 =	simm.s32 $_scs_section_size  }
0x9a: {  	s4 =	simm.s32 $_size__tile_overlayer_lowered;
	s5 =	simm.s32 $_tile_overlayer_lowered  }
0x9b: {  	s6 =	simm.s32 $0x1BFF;
	s21 =	sshll.u32 s5, $0x1;
	s3 =	sadd.s32 s20, s19  }
0x9c: {  	s22 =	simm.s32 $0x0;
	s4 =	sshll.u32 s4, $0x1;
	s5 =	sadd.s32 s21, s3  }
0x9d: {  	[timem:s22], [sflag:s6] =	dma.local [hbm:s5], s4  }
0x9e: {  	_ =	swait.ge [sflag:s6], s4  }
0x9f: {  	s4 =	ssub.s32 $0x0, s4;
	[sflag:s6] =	ssyncset.done $0x0  }
0xa0: {  	[sflag:s6] =	ssyncadd.s32 s4;
	_ =	sdelay $0x1  }
0xa1: {  	s23 =	simm.s32 $0x1B8B  }
0xa2: {  	_ =	swait.ge [sflag:s23], $0x1  }
0xa3: {  	[sflag:s23] =	ssyncset.done $0x0  }
0xa4: {  	[sflag:s23] =	ssyncadd.s32 $0xFFFFFFFF  }
0xa5: {  	s4 =	sld [smem:$0x0]  }
0xa6: {  	s5 =	sand.u32 $0xFFFFFFFE, s1  }
0xa7: {  	p0 =	sne.s32 s1, s5  }
0xa8: {  	s5 =	sshll.u32 @p0 s5, $0xE  }
0xa9: {  	s5 =	sadd.s32 @p0 $0x11B8D, s5;
	s6 =	sshll.u32 @p0 s4, $0x11  }
0xaa: {  	s5 =	sor.u32 @p0 s6, s5  }
0xab: {  	[sflag:s5] =	ssyncadd.remote.s32 @p0 $0x1;
	_ =	sdelay $0x1  }
0xac: {  	s5 =	simm.s32 @p0 $0x1B8D  }
0xad: {  	_ =	swait.eq @p0 [sflag:s5], $0x1  }
0xae: {  	[sflag:s5] =	ssyncadd.s32 @p0 $0xFFFFFFFF  }
0xaf: {  	s6 =	sshll.u32 @!p0 s1, $0xE  }
0xb0: {  	s6 =	sor.u32 @!p0 $0x4000, s6;
	s5 =	simm.s32 @!p0 $0x1B8D  }
0xb1: {  	s4 =	sshll.u32 @!p0 s4, $0x11;
	s6 =	sadd.s32 @!p0 $0x11B8D, s6;
	_ =	swait.eq @!p0 [sflag:s5], $0x1  }
0xb2: {  	s4 =	sor.u32 @!p0 s4, s6;
	[sflag:s5] =	ssyncadd.s32 @!p0 $0xFFFFFFFF  }
0xb3: {  	s25 =	simm.s32 $0x1B8E;
	s24 =	sld [smem:$0x3FFE];
	[sflag:s4] =	ssyncadd.remote.s32 @!p0 $0x1  }
0xb4: {  	s26 =	simm.s32 $execute0_lowered;
	[smem:$0x3FD2] =	sst s25  }
0xb5: {  	s5 =	sshll.u32 s26, $0x1;
	_ =	strace $0x80000049;
	[dreg:$0x1] =	wrdreg $0xFFFFFFFF  }
0xb6: {  	s28 =	simm.s32 $_size_execute0_lowered;
	s3 =	sadd.s32 s3, s5;
	[dreg:$0x0] =	wrdreg $0x0  }
0xb7: {  	s5 =	sshll.u32 s28, $0x1;
	[dreg:$0x2] =	wrdreg s3  }
0xb8: {  	[dreg:$0x3] =	wrdreg s5  }
0xb9: {  	[dreg:$0x4] =	wrdreg $0xC0  }
0xba: {  	_ =	task [dreg:s22], $0x5FFFF  }
0xbb: {  	[dreg:$0x1] =	wrdreg $0xFFFFFFFF  }
0xbc: {  	[dreg:$0x0] =	wrdreg $0x60  }
0xbd: {  	[dreg:$0x2] =	wrdreg s24  }
0xbe: {  	[dreg:$0x3] =	wrdreg $0xA  }
0xbf: {  	_ =	task.clear_ibuf [dreg:s22], $0x4FFFF;
	_ =	strace $0x90000049  }
0xc0: {  	s29 =	simm.s32 $0xA;
	_ =	strace $0x8000004B  }
0xc1: {  	_ =	swait.ge [sflag:s29], $0x1  }
0xc2: {  	[sflag:s29] =	ssyncadd.s32 $0xFFFFFFFF  }
0xc3: {  	_ =	strace $0x9000004B  }
0xc4: {  	_ =	sfence  }
0xc5: {  	s30 =	sld [smem:$0x0];
	_ =	sdelay $0x2  }
0xc6: {  	s31 =	sshll.u32 s1, $0xD;
	s1 =	sshrl.u32 s1, $0x2  }
0xc7: {  	s4 =	sand.u32 $0x4000, s31;
	s1 =	sadd.s32 s1, s30  }
0xc8: {  	s0 =	sor.u32 s4, s0;
	s1 =	sshll.u32 s1, $0x11  }
0xc9: {  	s0 =	sor.u32 s1, s0  }
0xca: {  	s0 =	sadd.s32 $0x8F2B, s0  }
0xcb: {  	[sflag:s0] =	ssyncadd.remote.s32 $0x1  }
0xcc: {  	_ =	sfence.sel $0xFFFF  }
0xcd: {  	[dreg:$0x0] =	wrdreg $0xFFFFFFFF;
	(pc) =	sbr.abs _section_cstart, $3  }
0xce: {  	[dreg:$0x1] =	wrdreg $0xFFFFFFFF  }
0xcf: {  	_ =	task.clear_ibuf [dreg:s22], $0x2FFFF;
	_ =	strace $0x9FFFFFFF  }
0xd0: {  	(tm) =	ssettm $0x7FFFFFFF  }
0xd1: {  	_ =	shalt  }
tec
execute0_lowered:
.L_overlay_start_1:
0x0: {  	(tag) =	ssettag $0x1  }
0x1: {  	s3 =	rddreg [dreg:$0x0];
	s2 =	simm.s32 $0x0  }
0x2: {  	s14 =	simm.s32 $0x2200;
	[smem:$0x7FF] =	sst s2  }
0x3: {  	s15 =	simm.s32 $0x100;
	_ =	strace $0x8000004A;
	[dreg:$0x5] =	wrdreg s14  }
0x4: {  	s16 =	simm.s32 $0x2A00;
	[dreg:$0x6] =	wrdreg s15  }
0x5: {  	s17 =	simm.s32 $0x180;
	[dreg:$0x7] =	wrdreg s16  }
0x6: {  	s18 =	simm.s32 $0x3200;
	[dreg:$0x8] =	wrdreg s17  }
0x7: {  	s19 =	simm.s32 $0x200;
	[dreg:$0x9] =	wrdreg s18  }
0x8: {  	s20 =	simm.s32 $0x3A00;
	[dreg:$0xa] =	wrdreg s19  }
0x9: {  	s21 =	simm.s32 $0x280;
	[dreg:$0xb] =	wrdreg s20  }
0xa: {  	s22 =	simm.s32 $0x4200;
	[dreg:$0xc] =	wrdreg s21  }
0xb: {  	s23 =	simm.s32 $0x300;
	[dreg:$0xd] =	wrdreg s22  }
0xc: {  	s24 =	simm.s32 $0x4A00;
	[dreg:$0xe] =	wrdreg s23  }
0xd: {  	s25 =	simm.s32 $0x380;
	[dreg:$0xf] =	wrdreg s24  }
0xe: {  	s0 =	stileid.u32;
	s26 =	simm.s32 $0x5200;
	[dreg:$0x10] =	wrdreg s25  }
0xf: {  	s11 =	sshll.u32 s0, $0x1;
	s0 =	simm.s32 $0x400;
	[dreg:$0x11] =	wrdreg s26  }
0x10: {  	s8 =	simm.s32 $0x500;
	[dreg:$0x12] =	wrdreg s0  }
0x11: {  	s1 =	srdreg.scid;
	s9 =	simm.s32 $0x6A00;
	[dreg:$0x16] =	wrdreg s8  }
0x12: {  	s10 =	simm.s32 $0x580;
	s4 =	sand.u32 $0x1, s1;
	[dreg:$0x17] =	wrdreg s9  }
0x13: {  	s1 =	sor.u32 s4, s11;
	[dreg:$0x18] =	wrdreg s10;
	s11 =	simm.s32 $0x7200  }
0x14: {  	s14 =	simm.s32 $0x680;
	[dreg:$0x19] =	wrdreg s11  }
0x15: {  	s15 =	simm.s32 $0x8200;
	[dreg:$0x1c] =	wrdreg s14  }
0x16: {  	s16 =	simm.s32 $0x700;
	[dreg:$0x1d] =	wrdreg s15  }
0x17: {  	s17 =	simm.s32 $0x8A00;
	[dreg:$0x1e] =	wrdreg s16  }
0x18: {  	s18 =	simm.s32 $0x780;
	[dreg:$0x1f] =	wrdreg s17  }
0x19: {  	s19 =	simm.s32 $0x9200;
	[smem:$0x7C8] =	sst s18  }
0x1a: {  	s20 =	simm.s32 $0x800;
	[smem:$0x7C9] =	sst s19  }
0x1b: {  	s21 =	simm.s32 $0x9A00;
	[smem:$0x7CA] =	sst s20  }
0x1c: {  	s22 =	simm.s32 $0x880;
	[smem:$0x7CB] =	sst s21  }
0x1d: {  	s23 =	simm.s32 $0xA200;
	[smem:$0x7CC] =	sst s22  }
0x1e: {  	s24 =	simm.s32 $0x900;
	[smem:$0x7CD] =	sst s23  }
0x1f: {  	s25 =	simm.s32 $0xAA00;
	[smem:$0x7CE] =	sst s24  }
0x20: {  	s26 =	simm.s32 $0x980;
	[smem:$0x7CF] =	sst s25  }
0x21: {  	s0 =	simm.s32 $0xB200;
	[smem:$0x7D0] =	sst s26  }
0x22: {  	s8 =	simm.s32 $0xC200;
	[smem:$0x7D1] =	sst s0  }
0x23: {  	s9 =	simm.s32 $0xB00;
	[smem:$0x7D5] =	sst s8  }
0x24: {  	s10 =	simm.s32 $0xCA00;
	[smem:$0x7D6] =	sst s9  }
0x25: {  	[smem:$0x7D7] =	sst s10;
	s11 =	simm.s32 $0xB80  }
0x26: {  	s14 =	simm.s32 $0xDA00;
	[smem:$0x7D8] =	sst s11  }
0x27: {  	s15 =	simm.s32 $0xC80;
	[smem:$0x7DB] =	sst s14  }
0x28: {  	s16 =	simm.s32 $0xE200;
	[smem:$0x7DC] =	sst s15  }
0x29: {  	s17 =	simm.s32 $0xD00;
	[smem:$0x7DD] =	sst s16  }
0x2a: {  	s18 =	simm.s32 $0xD80;
	[smem:$0x7DE] =	sst s17  }
0x2b: {  	s19 =	simm.s32 $0xF200;
	[smem:$0x7DF] =	sst s18  }
0x2c: {  	s20 =	simm.s32 $0xE00;
	[smem:$0x7E0] =	sst s19  }
0x2d: {  	s21 =	simm.s32 $0xFA00;
	[smem:$0x7E1] =	sst s20  }
0x2e: {  	s22 =	simm.s32 $0xE80;
	[smem:$0x7E2] =	sst s21  }
0x2f: {  	s23 =	simm.s32 $0x10200;
	[smem:$0x7E3] =	sst s22  }
0x30: {  	s24 =	simm.s32 $0xF00;
	[smem:$0x7E4] =	sst s23  }
0x31: {  	s25 =	simm.s32 $0x10A00;
	[smem:$0x7E5] =	sst s24  }
0x32: {  	s26 =	simm.s32 $0xF80;
	[smem:$0x7E6] =	sst s25  }
0x33: {  	s0 =	simm.s32 $0x11200;
	[smem:$0x7E7] =	sst s26  }
0x34: {  	s28 =	simm.s32 $0x1B200;
	s8 =	simm.s32 $0x12200;
	[smem:$0x7E8] =	sst s0  }
0x35: {  	s29 =	simm.s32 $0x1;
	s9 =	simm.s32 $0x1100;
	[smem:$0x7EC] =	sst s8  }
0x36: {  	s30 =	simm.s32 $0x2;
	s10 =	simm.s32 $0x12A00;
	[smem:$0x7ED] =	sst s9  }
0x37: {  	s31 =	simm.s32 $0x3;
	[smem:$0x7EE] =	sst s10;
	s11 =	simm.s32 $0x1180  }
0x38: {  	s7 =	sadd.s32 $0x570A00, s3;
	s14 =	simm.s32 $0x13A00;
	[smem:$0x7EF] =	sst s11  }
0x39: {  	s4 =	ssub.s32 $0x2, s4;
	s15 =	simm.s32 $0x1280;
	[smem:$0x7F2] =	sst s14  }
0x3a: {  	s5 =	smul.u32 $0x340, s1;
	s16 =	simm.s32 $0x14200;
	[smem:$0x7F3] =	sst s15  }
0x3b: {  	s6 =	smul.u32 $0x1A000, s1;
	s17 =	simm.s32 $0x1300;
	[smem:$0x7F4] =	sst s16  }
0x3c: {  	s1 =	smul.u32 $0x3400, s1;
	s18 =	simm.s32 $0x14A00;
	[smem:$0x7F5] =	sst s17  }
0x3d: {  	s19 =	sshrl.u32 s4, $0x1;
	s20 =	simm.s32 $0x1380;
	[smem:$0x7F6] =	sst s18  }
0x3e: {  	s21 =	simm.s32 $0x15200;
	s22 =	simm.s32 $0x1400;
	[smem:$0x7F7] =	sst s20  }
0x3f: {  	s23 =	simm.s32 $0x15A00;
	s24 =	simm.s32 $0x1480;
	[smem:$0x7F8] =	sst s21  }
0x40: {  	s25 =	simm.s32 $0x16200;
	s8 =	simm.s32 $0xEA00;
	[smem:$0x7F9] =	sst s22  }
0x41: {  	s26 =	simm.s32 $0x1500;
	s5 =	sadd.s32 s5, s3;
	[smem:$0x7FA] =	sst s23  }
0x42: {  	s6 =	sshrl.u32 s6, $0x3;
	s1 =	sadd.s32 s7, s1;
	[smem:$0x7FB] =	sst s24  }
0x43: {  	s3 =	sadd.s32 $0x2F3A00, s3;
	s4 =	ssub.s32 s4, s19;
	[smem:$0x7FC] =	sst s25  }
0x44: {  	[smem:$0x7FD] =	sst s26;
	s14 =	simm.s32 $0x1680;
	s15 =	simm.s32 $0x18200  }
0x45: {  	s16 =	simm.s32 $0x1700;
	s5 =	sadd.s32 $0x2ED200, s5;
	[dreg:$0x3] =	wrdreg s1  }
0x46: {  	s12 =	sadd.s32 s7, s6;
	s6 =	simm.s32 $0x480;
	[dreg:$0x2] =	wrdreg s5  }
0x47: {  	s17 =	simm.s32 $0x18A00;
	s7 =	simm.s32 $0x6200;
	[dreg:$0x14] =	wrdreg s6  }
0x48: {  	s18 =	simm.s32 $0x1780;
	s13 =	sadd.s32 $0x1A00, s12;
	[dreg:$0x15] =	wrdreg s7  }
0x49: {  	s19 =	simm.s32 $0x19200;
	s5 =	simm.s32 $0x5A00;
	[dreg:$0x4] =	wrdreg s13  }
0x4a: {  	s20 =	simm.s32 $0x1800;
	s12 =	simm.s32 $0x600;
	[dreg:$0x13] =	wrdreg s5  }
0x4b: {  	s21 =	simm.s32 $0x19A00;
	s6 =	simm.s32 $0xBA00;
	[dreg:$0x1a] =	wrdreg s12  }
0x4c: {  	s22 =	simm.s32 $0x1880;
	s7 =	simm.s32 $0xA80;
	[smem:$0x7D3] =	sst s6  }
0x4d: {  	s23 =	simm.s32 $0x1A200;
	s13 =	simm.s32 $0x7A00;
	[smem:$0x7D4] =	sst s7  }
0x4e: {  	s24 =	simm.s32 $0x1900;
	s5 =	simm.s32 $0xA00;
	[dreg:$0x1b] =	wrdreg s13  }
0x4f: {  	s25 =	simm.s32 $0x1AA00;
	s12 =	simm.s32 $0xD200;
	[smem:$0x7D2] =	sst s5  }
0x50: {  	s26 =	simm.s32 $0x1980;
	s6 =	simm.s32 $0x11A00;
	[smem:$0x7D9] =	sst s12  }
0x51: {  	s4 =	smax.u32 s4, $0x1;
	s7 =	simm.s32 $0x1080;
	[smem:$0x7EA] =	sst s6  }
0x52: {  	s1 =	simm.s32 $0x4;
	s13 =	simm.s32 $0xC00;
	[smem:$0x7EB] =	sst s7  }
0x53: {  	s5 =	simm.s32 $0x1000;
	s12 =	simm.s32 $0x13200;
	[smem:$0x7DA] =	sst s13  }
0x54: {  	s6 =	simm.s32 $0x80;
	s7 =	simm.s32 $0x1A00;
	[smem:$0x7E9] =	sst s5  }
0x55: {  	[smem:$0x7F0] =	sst s12;
	s13 =	simm.s32 $0x1200;
	s5 =	simm.s32 $0x5  }
0x56: {  	s12 =	simm.s32 $0x1600;
	[smem:$0x7F1] =	sst s13;
	s13 =	simm.s32 $0x17A00  }
.LBB2_1:
0x57: {  	s0 =	rddreg [dreg:$0x2]  }
0x58: {  	[tilespmem:s2], [sflag:$0x5] =	stream.linear.gather [hbm4b:s0+s2], $0x1A00, $0x38;
	[tilespmem:$0x1BA00] =	vst v63  }
0x59: {  	_ =	swait.ge [sflag:s5], $0x1A00  }
0x5a: {  	s11 =	rddreg [dreg:$0x5]  }
0x5b: {  	[sflag:s5] =	ssyncset.done $0x0;
	s0 =	rddreg [dreg:$0x6]  }
0x5c: {  	s9 =	rddreg [dreg:$0x7];
	[sflag:s5] =	ssyncadd.s32 $0xFFFFE600  }
0x5d: {  	[tilespmem:s7], [sflag:$0x1] =	stream.indirect.gather [hbm4b:s3+s6], $0x10, s2, s6, $0xb8;
	[tilespmem:$0x1BA00] =	vst v63  }
0x5e: {  	s10 =	rddreg [dreg:$0x8]  }
0x5f: {  	[tilespmem:s11], [sflag:$0x1] =	stream.indirect.gather [hbm4b:s3+s6], $0x10, s6, s6, $0xb8;
	[tilespmem:$0x1BA00] =	vst v63  }
0x60: {  	s11 =	rddreg [dreg:$0x9]  }
0x61: {  	[tilespmem:s9], [sflag:$0x1] =	stream.indirect.gather [hbm4b:s3+s6], $0x10, s0, s6, $0xb8;
	[tilespmem:$0x1BA00] =	vst v63  }
0x62: {  	s0 =	rddreg [dreg:$0xa]  }
0x63: {  	s9 =	rddreg [dreg:$0xb]  }
0x64: {  	[tilespmem:s11], [sflag:$0x1] =	stream.indirect.gather [hbm4b:s3+s6], $0x10, s10, s6, $0xb8;
	[tilespmem:$0x1BA00] =	vst v63  }
0x65: {  	s10 =	rddreg [dreg:$0xc]  }
0x66: {  	s11 =	rddreg [dreg:$0xd]  }
0x67: {  	[tilespmem:s9], [sflag:$0x1] =	stream.indirect.gather [hbm4b:s3+s6], $0x10, s0, s6, $0xb8;
	[tilespmem:$0x1BA00] =	vst v63  }
0x68: {  	s0 =	rddreg [dreg:$0xe]  }
0x69: {  	s9 =	rddreg [dreg:$0xf]  }
0x6a: {  	[tilespmem:s11], [sflag:$0x1] =	stream.indirect.gather [hbm4b:s3+s6], $0x10, s10, s6, $0xb8;
	[tilespmem:$0x1BA00] =	vst v63  }
0x6b: {  	s10 =	rddreg [dreg:$0x10]  }
0x6c: {  	s11 =	rddreg [dreg:$0x11]  }
0x6d: {  	[tilespmem:s9], [sflag:$0x1] =	stream.indirect.gather [hbm4b:s3+s6], $0x10, s0, s6, $0xb8;
	[tilespmem:$0x1BA00] =	vst v63  }
0x6e: {  	s0 =	rddreg [dreg:$0x12]  }
0x6f: {  	s9 =	rddreg [dreg:$0x13]  }
0x70: {  	[tilespmem:s11], [sflag:$0x1] =	stream.indirect.gather [hbm4b:s3+s6], $0x10, s10, s6, $0xb8;
	[tilespmem:$0x1BA00] =	vst v63  }
0x71: {  	s10 =	rddreg [dreg:$0x14]  }
0x72: {  	s11 =	rddreg [dreg:$0x15]  }
0x73: {  	[tilespmem:s9], [sflag:$0x1] =	stream.indirect.gather [hbm4b:s3+s6], $0x10, s0, s6, $0xb8;
	[tilespmem:$0x1BA00] =	vst v63  }
0x74: {  	s0 =	rddreg [dreg:$0x16]  }
0x75: {  	s9 =	rddreg [dreg:$0x17]  }
0x76: {  	[tilespmem:s11], [sflag:$0x1] =	stream.indirect.gather [hbm4b:s3+s6], $0x10, s10, s6, $0xb8;
	[tilespmem:$0x1BA00] =	vst v63  }
0x77: {  	s10 =	rddreg [dreg:$0x18]  }
0x78: {  	s11 =	rddreg [dreg:$0x19]  }
0x79: {  	[tilespmem:s9], [sflag:$0x1] =	stream.indirect.gather [hbm4b:s3+s6], $0x10, s0, s6, $0xb8;
	[tilespmem:$0x1BA00] =	vst v63  }
0x7a: {  	s0 =	rddreg [dreg:$0x1a]  }
0x7b: {  	s9 =	rddreg [dreg:$0x1b]  }
0x7c: {  	[tilespmem:s11], [sflag:$0x1] =	stream.indirect.gather [hbm4b:s3+s6], $0x10, s10, s6, $0xb8;
	[tilespmem:$0x1BA00] =	vst v63  }
0x7d: {  	s10 =	rddreg [dreg:$0x1c]  }
0x7e: {  	s11 =	rddreg [dreg:$0x1d]  }
0x7f: {  	[tilespmem:s9], [sflag:$0x1] =	stream.indirect.gather [hbm4b:s3+s6], $0x10, s0, s6, $0xb8;
	[tilespmem:$0x1BA00] =	vst v63  }
0x80: {  	s0 =	rddreg [dreg:$0x1e]  }
0x81: {  	s9 =	rddreg [dreg:$0x1f]  }
0x82: {  	[tilespmem:s11], [sflag:$0x1] =	stream.indirect.gather [hbm4b:s3+s6], $0x10, s10, s6, $0xb8;
	[tilespmem:$0x1BA00] =	vst v63  }
0x83: {  	s10 =	sld [smem:$0x7C8]  }
0x84: {  	s11 =	sld [smem:$0x7C9]  }
0x85: {  	[tilespmem:s9], [sflag:$0x1] =	stream.indirect.gather [hbm4b:s3+s6], $0x10, s0, s6, $0xb8;
	[tilespmem:$0x1BA00] =	vst v63  }
0x86: {  	s0 =	sld [smem:$0x7CA]  }
0x87: {  	s9 =	sld [smem:$0x7CB]  }
0x88: {  	[tilespmem:s11], [sflag:$0x1] =	stream.indirect.gather [hbm4b:s3+s6], $0x10, s10, s6, $0xb8;
	[tilespmem:$0x1BA00] =	vst v63  }
0x89: {  	s10 =	sld [smem:$0x7CC]  }
0x8a: {  	s11 =	sld [smem:$0x7CD]  }
0x8b: {  	[tilespmem:s9], [sflag:$0x1] =	stream.indirect.gather [hbm4b:s3+s6], $0x10, s0, s6, $0xb8;
	[tilespmem:$0x1BA00] =	vst v63  }
0x8c: {  	s0 =	sld [smem:$0x7CE]  }
0x8d: {  	s9 =	sld [smem:$0x7CF]  }
0x8e: {  	[tilespmem:s11], [sflag:$0x1] =	stream.indirect.gather [hbm4b:s3+s6], $0x10, s10, s6, $0xb8;
	[tilespmem:$0x1BA00] =	vst v63  }
0x8f: {  	s10 =	sld [smem:$0x7D0]  }
0x90: {  	s11 =	sld [smem:$0x7D1]  }
0x91: {  	[tilespmem:s9], [sflag:$0x1] =	stream.indirect.gather [hbm4b:s3+s6], $0x10, s0, s6, $0xb8;
	[tilespmem:$0x1BA00] =	vst v63  }
0x92: {  	s0 =	sld [smem:$0x7D2]  }
0x93: {  	s9 =	sld [smem:$0x7D3]  }
0x94: {  	[tilespmem:s11], [sflag:$0x1] =	stream.indirect.gather [hbm4b:s3+s6], $0x10, s10, s6, $0xb8;
	[tilespmem:$0x1BA00] =	vst v63  }
0x95: {  	s10 =	sld [smem:$0x7D4]  }
0x96: {  	s11 =	sld [smem:$0x7D5]  }
0x97: {  	[tilespmem:s9], [sflag:$0x1] =	stream.indirect.gather [hbm4b:s3+s6], $0x10, s0, s6, $0xb8;
	[tilespmem:$0x1BA00] =	vst v63  }
0x98: {  	s0 =	sld [smem:$0x7D6]  }
0x99: {  	s9 =	sld [smem:$0x7D7]  }
0x9a: {  	[tilespmem:s11], [sflag:$0x1] =	stream.indirect.gather [hbm4b:s3+s6], $0x10, s10, s6, $0xb8;
	[tilespmem:$0x1BA00] =	vst v63  }
0x9b: {  	s10 =	sld [smem:$0x7D8]  }
0x9c: {  	s11 =	sld [smem:$0x7D9]  }
0x9d: {  	[tilespmem:s9], [sflag:$0x1] =	stream.indirect.gather [hbm4b:s3+s6], $0x10, s0, s6, $0xb8;
	[tilespmem:$0x1BA00] =	vst v63  }
0x9e: {  	s0 =	sld [smem:$0x7DA]  }
0x9f: {  	s9 =	sld [smem:$0x7DB]  }
0xa0: {  	[tilespmem:s11], [sflag:$0x1] =	stream.indirect.gather [hbm4b:s3+s6], $0x10, s10, s6, $0xb8;
	[tilespmem:$0x1BA00] =	vst v63  }
0xa1: {  	s10 =	sld [smem:$0x7DC]  }
0xa2: {  	s11 =	sld [smem:$0x7DD]  }
0xa3: {  	[tilespmem:s9], [sflag:$0x1] =	stream.indirect.gather [hbm4b:s3+s6], $0x10, s0, s6, $0xb8;
	[tilespmem:$0x1BA00] =	vst v63  }
0xa4: {  	s9 =	sld [smem:$0x7DE]  }
0xa5: {  	s0 =	sld [smem:$0x7E1]  }
0xa6: {  	[tilespmem:s11], [sflag:$0x1] =	stream.indirect.gather [hbm4b:s3+s6], $0x10, s10, s6, $0xb8;
	[tilespmem:$0x1BA00] =	vst v63  }
0xa7: {  	s10 =	sld [smem:$0x7DF]  }
0xa8: {  	s11 =	sld [smem:$0x7E0]  }
0xa9: {  	[tilespmem:s8], [sflag:$0x2] =	stream.indirect.gather [hbm4b:s3+s6], $0x10, s9, s6, $0xb8;
	[tilespmem:$0x1BA00] =	vst v63  }
0xaa: {  	s9 =	sld [smem:$0x7E2]  }
0xab: {  	[tilespmem:s11], [sflag:$0x2] =	stream.indirect.gather [hbm4b:s3+s6], $0x10, s10, s6, $0xb8;
	[tilespmem:$0x1BA00] =	vst v63  }
0xac: {  	s10 =	sld [smem:$0x7E3]  }
0xad: {  	s11 =	sld [smem:$0x7E4]  }
0xae: {  	[tilespmem:s9], [sflag:$0x2] =	stream.indirect.gather [hbm4b:s3+s6], $0x10, s0, s6, $0xb8;
	[tilespmem:$0x1BA00] =	vst v63  }
0xaf: {  	s0 =	sld [smem:$0x7E5]  }
0xb0: {  	s9 =	sld [smem:$0x7E6]  }
0xb1: {  	[tilespmem:s11], [sflag:$0x2] =	stream.indirect.gather [hbm4b:s3+s6], $0x10, s10, s6, $0xb8;
	[tilespmem:$0x1BA00] =	vst v63  }
0xb2: {  	s10 =	sld [smem:$0x7E7]  }
0xb3: {  	s11 =	sld [smem:$0x7E8]  }
0xb4: {  	[tilespmem:s9], [sflag:$0x2] =	stream.indirect.gather [hbm4b:s3+s6], $0x10, s0, s6, $0xb8;
	[tilespmem:$0x1BA00] =	vst v63  }
0xb5: {  	s0 =	sld [smem:$0x7E9]  }
0xb6: {  	s9 =	sld [smem:$0x7EA]  }
0xb7: {  	[tilespmem:s11], [sflag:$0x2] =	stream.indirect.gather [hbm4b:s3+s6], $0x10, s10, s6, $0xb8;
	[tilespmem:$0x1BA00] =	vst v63  }
0xb8: {  	s10 =	sld [smem:$0x7EB]  }
0xb9: {  	s11 =	sld [smem:$0x7EC]  }
0xba: {  	[tilespmem:s9], [sflag:$0x2] =	stream.indirect.gather [hbm4b:s3+s6], $0x10, s0, s6, $0xb8;
	[tilespmem:$0x1BA00] =	vst v63  }
0xbb: {  	s0 =	sld [smem:$0x7ED]  }
0xbc: {  	s9 =	sld [smem:$0x7EE]  }
0xbd: {  	[tilespmem:s11], [sflag:$0x2] =	stream.indirect.gather [hbm4b:s3+s6], $0x10, s10, s6, $0xb8;
	[tilespmem:$0x1BA00] =	vst v63  }
0xbe: {  	s10 =	sld [smem:$0x7EF]  }
0xbf: {  	s11 =	sld [smem:$0x7F0]  }
0xc0: {  	[tilespmem:s9], [sflag:$0x2] =	stream.indirect.gather [hbm4b:s3+s6], $0x10, s0, s6, $0xb8;
	[tilespmem:$0x1BA00] =	vst v63  }
0xc1: {  	s0 =	sld [smem:$0x7F1]  }
0xc2: {  	s9 =	sld [smem:$0x7F2]  }
0xc3: {  	[tilespmem:s11], [sflag:$0x2] =	stream.indirect.gather [hbm4b:s3+s6], $0x10, s10, s6, $0xb8;
	[tilespmem:$0x1BA00] =	vst v63  }
0xc4: {  	s10 =	sld [smem:$0x7F3]  }
0xc5: {  	s11 =	sld [smem:$0x7F4]  }
0xc6: {  	[tilespmem:s9], [sflag:$0x2] =	stream.indirect.gather [hbm4b:s3+s6], $0x10, s0, s6, $0xb8;
	[tilespmem:$0x1BA00] =	vst v63  }
0xc7: {  	s0 =	sld [smem:$0x7F5]  }
0xc8: {  	s9 =	sld [smem:$0x7F6]  }
0xc9: {  	[tilespmem:s11], [sflag:$0x2] =	stream.indirect.gather [hbm4b:s3+s6], $0x10, s10, s6, $0xb8;
	[tilespmem:$0x1BA00] =	vst v63  }
0xca: {  	s10 =	sld [smem:$0x7F7]  }
0xcb: {  	s11 =	sld [smem:$0x7F8]  }
0xcc: {  	[tilespmem:s9], [sflag:$0x2] =	stream.indirect.gather [hbm4b:s3+s6], $0x10, s0, s6, $0xb8;
	[tilespmem:$0x1BA00] =	vst v63  }
0xcd: {  	s0 =	sld [smem:$0x7F9]  }
0xce: {  	s9 =	sld [smem:$0x7FA]  }
0xcf: {  	[tilespmem:s11], [sflag:$0x2] =	stream.indirect.gather [hbm4b:s3+s6], $0x10, s10, s6, $0xb8;
	[tilespmem:$0x1BA00] =	vst v63  }
0xd0: {  	s10 =	sld [smem:$0x7FB]  }
0xd1: {  	s11 =	sld [smem:$0x7FC]  }
0xd2: {  	[tilespmem:s9], [sflag:$0x2] =	stream.indirect.gather [hbm4b:s3+s6], $0x10, s0, s6, $0xb8;
	[tilespmem:$0x1BA00] =	vst v63  }
0xd3: {  	s9 =	sld [smem:$0x7FD]  }
0xd4: {  	[tilespmem:s11], [sflag:$0x2] =	stream.indirect.gather [hbm4b:s3+s6], $0x10, s10, s6, $0xb8;
	[tilespmem:$0x1BA00] =	vst v63  }
0xd5: {  	s11 =	simm.s32 $0x16A00  }
0xd6: {  	[tilespmem:s11], [sflag:$0x2] =	stream.indirect.gather [hbm4b:s3+s6], $0x10, s9, s6, $0xb8;
	[tilespmem:$0x1BA00] =	vst v63  }
0xd7: {  	s10 =	simm.s32 $0x1580;
	s11 =	simm.s32 $0x17200  }
0xd8: {  	[tilespmem:s11], [sflag:$0x2] =	stream.indirect.gather [hbm4b:s3+s6], $0x10, s10, s6, $0xb8;
	[tilespmem:$0x1BA00] =	vst v63  }
0xd9: {  	_ = 	snop  }
0xda: {  	[tilespmem:s13], [sflag:$0x2] =	stream.indirect.gather [hbm4b:s3+s6], $0x10, s12, s6, $0xb8;
	[tilespmem:$0x1BA00] =	vst v63  }
0xdb: {  	_ = 	snop  }
0xdc: {  	[tilespmem:s15], [sflag:$0x2] =	stream.indirect.gather [hbm4b:s3+s6], $0x10, s14, s6, $0xb8;
	[tilespmem:$0x1BA00] =	vst v63  }
0xdd: {  	_ = 	snop  }
0xde: {  	[tilespmem:s17], [sflag:$0x2] =	stream.indirect.gather [hbm4b:s3+s6], $0x10, s16, s6, $0xb8;
	[tilespmem:$0x1BA00] =	vst v63  }
0xdf: {  	_ = 	snop  }
0xe0: {  	[tilespmem:s19], [sflag:$0x2] =	stream.indirect.gather [hbm4b:s3+s6], $0x10, s18, s6, $0xb8;
	[tilespmem:$0x1BA00] =	vst v63  }
0xe1: {  	_ = 	snop  }
0xe2: {  	[tilespmem:s21], [sflag:$0x2] =	stream.indirect.gather [hbm4b:s3+s6], $0x10, s20, s6, $0xb8;
	[tilespmem:$0x1BA00] =	vst v63  }
0xe3: {  	_ = 	snop  }
0xe4: {  	[tilespmem:s23], [sflag:$0x2] =	stream.indirect.gather [hbm4b:s3+s6], $0x10, s22, s6, $0xb8;
	[tilespmem:$0x1BA00] =	vst v63  }
0xe5: {  	_ = 	snop  }
0xe6: {  	[tilespmem:s25], [sflag:$0x2] =	stream.indirect.gather [hbm4b:s3+s6], $0x10, s24, s6, $0xb8;
	[tilespmem:$0x1BA00] =	vst v63  }
0xe7: {  	_ = 	snop  }
0xe8: {  	[tilespmem:s28], [sflag:$0x2] =	stream.indirect.gather [hbm4b:s3+s6], $0x10, s26, s6, $0xb8;
	[tilespmem:$0x1BA00] =	vst v63  }
0xe9: {  	_ =	swait.ge [sflag:s29], $0xD000  }
0xea: {  	[sflag:s29] =	ssyncset.done $0x0  }
0xeb: {  	s10 =	rddreg [dreg:$0x3];
	[sflag:s29] =	ssyncadd.s32 $0xFFFF3000  }
0xec: {  	[hbm4b:s10+s2] =	stream.linear.scatter [tilespmem:s7], [sflag:$0x3], $0xD000, $0x38;
	[tilespmem:$0x1BA00] =	vst v63  }
0xed: {  	_ =	swait.ge [sflag:s30], $0xD000  }
0xee: {  	[sflag:s30] =	ssyncset.done $0x0  }
0xef: {  	s11 =	rddreg [dreg:$0x4];
	[sflag:s30] =	ssyncadd.s32 $0xFFFF3000  }
0xf0: {  	[hbm4b:s11+s2] =	stream.linear.scatter [tilespmem:s8], [sflag:$0x4], $0xD000, $0x38;
	[tilespmem:$0x1BA00] =	vst v63  }
0xf1: {  	p0 =	sne.s32 s4, $0x1;
	_ =	swait.ge [sflag:s31], $0xD000  }
.Ltmp0:
0xf2: {  	[sflag:s31] =	ssyncset.done $0x0;
	(pc) =	sbr.rel @p0 .LBB2_1-.Ltmp0, $4  }
0xf3: {  	[sflag:s31] =	ssyncadd.s32 $0xFFFF3000  }
0xf4: {  	_ =	swait.ge [sflag:s1], $0xD000  }
0xf5: {  	[sflag:s1] =	ssyncset.done $0x0  }
0xf6: {  	s4 =	sadd.s32 $0xFFFFFFFF, s4;
	[sflag:s1] =	ssyncadd.s32 $0xFFFF3000  }
0xf7: {  	_ =	sfence.sel $0x180000  }
0xf8: {  	[bflag:$0x0] =	sbarrier.arrive $0xFFFF  }
0xf9: {  	_ =	strace $0x9000004A  }
0xfa: {  	s0 =	stileid.u32;
	[bflag:$0x2] =	sbarrier.arrive $0xFFFF  }
0xfb: {  	p0 =	sne.s32 s0, $0x0;
	s0 =	rddreg [dreg:$0x1]  }
0xfc: {  	s0 =	sadd.s32 @!p0 $0x100000, s0  }
0xfd: {  	[sflag:s0] =	ssyncadd.tile.s32 @!p0 $0x1;
	_ =	shalt  }
.Lfunc_end2:
_tile_overlayer_lowered:
.L_overlay_start_2:
0xfe: {  	(tag) =	ssettag $0x2  }
0xff: {  	s0 =	rddreg [dreg:$0x0];
	s2 =	stileid.u32  }
0x100: {  	s1 =	rddreg [dreg:$0x1];
	p0 =	sne.s32 s2, $0x0  }
0x101: {  	s3 =	rddreg [dreg:$0x2];
	[bflag:$0x3] =	sbarrier.arrive $0xFFFF;
	s2 =	simm.s32 @!p0 $0x1C05  }
0x102: {  	[timem:s3], [sflag:s2] =	dma.local @!p0 [hbm:s0], s1  }
0x103: {  	s0 =	simm.s32 @!p0 $0x5  }
0x104: {  	_ =	swait.ge @!p0 [sflag:s0], s1  }
0x105: {  	s1 =	ssub.s32 @!p0 $0x0, s1;
	[sflag:s0] =	ssyncset.done @!p0 $0x0  }
0x106: {  	[sflag:s0] =	ssyncadd.s32 @!p0 s1  }
0x107: {  	[bflag:$0x3] =	sbarrier.arrive $0xFFFF  }
0x108: {  	_ =	shalt  }

// kernel: kernel.7.cloned.1.call-start
scs
__scs_entry_jumppad:
0x0: {  	(pc) =	sbr.rel $0x88, $3  }
0x1: {  	(tag) =	ssettag $0x0;
	lr =	simm.s32 $0x1  }
0x2: {  	[smem:$0x3F97] =	sst lr;
	_ =	strace $0xD0000000  }
0x3: {  	_ = 	snop  }
0x4: {  	_ = 	snop  }
0x5: {  	_ = 	snop  }
0x6: {  	_ = 	snop  }
0x7: {  	_ = 	snop  }
__scs_overlays_trampoline_lowered:
0x8: {  	[smem:$0x3FA6] =	sst s0  }
0x9: {  	[smem:$0x3FA7] =	sst s1  }
0xa: {  	[smem:$0x3FA8] =	sst s2  }
0xb: {  	[smem:$0x3FA9] =	sst s3  }
0xc: {  	[smem:$0x3FAA] =	sst s4  }
0xd: {  	[smem:$0x3FAB] =	sst s5  }
0xe: {  	[smem:$0x3FAC] =	sst s6  }
0xf: {  	[smem:$0x3FAD] =	sst s7  }
0x10: {  	[smem:$0x3FAE] =	sst s8  }
0x11: {  	[smem:$0x3FAF] =	sst s9;
	s0 =	simm.s32 @!p0 $0x0  }
0x12: {  	s1 =	sld [smem:$0x3F95];
	s0 =	simm.s32 @p0 $0x1  }
0x13: {  	[smem:$0x3FB0] =	sst s0;
	s0 =	simm.s32 @!p1 $0x0  }
0x14: {  	s2 =	sld [smem:$0x3F94];
	s0 =	simm.s32 @p1 $0x1  }
0x15: {  	[smem:$0x3FB1] =	sst s0;
	s0 =	simm.s32 @!p2 $0x0  }
0x16: {  	s3 =	sld [smem:$0x3FDB];
	s0 =	simm.s32 @p2 $0x1  }
0x17: {  	s4 =	simm.s32 $0x1BF5;
	[smem:$0x3FB3] =	sst s0  }
0x18: {  	s0 =	sld [smem:$0x3F96];
	_ =	swait.ge [sflag:s4], $0x0  }
0x19: {  	s7 =	sld [smem:$0x3F97]  }
0x1a: {  	s8 =	sadd.s32 $0xFFFFE003, lr  }
0x1b: {  	s9 =	sadd.s32 $0xFFFFFEF7, lr;
	s5 =	simm.s32 $0xFFFFFFFF;
	p2 =	slt.u32 s8, $0xFFFFF086  }
0x1c: {  	p1 =	slt.u32 s9, $0xF7A;
	s5 =	simm.s32 @!p2 $0x0  }
0x1d: {  	s5 =	simm.s32 @p1 $0x1;
	p0 =	seq.s32 s7, s2  }
0x1e: {  	s7 =	smul.u32 @!p0 $0xF7A, s2;
	p2 =	seq.s32 @!p0 s5, $0x0  }
0x1f: {  	s9 =	smul.u32 $0xF7A, s1;
	s8 =	simm.s32 @!p0 $0x1BF5;
	p2 =	por !p2, p0  }
0x20: {  	[sflag:s8] =	ssyncset.s32 @!p0 $0xFFFFF086;
	s6 =	sadd.s32 @!p0 s3, s7;
	s7 =	simm.s32 @!p0 $0x108  }
0x21: {  	s3 =	sadd.s32 s3, s9;
	s6 =	sadd.s32 @!p0 $0x88, s6;
	s7 =	simm.s32 @p2 $0x1082  }
0x22: {  	[simem:s7], [sflag:s8] =	dma.local @!p0 [hbm:s6], $0xF7A  }
0x23: {  	s9 =	sor.u32 $0xD0000000, s2;
	s6 =	simm.s32 $0x108;
	_ =	swait.ge @!p0 [sflag:s8], $0x0  }
0x24: {  	s3 =	sadd.s32 $0x88, s3;
	s6 =	simm.s32 @!p1 $0x1082;
	[sflag:s4] =	ssyncset.s32 $0xFFFFF086  }
0x25: {  	[simem:s6], [sflag:s4] =	dma.local [hbm:s3], $0xF7A  }
0x26: {  	[smem:$0x3F97] =	sst s1;
	(tag) =	ssettag s2;
	_ =	strace s9  }
0x27: {  	s1 =	sld [smem:$0x3FA7]  }
0x28: {  	s2 =	sld [smem:$0x3FA8]  }
0x29: {  	s4 =	sld [smem:$0x3FAA]  }
0x2a: {  	p0 =	seq.s32 s5, $0x0;
	s5 =	sld [smem:$0x3FAB]  }
0x2b: {  	s6 =	sld [smem:$0x3FAC]  }
0x2c: {  	s7 =	sld [smem:$0x3FAD]  }
0x2d: {  	s3 =	simm.s32 $0x108;
	s8 =	sld [smem:$0x3FAE]  }
0x2e: {  	s3 =	simm.s32 @!p0 $0x1082;
	s9 =	sld [smem:$0x3FAF]  }
0x2f: {  	lr =	sadd.s32 s0, s3;
	s0 =	sld [smem:$0x3FA6]  }
0x30: {  	s3 =	sld [smem:$0x3FA9]  }
0x31: {  	[smem:$0x3FB2] =	sst s10  }
0x32: {  	s10 =	sld [smem:$0x3FB0];
	_ =	sdelay $0x3  }
0x33: {  	p0 =	seq.s32 s10, $0x1;
	s10 =	sld [smem:$0x3FB2];
	_ =	sdelay $0x3  }
0x34: {  	[smem:$0x3FB2] =	sst s10  }
0x35: {  	s10 =	sld [smem:$0x3FB1];
	_ =	sdelay $0x3  }
0x36: {  	p1 =	seq.s32 s10, $0x1;
	s10 =	sld [smem:$0x3FB2];
	_ =	sdelay $0x3  }
0x37: {  	[smem:$0x3FB2] =	sst s10  }
0x38: {  	s10 =	sld [smem:$0x3FB3]  }
0x39: {  	_ = 	snop;
	(pc) =	sbr.ind lr, $3  }
0x3a: {  	_ = 	snop  }
0x3b: {  	_ = 	snop  }
0x3c: {  	p2 =	seq.s32 s10, $0x1;
	s10 =	sld [smem:$0x3FB2]  }
0x3d: {  	_ =	shalt  }
0x3e: {  	_ =	shalt  }
0x3f: {  	_ =	shalt  }
0x40: {  	_ =	shalt  }
0x41: {  	_ =	shalt  }
0x42: {  	_ =	shalt  }
0x43: {  	_ =	shalt  }
0x44: {  	_ =	shalt  }
0x45: {  	_ =	shalt  }
0x46: {  	_ =	shalt  }
0x47: {  	_ =	shalt  }
0x48: {  	_ =	shalt  }
0x49: {  	_ =	shalt  }
0x4a: {  	_ =	shalt  }
0x4b: {  	_ =	shalt  }
0x4c: {  	_ =	shalt  }
0x4d: {  	_ =	shalt  }
0x4e: {  	_ =	shalt  }
0x4f: {  	_ =	shalt  }
0x50: {  	_ =	shalt  }
0x51: {  	_ =	shalt  }
0x52: {  	_ =	shalt  }
0x53: {  	_ =	shalt  }
0x54: {  	_ =	shalt  }
0x55: {  	_ =	shalt  }
0x56: {  	_ =	shalt  }
0x57: {  	_ =	shalt  }
0x58: {  	_ =	shalt  }
0x59: {  	_ =	shalt  }
0x5a: {  	_ =	shalt  }
0x5b: {  	_ =	shalt  }
0x5c: {  	_ =	shalt  }
0x5d: {  	_ =	shalt  }
0x5e: {  	_ =	shalt  }
0x5f: {  	_ =	shalt  }
0x60: {  	_ =	shalt  }
0x61: {  	_ =	shalt  }
0x62: {  	_ =	shalt  }
0x63: {  	_ =	shalt  }
0x64: {  	_ =	shalt  }
0x65: {  	_ =	shalt  }
0x66: {  	_ =	shalt  }
0x67: {  	_ =	shalt  }
0x68: {  	_ =	shalt  }
0x69: {  	_ =	shalt  }
0x6a: {  	_ =	shalt  }
0x6b: {  	_ =	shalt  }
0x6c: {  	_ =	shalt  }
0x6d: {  	_ =	shalt  }
0x6e: {  	_ =	shalt  }
0x6f: {  	_ =	shalt  }
0x70: {  	_ =	shalt  }
0x71: {  	_ =	shalt  }
0x72: {  	_ =	shalt  }
0x73: {  	_ =	shalt  }
0x74: {  	_ =	shalt  }
0x75: {  	_ =	shalt  }
0x76: {  	_ =	shalt  }
0x77: {  	_ =	shalt  }
0x78: {  	_ =	shalt  }
0x79: {  	_ =	shalt  }
0x7a: {  	_ =	shalt  }
0x7b: {  	_ =	shalt  }
0x7c: {  	_ =	shalt  }
0x7d: {  	_ =	shalt  }
0x7e: {  	_ =	shalt  }
0x7f: {  	_ =	shalt  }
0x80: {  	_ =	shalt  }
0x81: {  	_ =	shalt  }
0x82: {  	_ =	shalt  }
0x83: {  	_ =	shalt  }
0x84: {  	_ =	shalt  }
0x85: {  	_ =	shalt  }
0x86: {  	_ =	shalt  }
0x87: {  	_ =	shalt  }
.Lfunc_end0:
.L_simem_size_0:
called_computation_lowered:
.L_overlay_start_0:
0x88: {  	s2 =	sld [smem:$0x3FD9]  }
0x89: {  	s3 =	sld [smem:$0x3FFE];
	_ =	sdelay $0x1  }
0x8a: {  	s1 =	srdreg.scid  }
0x8b: {  	s0 =	sand.u32 $0x1, s1  }
0x8c: {  	s16 =	sshll.u32 s0, $0xA;
	s2 =	sadd.s32 s3, s2  }
0x8d: {  	s2 =	sadd.s32 s2, s16  }
0x8e: {  	[smem:$0x3FBE] =	sst s2  }
0x8f: {  	_ = 	snop  }
0x90: {  	(tm) =	ssettm $0x1  }
0x91: {  	s17 =	sld [smem:$0x3FFB];
	_ =	sdelay $0x3  }
0x92: {  	_ =	strace s17  }
0x93: {  	s2 =	sld [smem:$0x3FFC];
	_ =	sdelay $0x3  }
0x94: {  	_ =	strace s2  }
0x95: {  	s2 =	sld [smem:$0x3FFD];
	_ =	sdelay $0x3  }
0x96: {  	_ =	strace s2  }
0x97: {  	_ =	strace $0x8FFFFFFF  }
0x98: {  	s18 =	sld [smem:$0x3FDB];
	_ =	sdelay $0x1  }
0x99: {  	s19 =	simm.s32 $_scs_section_size  }
0x9a: {  	s4 =	simm.s32 $_size__tile_overlayer_lowered;
	s5 =	simm.s32 $_tile_overlayer_lowered  }
0x9b: {  	s22 =	simm.s32 $0x1BFF;
	s21 =	sshll.u32 s5, $0x1;
	s2 =	sadd.s32 s19, s18  }
0x9c: {  	s6 =	simm.s32 $0x0;
	s20 =	sshll.u32 s4, $0x1;
	s4 =	sadd.s32 s21, s2  }
0x9d: {  	[timem:s6], [sflag:s22] =	dma.local [hbm:s4], s20  }
0x9e: {  	_ =	swait.ge [sflag:s22], s20  }
0x9f: {  	s3 =	ssub.s32 $0x0, s20;
	[sflag:s22] =	ssyncset.done $0x0  }
0xa0: {  	[sflag:s22] =	ssyncadd.s32 s3;
	_ =	sdelay $0x1  }
0xa1: {  	s23 =	simm.s32 $0x1B8B  }
0xa2: {  	_ =	swait.ge [sflag:s23], $0x1  }
0xa3: {  	[sflag:s23] =	ssyncset.done $0x0  }
0xa4: {  	s25 =	simm.s32 $0x1B8E;
	s24 =	sld [smem:$0x3FFE];
	[sflag:s23] =	ssyncadd.s32 $0xFFFFFFFF  }
0xa5: {  	s26 =	simm.s32 $execute0_lowered;
	[smem:$0x3FD2] =	sst s25  }
0xa6: {  	s4 =	sshll.u32 s26, $0x1;
	_ =	strace $0x80000046;
	[dreg:$0x1] =	wrdreg $0xFFFFFFFF  }
0xa7: {  	s28 =	simm.s32 $_size_execute0_lowered;
	s2 =	sadd.s32 s2, s4;
	[dreg:$0x0] =	wrdreg $0x0  }
0xa8: {  	s4 =	sshll.u32 s28, $0x1;
	[dreg:$0x2] =	wrdreg s2  }
0xa9: {  	[dreg:$0x3] =	wrdreg s4  }
0xaa: {  	[dreg:$0x4] =	wrdreg $0xC0  }
0xab: {  	_ =	task [dreg:s6], $0x5FFFF  }
0xac: {  	[dreg:$0x1] =	wrdreg $0xFFFFFFFF  }
0xad: {  	[dreg:$0x0] =	wrdreg $0x60  }
0xae: {  	[dreg:$0x2] =	wrdreg s24  }
0xaf: {  	[dreg:$0x3] =	wrdreg $0x9  }
0xb0: {  	_ =	task.clear_ibuf [dreg:s6], $0x4FFFF;
	_ =	strace $0x90000046  }
0xb1: {  	s29 =	simm.s32 $0x9;
	_ =	strace $0x80000048  }
0xb2: {  	_ =	swait.ge [sflag:s29], $0x1  }
0xb3: {  	[sflag:s29] =	ssyncadd.s32 $0xFFFFFFFF  }
0xb4: {  	_ =	strace $0x90000048  }
0xb5: {  	_ =	sfence  }
0xb6: {  	s30 =	sld [smem:$0x0];
	_ =	sdelay $0x2  }
0xb7: {  	s31 =	sshll.u32 s1, $0xD;
	s1 =	sshrl.u32 s1, $0x2  }
0xb8: {  	s3 =	sand.u32 $0x4000, s31;
	s1 =	sadd.s32 s1, s30  }
0xb9: {  	s0 =	sor.u32 s3, s0;
	s1 =	sshll.u32 s1, $0x11  }
0xba: {  	s0 =	sor.u32 s1, s0  }
0xbb: {  	s0 =	sadd.s32 $0x8F2B, s0  }
0xbc: {  	[sflag:s0] =	ssyncadd.remote.s32 $0x1  }
0xbd: {  	_ =	sfence.sel $0xFFFF  }
0xbe: {  	[dreg:$0x0] =	wrdreg $0xFFFFFFFF;
	(pc) =	sbr.abs _section_cstart, $3  }
0xbf: {  	[dreg:$0x1] =	wrdreg $0xFFFFFFFF  }
0xc0: {  	_ =	task.clear_ibuf [dreg:s6], $0x2FFFF;
	_ =	strace $0x9FFFFFFF  }
0xc1: {  	(tm) =	ssettm $0x7FFFFFFF  }
tec
execute0_lowered:
.L_overlay_start_1:
0x0: {  	(tag) =	ssettag $0x1  }
0x1: {  	s3 =	rddreg [dreg:$0x0];
	s2 =	simm.s32 $0x0  }
0x2: {  	s14 =	simm.s32 $0x2200;
	[smem:$0x7FF] =	sst s2  }
0x3: {  	s15 =	simm.s32 $0x100;
	_ =	strace $0x80000047;
	[dreg:$0x5] =	wrdreg s14  }
0x4: {  	s16 =	simm.s32 $0x2A00;
	[dreg:$0x6] =	wrdreg s15  }
0x5: {  	s17 =	simm.s32 $0x180;
	[dreg:$0x7] =	wrdreg s16  }
0x6: {  	s18 =	simm.s32 $0x3200;
	[dreg:$0x8] =	wrdreg s17  }
0x7: {  	s19 =	simm.s32 $0x200;
	[dreg:$0x9] =	wrdreg s18  }
0x8: {  	s20 =	simm.s32 $0x3A00;
	[dreg:$0xa] =	wrdreg s19  }
0x9: {  	s21 =	simm.s32 $0x280;
	[dreg:$0xb] =	wrdreg s20  }
0xa: {  	s22 =	simm.s32 $0x4200;
	[dreg:$0xc] =	wrdreg s21  }
0xb: {  	s23 =	simm.s32 $0x300;
	[dreg:$0xd] =	wrdreg s22  }
0xc: {  	s24 =	simm.s32 $0x4A00;
	[dreg:$0xe] =	wrdreg s23  }
0xd: {  	s25 =	simm.s32 $0x380;
	[dreg:$0xf] =	wrdreg s24  }
0xe: {  	s0 =	stileid.u32;
	s26 =	simm.s32 $0x5200;
	[dreg:$0x10] =	wrdreg s25  }
0xf: {  	s11 =	sshll.u32 s0, $0x1;
	s0 =	simm.s32 $0x400;
	[dreg:$0x11] =	wrdreg s26  }
0x10: {  	s8 =	simm.s32 $0x500;
	[dreg:$0x12] =	wrdreg s0  }
0x11: {  	s1 =	srdreg.scid;
	s9 =	simm.s32 $0x6A00;
	[dreg:$0x16] =	wrdreg s8  }
0x12: {  	s10 =	simm.s32 $0x580;
	s4 =	sand.u32 $0x1, s1;
	[dreg:$0x17] =	wrdreg s9  }
0x13: {  	s1 =	sor.u32 s4, s11;
	[dreg:$0x18] =	wrdreg s10;
	s11 =	simm.s32 $0x7200  }
0x14: {  	s14 =	simm.s32 $0x680;
	[dreg:$0x19] =	wrdreg s11  }
0x15: {  	s15 =	simm.s32 $0x8200;
	[dreg:$0x1c] =	wrdreg s14  }
0x16: {  	s16 =	simm.s32 $0x700;
	[dreg:$0x1d] =	wrdreg s15  }
0x17: {  	s17 =	simm.s32 $0x8A00;
	[dreg:$0x1e] =	wrdreg s16  }
0x18: {  	s18 =	simm.s32 $0x780;
	[dreg:$0x1f] =	wrdreg s17  }
0x19: {  	s19 =	simm.s32 $0x9200;
	[smem:$0x7C8] =	sst s18  }
0x1a: {  	s20 =	simm.s32 $0x800;
	[smem:$0x7C9] =	sst s19  }
0x1b: {  	s21 =	simm.s32 $0x9A00;
	[smem:$0x7CA] =	sst s20  }
0x1c: {  	s22 =	simm.s32 $0x880;
	[smem:$0x7CB] =	sst s21  }
0x1d: {  	s23 =	simm.s32 $0xA200;
	[smem:$0x7CC] =	sst s22  }
0x1e: {  	s24 =	simm.s32 $0x900;
	[smem:$0x7CD] =	sst s23  }
0x1f: {  	s25 =	simm.s32 $0xAA00;
	[smem:$0x7CE] =	sst s24  }
0x20: {  	s26 =	simm.s32 $0x980;
	[smem:$0x7CF] =	sst s25  }
0x21: {  	s0 =	simm.s32 $0xB200;
	[smem:$0x7D0] =	sst s26  }
0x22: {  	s8 =	simm.s32 $0xC200;
	[smem:$0x7D1] =	sst s0  }
0x23: {  	s9 =	simm.s32 $0xB00;
	[smem:$0x7D5] =	sst s8  }
0x24: {  	s10 =	simm.s32 $0xCA00;
	[smem:$0x7D6] =	sst s9  }
0x25: {  	[smem:$0x7D7] =	sst s10;
	s11 =	simm.s32 $0xB80  }
0x26: {  	s14 =	simm.s32 $0xDA00;
	[smem:$0x7D8] =	sst s11  }
0x27: {  	s15 =	simm.s32 $0xC80;
	[smem:$0x7DB] =	sst s14  }
0x28: {  	s16 =	simm.s32 $0xE200;
	[smem:$0x7DC] =	sst s15  }
0x29: {  	s17 =	simm.s32 $0xD00;
	[smem:$0x7DD] =	sst s16  }
0x2a: {  	s18 =	simm.s32 $0xD80;
	[smem:$0x7DE] =	sst s17  }
0x2b: {  	s19 =	simm.s32 $0xF200;
	[smem:$0x7DF] =	sst s18  }
0x2c: {  	s20 =	simm.s32 $0xE00;
	[smem:$0x7E0] =	sst s19  }
0x2d: {  	s21 =	simm.s32 $0xFA00;
	[smem:$0x7E1] =	sst s20  }
0x2e: {  	s22 =	simm.s32 $0xE80;
	[smem:$0x7E2] =	sst s21  }
0x2f: {  	s23 =	simm.s32 $0x10200;
	[smem:$0x7E3] =	sst s22  }
0x30: {  	s24 =	simm.s32 $0xF00;
	[smem:$0x7E4] =	sst s23  }
0x31: {  	s25 =	simm.s32 $0x10A00;
	[smem:$0x7E5] =	sst s24  }
0x32: {  	s26 =	simm.s32 $0xF80;
	[smem:$0x7E6] =	sst s25  }
0x33: {  	s0 =	simm.s32 $0x11200;
	[smem:$0x7E7] =	sst s26  }
0x34: {  	s28 =	simm.s32 $0x1B200;
	s8 =	simm.s32 $0x12200;
	[smem:$0x7E8] =	sst s0  }
0x35: {  	s29 =	simm.s32 $0x1;
	s9 =	simm.s32 $0x1100;
	[smem:$0x7EC] =	sst s8  }
0x36: {  	s30 =	simm.s32 $0x2;
	s10 =	simm.s32 $0x12A00;
	[smem:$0x7ED] =	sst s9  }
0x37: {  	s31 =	simm.s32 $0x3;
	[smem:$0x7EE] =	sst s10;
	s11 =	simm.s32 $0x1180  }
0x38: {  	s7 =	sadd.s32 $0x285200, s3;
	s14 =	simm.s32 $0x13A00;
	[smem:$0x7EF] =	sst s11  }
0x39: {  	s4 =	ssub.s32 $0x2, s4;
	s15 =	simm.s32 $0x1280;
	[smem:$0x7F2] =	sst s14  }
0x3a: {  	s5 =	smul.u32 $0x340, s1;
	s16 =	simm.s32 $0x14200;
	[smem:$0x7F3] =	sst s15  }
0x3b: {  	s6 =	smul.u32 $0x1A000, s1;
	s17 =	simm.s32 $0x1300;
	[smem:$0x7F4] =	sst s16  }
0x3c: {  	s1 =	smul.u32 $0x3400, s1;
	s18 =	simm.s32 $0x14A00;
	[smem:$0x7F5] =	sst s17  }
0x3d: {  	s19 =	sshrl.u32 s4, $0x1;
	s20 =	simm.s32 $0x1380;
	[smem:$0x7F6] =	sst s18  }
0x3e: {  	s21 =	simm.s32 $0x15200;
	s22 =	simm.s32 $0x1400;
	[smem:$0x7F7] =	sst s20  }
0x3f: {  	s23 =	simm.s32 $0x15A00;
	s24 =	simm.s32 $0x1480;
	[smem:$0x7F8] =	sst s21  }
0x40: {  	s25 =	simm.s32 $0x16200;
	s8 =	simm.s32 $0xEA00;
	[smem:$0x7F9] =	sst s22  }
0x41: {  	s26 =	simm.s32 $0x1500;
	s5 =	sadd.s32 s5, s3;
	[smem:$0x7FA] =	sst s23  }
0x42: {  	s6 =	sshrl.u32 s6, $0x3;
	s1 =	sadd.s32 s7, s1;
	[smem:$0x7FB] =	sst s24  }
0x43: {  	s3 =	sadd.s32 $0x8200, s3;
	s4 =	ssub.s32 s4, s19;
	[smem:$0x7FC] =	sst s25  }
0x44: {  	[smem:$0x7FD] =	sst s26;
	s14 =	simm.s32 $0x1680;
	s15 =	simm.s32 $0x18200  }
0x45: {  	s16 =	simm.s32 $0x1700;
	s5 =	sadd.s32 $0x1A00, s5;
	[dreg:$0x3] =	wrdreg s1  }
0x46: {  	s12 =	sadd.s32 s7, s6;
	s6 =	simm.s32 $0x480;
	[dreg:$0x2] =	wrdreg s5  }
0x47: {  	s17 =	simm.s32 $0x18A00;
	s7 =	simm.s32 $0x6200;
	[dreg:$0x14] =	wrdreg s6  }
0x48: {  	s18 =	simm.s32 $0x1780;
	s13 =	sadd.s32 $0x1A00, s12;
	[dreg:$0x15] =	wrdreg s7  }
0x49: {  	s19 =	simm.s32 $0x19200;
	s5 =	simm.s32 $0x5A00;
	[dreg:$0x4] =	wrdreg s13  }
0x4a: {  	s20 =	simm.s32 $0x1800;
	s12 =	simm.s32 $0x600;
	[dreg:$0x13] =	wrdreg s5  }
0x4b: {  	s21 =	simm.s32 $0x19A00;
	s6 =	simm.s32 $0xBA00;
	[dreg:$0x1a] =	wrdreg s12  }
0x4c: {  	s22 =	simm.s32 $0x1880;
	s7 =	simm.s32 $0xA80;
	[smem:$0x7D3] =	sst s6  }
0x4d: {  	s23 =	simm.s32 $0x1A200;
	s13 =	simm.s32 $0x7A00;
	[smem:$0x7D4] =	sst s7  }
0x4e: {  	s24 =	simm.s32 $0x1900;
	s5 =	simm.s32 $0xA00;
	[dreg:$0x1b] =	wrdreg s13  }
0x4f: {  	s25 =	simm.s32 $0x1AA00;
	s12 =	simm.s32 $0xD200;
	[smem:$0x7D2] =	sst s5  }
0x50: {  	s26 =	simm.s32 $0x1980;
	s6 =	simm.s32 $0x11A00;
	[smem:$0x7D9] =	sst s12  }
0x51: {  	s4 =	smax.u32 s4, $0x1;
	s7 =	simm.s32 $0x1080;
	[smem:$0x7EA] =	sst s6  }
0x52: {  	s1 =	simm.s32 $0x4;
	s13 =	simm.s32 $0xC00;
	[smem:$0x7EB] =	sst s7  }
0x53: {  	s5 =	simm.s32 $0x1000;
	s12 =	simm.s32 $0x13200;
	[smem:$0x7DA] =	sst s13  }
0x54: {  	s6 =	simm.s32 $0x80;
	s7 =	simm.s32 $0x1A00;
	[smem:$0x7E9] =	sst s5  }
0x55: {  	[smem:$0x7F0] =	sst s12;
	s13 =	simm.s32 $0x1200;
	s5 =	simm.s32 $0x5  }
0x56: {  	s12 =	simm.s32 $0x1600;
	[smem:$0x7F1] =	sst s13;
	s13 =	simm.s32 $0x17A00  }
.LBB2_1:
0x57: {  	s0 =	rddreg [dreg:$0x2]  }
0x58: {  	[tilespmem:s2], [sflag:$0x5] =	stream.linear.gather [hbm4b:s0+s2], $0x1A00, $0x38;
	[tilespmem:$0x1BA00] =	vst v63  }
0x59: {  	_ =	swait.ge [sflag:s5], $0x1A00  }
0x5a: {  	s11 =	rddreg [dreg:$0x5]  }
0x5b: {  	[sflag:s5] =	ssyncset.done $0x0;
	s0 =	rddreg [dreg:$0x6]  }
0x5c: {  	s9 =	rddreg [dreg:$0x7];
	[sflag:s5] =	ssyncadd.s32 $0xFFFFE600  }
0x5d: {  	[tilespmem:s7], [sflag:$0x1] =	stream.indirect.gather [hbm4b:s3+s6], $0x10, s2, s6, $0xb8;
	[tilespmem:$0x1BA00] =	vst v63  }
0x5e: {  	s10 =	rddreg [dreg:$0x8]  }
0x5f: {  	[tilespmem:s11], [sflag:$0x1] =	stream.indirect.gather [hbm4b:s3+s6], $0x10, s6, s6, $0xb8;
	[tilespmem:$0x1BA00] =	vst v63  }
0x60: {  	s11 =	rddreg [dreg:$0x9]  }
0x61: {  	[tilespmem:s9], [sflag:$0x1] =	stream.indirect.gather [hbm4b:s3+s6], $0x10, s0, s6, $0xb8;
	[tilespmem:$0x1BA00] =	vst v63  }
0x62: {  	s0 =	rddreg [dreg:$0xa]  }
0x63: {  	s9 =	rddreg [dreg:$0xb]  }
0x64: {  	[tilespmem:s11], [sflag:$0x1] =	stream.indirect.gather [hbm4b:s3+s6], $0x10, s10, s6, $0xb8;
	[tilespmem:$0x1BA00] =	vst v63  }
0x65: {  	s10 =	rddreg [dreg:$0xc]  }
0x66: {  	s11 =	rddreg [dreg:$0xd]  }
0x67: {  	[tilespmem:s9], [sflag:$0x1] =	stream.indirect.gather [hbm4b:s3+s6], $0x10, s0, s6, $0xb8;
	[tilespmem:$0x1BA00] =	vst v63  }
0x68: {  	s0 =	rddreg [dreg:$0xe]  }
0x69: {  	s9 =	rddreg [dreg:$0xf]  }
0x6a: {  	[tilespmem:s11], [sflag:$0x1] =	stream.indirect.gather [hbm4b:s3+s6], $0x10, s10, s6, $0xb8;
	[tilespmem:$0x1BA00] =	vst v63  }
0x6b: {  	s10 =	rddreg [dreg:$0x10]  }
0x6c: {  	s11 =	rddreg [dreg:$0x11]  }
0x6d: {  	[tilespmem:s9], [sflag:$0x1] =	stream.indirect.gather [hbm4b:s3+s6], $0x10, s0, s6, $0xb8;
	[tilespmem:$0x1BA00] =	vst v63  }
0x6e: {  	s0 =	rddreg [dreg:$0x12]  }
0x6f: {  	s9 =	rddreg [dreg:$0x13]  }
0x70: {  	[tilespmem:s11], [sflag:$0x1] =	stream.indirect.gather [hbm4b:s3+s6], $0x10, s10, s6, $0xb8;
	[tilespmem:$0x1BA00] =	vst v63  }
0x71: {  	s10 =	rddreg [dreg:$0x14]  }
0x72: {  	s11 =	rddreg [dreg:$0x15]  }
0x73: {  	[tilespmem:s9], [sflag:$0x1] =	stream.indirect.gather [hbm4b:s3+s6], $0x10, s0, s6, $0xb8;
	[tilespmem:$0x1BA00] =	vst v63  }
0x74: {  	s0 =	rddreg [dreg:$0x16]  }
0x75: {  	s9 =	rddreg [dreg:$0x17]  }
0x76: {  	[tilespmem:s11], [sflag:$0x1] =	stream.indirect.gather [hbm4b:s3+s6], $0x10, s10, s6, $0xb8;
	[tilespmem:$0x1BA00] =	vst v63  }
0x77: {  	s10 =	rddreg [dreg:$0x18]  }
0x78: {  	s11 =	rddreg [dreg:$0x19]  }
0x79: {  	[tilespmem:s9], [sflag:$0x1] =	stream.indirect.gather [hbm4b:s3+s6], $0x10, s0, s6, $0xb8;
	[tilespmem:$0x1BA00] =	vst v63  }
0x7a: {  	s0 =	rddreg [dreg:$0x1a]  }
0x7b: {  	s9 =	rddreg [dreg:$0x1b]  }
0x7c: {  	[tilespmem:s11], [sflag:$0x1] =	stream.indirect.gather [hbm4b:s3+s6], $0x10, s10, s6, $0xb8;
	[tilespmem:$0x1BA00] =	vst v63  }
0x7d: {  	s10 =	rddreg [dreg:$0x1c]  }
0x7e: {  	s11 =	rddreg [dreg:$0x1d]  }
0x7f: {  	[tilespmem:s9], [sflag:$0x1] =	stream.indirect.gather [hbm4b:s3+s6], $0x10, s0, s6, $0xb8;
	[tilespmem:$0x1BA00] =	vst v63  }
0x80: {  	s0 =	rddreg [dreg:$0x1e]  }
0x81: {  	s9 =	rddreg [dreg:$0x1f]  }
0x82: {  	[tilespmem:s11], [sflag:$0x1] =	stream.indirect.gather [hbm4b:s3+s6], $0x10, s10, s6, $0xb8;
	[tilespmem:$0x1BA00] =	vst v63  }
0x83: {  	s10 =	sld [smem:$0x7C8]  }
0x84: {  	s11 =	sld [smem:$0x7C9]  }
0x85: {  	[tilespmem:s9], [sflag:$0x1] =	stream.indirect.gather [hbm4b:s3+s6], $0x10, s0, s6, $0xb8;
	[tilespmem:$0x1BA00] =	vst v63  }
0x86: {  	s0 =	sld [smem:$0x7CA]  }
0x87: {  	s9 =	sld [smem:$0x7CB]  }
0x88: {  	[tilespmem:s11], [sflag:$0x1] =	stream.indirect.gather [hbm4b:s3+s6], $0x10, s10, s6, $0xb8;
	[tilespmem:$0x1BA00] =	vst v63  }
0x89: {  	s10 =	sld [smem:$0x7CC]  }
0x8a: {  	s11 =	sld [smem:$0x7CD]  }
0x8b: {  	[tilespmem:s9], [sflag:$0x1] =	stream.indirect.gather [hbm4b:s3+s6], $0x10, s0, s6, $0xb8;
	[tilespmem:$0x1BA00] =	vst v63  }
0x8c: {  	s0 =	sld [smem:$0x7CE]  }
0x8d: {  	s9 =	sld [smem:$0x7CF]  }
0x8e: {  	[tilespmem:s11], [sflag:$0x1] =	stream.indirect.gather [hbm4b:s3+s6], $0x10, s10, s6, $0xb8;
	[tilespmem:$0x1BA00] =	vst v63  }
0x8f: {  	s10 =	sld [smem:$0x7D0]  }
0x90: {  	s11 =	sld [smem:$0x7D1]  }
0x91: {  	[tilespmem:s9], [sflag:$0x1] =	stream.indirect.gather [hbm4b:s3+s6], $0x10, s0, s6, $0xb8;
	[tilespmem:$0x1BA00] =	vst v63  }
0x92: {  	s0 =	sld [smem:$0x7D2]  }
0x93: {  	s9 =	sld [smem:$0x7D3]  }
0x94: {  	[tilespmem:s11], [sflag:$0x1] =	stream.indirect.gather [hbm4b:s3+s6], $0x10, s10, s6, $0xb8;
	[tilespmem:$0x1BA00] =	vst v63  }
0x95: {  	s10 =	sld [smem:$0x7D4]  }
0x96: {  	s11 =	sld [smem:$0x7D5]  }
0x97: {  	[tilespmem:s9], [sflag:$0x1] =	stream.indirect.gather [hbm4b:s3+s6], $0x10, s0, s6, $0xb8;
	[tilespmem:$0x1BA00] =	vst v63  }
0x98: {  	s0 =	sld [smem:$0x7D6]  }
0x99: {  	s9 =	sld [smem:$0x7D7]  }
0x9a: {  	[tilespmem:s11], [sflag:$0x1] =	stream.indirect.gather [hbm4b:s3+s6], $0x10, s10, s6, $0xb8;
	[tilespmem:$0x1BA00] =	vst v63  }
0x9b: {  	s10 =	sld [smem:$0x7D8]  }
0x9c: {  	s11 =	sld [smem:$0x7D9]  }
0x9d: {  	[tilespmem:s9], [sflag:$0x1] =	stream.indirect.gather [hbm4b:s3+s6], $0x10, s0, s6, $0xb8;
	[tilespmem:$0x1BA00] =	vst v63  }
0x9e: {  	s0 =	sld [smem:$0x7DA]  }
0x9f: {  	s9 =	sld [smem:$0x7DB]  }
0xa0: {  	[tilespmem:s11], [sflag:$0x1] =	stream.indirect.gather [hbm4b:s3+s6], $0x10, s10, s6, $0xb8;
	[tilespmem:$0x1BA00] =	vst v63  }
0xa1: {  	s10 =	sld [smem:$0x7DC]  }
0xa2: {  	s11 =	sld [smem:$0x7DD]  }
0xa3: {  	[tilespmem:s9], [sflag:$0x1] =	stream.indirect.gather [hbm4b:s3+s6], $0x10, s0, s6, $0xb8;
	[tilespmem:$0x1BA00] =	vst v63  }
0xa4: {  	s9 =	sld [smem:$0x7DE]  }
0xa5: {  	s0 =	sld [smem:$0x7E1]  }
0xa6: {  	[tilespmem:s11], [sflag:$0x1] =	stream.indirect.gather [hbm4b:s3+s6], $0x10, s10, s6, $0xb8;
	[tilespmem:$0x1BA00] =	vst v63  }
0xa7: {  	s10 =	sld [smem:$0x7DF]  }
0xa8: {  	s11 =	sld [smem:$0x7E0]  }
0xa9: {  	[tilespmem:s8], [sflag:$0x2] =	stream.indirect.gather [hbm4b:s3+s6], $0x10, s9, s6, $0xb8;
	[tilespmem:$0x1BA00] =	vst v63  }
0xaa: {  	s9 =	sld [smem:$0x7E2]  }
0xab: {  	[tilespmem:s11], [sflag:$0x2] =	stream.indirect.gather [hbm4b:s3+s6], $0x10, s10, s6, $0xb8;
	[tilespmem:$0x1BA00] =	vst v63  }
0xac: {  	s10 =	sld [smem:$0x7E3]  }
0xad: {  	s11 =	sld [smem:$0x7E4]  }
0xae: {  	[tilespmem:s9], [sflag:$0x2] =	stream.indirect.gather [hbm4b:s3+s6], $0x10, s0, s6, $0xb8;
	[tilespmem:$0x1BA00] =	vst v63  }
0xaf: {  	s0 =	sld [smem:$0x7E5]  }
0xb0: {  	s9 =	sld [smem:$0x7E6]  }
0xb1: {  	[tilespmem:s11], [sflag:$0x2] =	stream.indirect.gather [hbm4b:s3+s6], $0x10, s10, s6, $0xb8;
	[tilespmem:$0x1BA00] =	vst v63  }
0xb2: {  	s10 =	sld [smem:$0x7E7]  }
0xb3: {  	s11 =	sld [smem:$0x7E8]  }
0xb4: {  	[tilespmem:s9], [sflag:$0x2] =	stream.indirect.gather [hbm4b:s3+s6], $0x10, s0, s6, $0xb8;
	[tilespmem:$0x1BA00] =	vst v63  }
0xb5: {  	s0 =	sld [smem:$0x7E9]  }
0xb6: {  	s9 =	sld [smem:$0x7EA]  }
0xb7: {  	[tilespmem:s11], [sflag:$0x2] =	stream.indirect.gather [hbm4b:s3+s6], $0x10, s10, s6, $0xb8;
	[tilespmem:$0x1BA00] =	vst v63  }
0xb8: {  	s10 =	sld [smem:$0x7EB]  }
0xb9: {  	s11 =	sld [smem:$0x7EC]  }
0xba: {  	[tilespmem:s9], [sflag:$0x2] =	stream.indirect.gather [hbm4b:s3+s6], $0x10, s0, s6, $0xb8;
	[tilespmem:$0x1BA00] =	vst v63  }
0xbb: {  	s0 =	sld [smem:$0x7ED]  }
0xbc: {  	s9 =	sld [smem:$0x7EE]  }
0xbd: {  	[tilespmem:s11], [sflag:$0x2] =	stream.indirect.gather [hbm4b:s3+s6], $0x10, s10, s6, $0xb8;
	[tilespmem:$0x1BA00] =	vst v63  }
0xbe: {  	s10 =	sld [smem:$0x7EF]  }
0xbf: {  	s11 =	sld [smem:$0x7F0]  }
0xc0: {  	[tilespmem:s9], [sflag:$0x2] =	stream.indirect.gather [hbm4b:s3+s6], $0x10, s0, s6, $0xb8;
	[tilespmem:$0x1BA00] =	vst v63  }
0xc1: {  	s0 =	sld [smem:$0x7F1]  }
0xc2: {  	s9 =	sld [smem:$0x7F2]  }
0xc3: {  	[tilespmem:s11], [sflag:$0x2] =	stream.indirect.gather [hbm4b:s3+s6], $0x10, s10, s6, $0xb8;
	[tilespmem:$0x1BA00] =	vst v63  }
0xc4: {  	s10 =	sld [smem:$0x7F3]  }
0xc5: {  	s11 =	sld [smem:$0x7F4]  }
0xc6: {  	[tilespmem:s9], [sflag:$0x2] =	stream.indirect.gather [hbm4b:s3+s6], $0x10, s0, s6, $0xb8;
	[tilespmem:$0x1BA00] =	vst v63  }
0xc7: {  	s0 =	sld [smem:$0x7F5]  }
0xc8: {  	s9 =	sld [smem:$0x7F6]  }
0xc9: {  	[tilespmem:s11], [sflag:$0x2] =	stream.indirect.gather [hbm4b:s3+s6], $0x10, s10, s6, $0xb8;
	[tilespmem:$0x1BA00] =	vst v63  }
0xca: {  	s10 =	sld [smem:$0x7F7]  }
0xcb: {  	s11 =	sld [smem:$0x7F8]  }
0xcc: {  	[tilespmem:s9], [sflag:$0x2] =	stream.indirect.gather [hbm4b:s3+s6], $0x10, s0, s6, $0xb8;
	[tilespmem:$0x1BA00] =	vst v63  }
0xcd: {  	s0 =	sld [smem:$0x7F9]  }
0xce: {  	s9 =	sld [smem:$0x7FA]  }
0xcf: {  	[tilespmem:s11], [sflag:$0x2] =	stream.indirect.gather [hbm4b:s3+s6], $0x10, s10, s6, $0xb8;
	[tilespmem:$0x1BA00] =	vst v63  }
0xd0: {  	s10 =	sld [smem:$0x7FB]  }
0xd1: {  	s11 =	sld [smem:$0x7FC]  }
0xd2: {  	[tilespmem:s9], [sflag:$0x2] =	stream.indirect.gather [hbm4b:s3+s6], $0x10, s0, s6, $0xb8;
	[tilespmem:$0x1BA00] =	vst v63  }
0xd3: {  	s9 =	sld [smem:$0x7FD]  }
0xd4: {  	[tilespmem:s11], [sflag:$0x2] =	stream.indirect.gather [hbm4b:s3+s6], $0x10, s10, s6, $0xb8;
	[tilespmem:$0x1BA00] =	vst v63  }
0xd5: {  	s11 =	simm.s32 $0x16A00  }
0xd6: {  	[tilespmem:s11], [sflag:$0x2] =	stream.indirect.gather [hbm4b:s3+s6], $0x10, s9, s6, $0xb8;
	[tilespmem:$0x1BA00] =	vst v63  }
0xd7: {  	s10 =	simm.s32 $0x1580;
	s11 =	simm.s32 $0x17200  }
0xd8: {  	[tilespmem:s11], [sflag:$0x2] =	stream.indirect.gather [hbm4b:s3+s6], $0x10, s10, s6, $0xb8;
	[tilespmem:$0x1BA00] =	vst v63  }
0xd9: {  	_ = 	snop  }
0xda: {  	[tilespmem:s13], [sflag:$0x2] =	stream.indirect.gather [hbm4b:s3+s6], $0x10, s12, s6, $0xb8;
	[tilespmem:$0x1BA00] =	vst v63  }
0xdb: {  	_ = 	snop  }
0xdc: {  	[tilespmem:s15], [sflag:$0x2] =	stream.indirect.gather [hbm4b:s3+s6], $0x10, s14, s6, $0xb8;
	[tilespmem:$0x1BA00] =	vst v63  }
0xdd: {  	_ = 	snop  }
0xde: {  	[tilespmem:s17], [sflag:$0x2] =	stream.indirect.gather [hbm4b:s3+s6], $0x10, s16, s6, $0xb8;
	[tilespmem:$0x1BA00] =	vst v63  }
0xdf: {  	_ = 	snop  }
0xe0: {  	[tilespmem:s19], [sflag:$0x2] =	stream.indirect.gather [hbm4b:s3+s6], $0x10, s18, s6, $0xb8;
	[tilespmem:$0x1BA00] =	vst v63  }
0xe1: {  	_ = 	snop  }
0xe2: {  	[tilespmem:s21], [sflag:$0x2] =	stream.indirect.gather [hbm4b:s3+s6], $0x10, s20, s6, $0xb8;
	[tilespmem:$0x1BA00] =	vst v63  }
0xe3: {  	_ = 	snop  }
0xe4: {  	[tilespmem:s23], [sflag:$0x2] =	stream.indirect.gather [hbm4b:s3+s6], $0x10, s22, s6, $0xb8;
	[tilespmem:$0x1BA00] =	vst v63  }
0xe5: {  	_ = 	snop  }
0xe6: {  	[tilespmem:s25], [sflag:$0x2] =	stream.indirect.gather [hbm4b:s3+s6], $0x10, s24, s6, $0xb8;
	[tilespmem:$0x1BA00] =	vst v63  }
0xe7: {  	_ = 	snop  }
0xe8: {  	[tilespmem:s28], [sflag:$0x2] =	stream.indirect.gather [hbm4b:s3+s6], $0x10, s26, s6, $0xb8;
	[tilespmem:$0x1BA00] =	vst v63  }
0xe9: {  	_ =	swait.ge [sflag:s29], $0xD000  }
0xea: {  	[sflag:s29] =	ssyncset.done $0x0  }
0xeb: {  	s10 =	rddreg [dreg:$0x3];
	[sflag:s29] =	ssyncadd.s32 $0xFFFF3000  }
0xec: {  	[hbm4b:s10+s2] =	stream.linear.scatter [tilespmem:s7], [sflag:$0x3], $0xD000, $0x38;
	[tilespmem:$0x1BA00] =	vst v63  }
0xed: {  	_ =	swait.ge [sflag:s30], $0xD000  }
0xee: {  	[sflag:s30] =	ssyncset.done $0x0  }
0xef: {  	s11 =	rddreg [dreg:$0x4];
	[sflag:s30] =	ssyncadd.s32 $0xFFFF3000  }
0xf0: {  	[hbm4b:s11+s2] =	stream.linear.scatter [tilespmem:s8], [sflag:$0x4], $0xD000, $0x38;
	[tilespmem:$0x1BA00] =	vst v63  }
0xf1: {  	p0 =	sne.s32 s4, $0x1;
	_ =	swait.ge [sflag:s31], $0xD000  }
.Ltmp0:
0xf2: {  	[sflag:s31] =	ssyncset.done $0x0;
	(pc) =	sbr.rel @p0 .LBB2_1-.Ltmp0, $4  }
0xf3: {  	[sflag:s31] =	ssyncadd.s32 $0xFFFF3000  }
0xf4: {  	_ =	swait.ge [sflag:s1], $0xD000  }
0xf5: {  	[sflag:s1] =	ssyncset.done $0x0  }
0xf6: {  	s4 =	sadd.s32 $0xFFFFFFFF, s4;
	[sflag:s1] =	ssyncadd.s32 $0xFFFF3000  }
0xf7: {  	_ =	sfence.sel $0x180000  }
0xf8: {  	[bflag:$0x0] =	sbarrier.arrive $0xFFFF  }
0xf9: {  	_ =	strace $0x90000047  }
0xfa: {  	s0 =	stileid.u32;
	[bflag:$0x2] =	sbarrier.arrive $0xFFFF  }
0xfb: {  	p0 =	sne.s32 s0, $0x0;
	s0 =	rddreg [dreg:$0x1]  }
0xfc: {  	s0 =	sadd.s32 @!p0 $0x100000, s0  }
0xfd: {  	[sflag:s0] =	ssyncadd.tile.s32 @!p0 $0x1;
	_ =	shalt  }
.Lfunc_end2:
_tile_overlayer_lowered:
.L_overlay_start_2:
0xfe: {  	(tag) =	ssettag $0x2  }
0xff: {  	s0 =	rddreg [dreg:$0x0];
	s2 =	stileid.u32  }
0x100: {  	s1 =	rddreg [dreg:$0x1];
	p0 =	sne.s32 s2, $0x0  }
0x101: {  	s3 =	rddreg [dreg:$0x2];
	[bflag:$0x3] =	sbarrier.arrive $0xFFFF;
	s2 =	simm.s32 @!p0 $0x1C05  }
0x102: {  	[timem:s3], [sflag:s2] =	dma.local @!p0 [hbm:s0], s1  }
0x103: {  	s0 =	simm.s32 @!p0 $0x5  }
0x104: {  	_ =	swait.ge @!p0 [sflag:s0], s1  }
0x105: {  	s1 =	ssub.s32 @!p0 $0x0, s1;
	[sflag:s0] =	ssyncset.done @!p0 $0x0  }
0x106: {  	[sflag:s0] =	ssyncadd.s32 @!p0 s1  }
0x107: {  	[bflag:$0x3] =	sbarrier.arrive $0xFFFF  }
0x108: {  	_ =	shalt  }

</sc_bundles>
